<compile_context>
chip_gen: v7x
topology: tpu7x:2x2x1
jax: 0.10.2.dev20260603
libtpu: 0.0.44.dev20260713+nightly
codegen_flags: <defaults>
</compile_context>

<pallas_src>
import functools

import jax
import jax.numpy as jnp
from jax import lax
from jax.experimental import pallas as pl
from jax.experimental.pallas import tpu as pltpu
from jax.experimental.pallas import tpu_sc as plsc

_K = 512
_NC = 2
_NS = 16
_CG = 16
_CHUNK = 1024
_SCCHUNK = 512



def _thresh_body(x_ref, v_ref, key_ref):
    li = pl.program_id(1)
    nl = pl.num_programs(1)
    xb = x_ref[...]
    xw = jnp.concatenate([xb[0], xb[1]], axis=-1)
    u = lax.bitcast_convert_type(xw, jnp.uint32)
    top = jnp.uint32(0x80000000)
    keyu = jnp.where(u >= top, ~u, u + top)
    lpart = xw.shape[0]
    key_ref[pl.ds(li * lpart, lpart), :] = lax.bitcast_convert_type(
        keyu ^ top, jnp.int32)

    @pl.when(li == nl - 1)
    def _():
        l, c2 = key_ref.shape
        nch = l // _CHUNK
        lo = jnp.zeros((1, c2), jnp.uint32)
        ones = jnp.ones((1, _CHUNK), jnp.float32)
        for bit in range(31, -1, -1):
            t = lo | jnp.uint32(1 << bit)
            ts = lax.bitcast_convert_type(t ^ top, jnp.int32)

            def count_chunk(i, acc):
                blk = key_ref[pl.ds(i * _CHUNK, _CHUNK), :]
                gef = jnp.where(blk >= ts, 1.0, 0.0)
                return acc + lax.dot_general(
                    ones, gef, (((1,), (0,)), ((), ())),
                    preferred_element_type=jnp.float32)
            cnt = lax.fori_loop(0, nch, count_chunk,
                                jnp.zeros((1, c2), jnp.float32))
            lo = jnp.where(cnt >= float(_K), t, lo)

        u2 = jnp.where(lo >= top, lo - top, ~lo)
        v = lax.bitcast_convert_type(u2, jnp.float32)
        c = c2 // 2
        v_ref[0] = jnp.broadcast_to(v[:, :c], (8, c))
        v_ref[1] = jnp.broadcast_to(v[:, c:], (8, c))


def _thresholds(x):
    b, l, c = x.shape
    nl = 4
    return pl.pallas_call(
        _thresh_body,
        grid=(b // 2, nl),
        in_specs=[pl.BlockSpec((2, l // nl, c), lambda i, j: (i, j, 0))],
        out_specs=pl.BlockSpec((2, 8, c), lambda i, j: (i, 0, 0)),
        out_shape=jax.ShapeDtypeStruct((b, 8, c), jnp.float32),
        scratch_shapes=[pltpu.VMEM((l, 2 * c), jnp.int32)],
        compiler_params=pltpu.CompilerParams(
            dimension_semantics=("arbitrary", "arbitrary")
        ),
    )(x)



def _compact(x, v8):
    b, l, c = x.shape
    ng = c // _CG
    mesh = plsc.VectorSubcoreMesh(core_axis_name="c", subcore_axis_name="s")

    @functools.partial(
        pl.kernel,
        mesh=mesh,
        out_type=jax.ShapeDtypeStruct((b, 1, ng * _K * _CG), jnp.float32),
        compiler_params=pltpu.CompilerParams(needs_layout_passes=False),
        scratch_types=[
            pltpu.VMEM((_SCCHUNK, c), jnp.float32),
            pltpu.VMEM((ng * _K * _CG,), jnp.float32),
            pltpu.VMEM((8, c), jnp.float32),
        ],
    )
    def sc_kernel(x_hbm, v_hbm, out_hbm, xbuf, cand, vbuf):
        bi = lax.axis_index("s") * _NC + lax.axis_index("c")
        lanes = lax.iota(jnp.int32, _CG)
        pltpu.sync_copy(v_hbm.at[bi], vbuf)
        vvs = [vbuf[0, pl.ds(g * _CG, _CG)] for g in range(ng)]
        offs = [lanes + jnp.int32(g * _K * _CG) for g in range(ng)]

        def init_row(s, _):
            for g in range(ng):
                cand[pl.ds((g * _K + s) * _CG, _CG)] = vvs[g]
            return 0
        lax.fori_loop(0, _K, init_row, 0)

        def chunk_body(ci, cnts):
            pltpu.sync_copy(x_hbm.at[bi, pl.ds(ci * _SCCHUNK, _SCCHUNK)], xbuf)

            def row(i, cnts):
                new = []
                for g in range(ng):
                    xv = xbuf[i, pl.ds(g * _CG, _CG)]
                    m = xv > vvs[g]
                    idx = cnts[g] * _CG + offs[g]
                    plsc.store_scatter(cand, [idx], xv, mask=m)
                    new.append(cnts[g] + jnp.where(m, 1, 0))
                return tuple(new)
            return lax.fori_loop(0, _SCCHUNK, row, cnts)

        zero = jnp.zeros((_CG,), jnp.int32)
        lax.fori_loop(0, l // _SCCHUNK, chunk_body, (zero,) * ng)
        pltpu.sync_copy(cand, out_hbm.at[bi, 0])

    return sc_kernel(x, v8)



def _stage(x, j, k, desc):
    n, _ = x.shape
    i = lax.broadcasted_iota(jnp.int32, (n, 1), 0)
    bitj = (i & j) != 0
    up = pltpu.roll(x, n - j, 0)
    dn = pltpu.roll(x, j, 0)
    partner = jnp.where(bitj, dn, up)
    mx = jnp.maximum(x, partner)
    mn = jnp.minimum(x, partner)
    keepmax = bitj != ((i & k) != 0)
    if desc:
        keepmax = jnp.logical_not(keepmax)
    return jnp.where(keepmax, mx, mn)


def _sort_desc(x):
    n = x.shape[0]
    k = 2
    while k <= n:
        j = k // 2
        while j >= 1:
            x = _stage(x, j, k, True)
            j //= 2
        k *= 2
    return x


def _sort_body(c_ref, o_ref):
    xb = c_ref[...]
    s = jnp.concatenate([xb[0], xb[1]], axis=-1)
    s = _sort_desc(s)
    c = o_ref.shape[-1]
    o_ref[0] = s[:, :c]
    o_ref[1] = s[:, c:]


def _sort_candidates(cand):
    b, k, c = cand.shape
    return pl.pallas_call(
        _sort_body,
        grid=(b // 2,),
        in_specs=[pl.BlockSpec((2, k, c), lambda i: (i, 0, 0))],
        out_specs=pl.BlockSpec((2, k, c), lambda i: (i, 0, 0)),
        out_shape=jax.ShapeDtypeStruct((b, k, c), jnp.float32),
        compiler_params=pltpu.CompilerParams(
            dimension_semantics=("parallel",)
        ),
    )(cand)


def kernel(x):
    b, l, c = x.shape
    v8 = _thresholds(x)
    cand4 = _compact(x, v8).reshape(b, c // _CG, _K, _CG)
    cand = cand4.transpose(0, 2, 1, 3).reshape(b, _K, c)
    return _sort_candidates(cand)

# --- scband reference (transcript-rebuilt; emitter-appended) ---
"""Pipeline reference for scband-dynamic-max-pooling1-d-24575802867778 (READ-ONLY COPY).

The authoritative reference and input builder live on the scoring server;
editing this copy changes nothing except your own understanding.
"""

import jax, jax.numpy as jnp
import numpy as np

SHAPE_LENGTH = 512

def setup_inputs(seed: int = 0) -> dict:
    key = jax.random.key(seed)
    x = jax.random.normal(key, (32, 32768, 64), dtype=jnp.float32)
    return {"x": x}

def reference(x):
    # Keras: transpose [0,2,1] -> top_k over last axis (seq len) with k=shape_length -> transpose back
    xt = jnp.transpose(x, (0, 2, 1))            # [B, C, L]
    vals = jax.lax.top_k(xt, SHAPE_LENGTH)[0]   # [B, C, k] sorted descending
    out = jnp.transpose(vals, (0, 2, 1))        # [B, k, C]
    return out

if __name__ == "__main__":
    import jax
    _d = setup_inputs()
    print(jax.jit(kernel)(*tuple(_d.values())))

</pallas_src>

<mosaic_0001>
#map = affine_map<(d0, d1) -> (0, 0, 0)>
module attributes {stable_mosaic.version = 14 : i64} {
  func.func @sc_kernel(%arg0: i32, %arg1: i32, %arg2: memref<32x32768x64xf32, #tpu.memory_space<hbm>>, %arg3: memref<32x8x64xf32, #tpu.memory_space<hbm>>, %arg4: memref<32x1x32768xf32, #tpu.memory_space<hbm>>, %arg5: memref<512x64xf32, #tpu.memory_space<vmem>>, %arg6: memref<32768xf32, #tpu.memory_space<vmem>>, %arg7: memref<8x64xf32, #tpu.memory_space<vmem>>) attributes {dimension_semantics = [#tpu.dimension_semantics<core_parallel>, #tpu.dimension_semantics<subcore_parallel>], iteration_bounds = array<i64: 2, 16>, scalar_prefetch = 0 : i64, scratch_operands = 3 : i64, tpu.core_type = #tpu.core_type<sc_vector_subcore>, window_params = [{transform_indices = #map}, {transform_indices = #map}, {transform_indices = #map}]} {
    %mul3A = arith.constant 2 : i32
    %mul3A_0 = arith.muli %arg1, %mul3A : i32
    %add3A = arith.addi %mul3A_0, %arg0 : i32
    %iota3A = tpu.iota {dimensions = array<i32: 0>} : vector<16xi32>
    "tpu.region"() ({
      %run_scoped3A_41 = tpu.sem_alloc : memref<!tpu.dma_semaphore, #tpu.memory_space<semaphore_mem>>
      %dma_start3A = arith.constant 0 : i32
      %dma_start3A_42 = arith.constant 0 : i32
      %dma_start3A_43 = tpu.memref_slice %arg3[%add3A, %dma_start3A, %dma_start3A_42] : memref<32x8x64xf32, #tpu.memory_space<hbm>> -> memref<1x8x64xf32, #tpu.memory_space<hbm>>
      %dma_start3A_44 = tpu.memref_squeeze %dma_start3A_43 : memref<1x8x64xf32, #tpu.memory_space<hbm>> -> memref<8x64xf32, #tpu.memory_space<hbm>>
      %dma_start3A_45 = arith.constant 0 : i32
      %dma_start3A_46 = arith.constant 0 : i32
      %dma_start3A_47 = tpu.memref_slice %arg3[%add3A, %dma_start3A_45, %dma_start3A_46] : memref<32x8x64xf32, #tpu.memory_space<hbm>> -> memref<1x8x64xf32, #tpu.memory_space<hbm>>
      %dma_start3A_48 = tpu.memref_squeeze %dma_start3A_47 : memref<1x8x64xf32, #tpu.memory_space<hbm>> -> memref<8x64xf32, #tpu.memory_space<hbm>>
      tpu.enqueue_dma source(%dma_start3A_48 : memref<8x64xf32, #tpu.memory_space<hbm>>) target(%arg7 : memref<8x64xf32, #tpu.memory_space<vmem>>) target_semaphore(%run_scoped3A_41 : memref<!tpu.dma_semaphore, #tpu.memory_space<semaphore_mem>>)
      %dma_wait3A = arith.constant 0 : i32
      %dma_wait3A_49 = arith.constant 0 : i32
      %dma_wait3A_50 = tpu.memref_slice %arg3[%add3A, %dma_wait3A, %dma_wait3A_49] : memref<32x8x64xf32, #tpu.memory_space<hbm>> -> memref<1x8x64xf32, #tpu.memory_space<hbm>>
      %dma_wait3A_51 = tpu.memref_squeeze %dma_wait3A_50 : memref<1x8x64xf32, #tpu.memory_space<hbm>> -> memref<8x64xf32, #tpu.memory_space<hbm>>
      %dma_wait3A_52 = arith.constant 0 : i32
      %dma_wait3A_53 = arith.constant 0 : i32
      %dma_wait3A_54 = tpu.memref_slice %arg3[%add3A, %dma_wait3A_52, %dma_wait3A_53] : memref<32x8x64xf32, #tpu.memory_space<hbm>> -> memref<1x8x64xf32, #tpu.memory_space<hbm>>
      %dma_wait3A_55 = tpu.memref_squeeze %dma_wait3A_54 : memref<1x8x64xf32, #tpu.memory_space<hbm>> -> memref<8x64xf32, #tpu.memory_space<hbm>>
      tpu.wait_dma2 semaphore(%run_scoped3A_41 : memref<!tpu.dma_semaphore, #tpu.memory_space<semaphore_mem>>) src(%dma_wait3A_55 : memref<8x64xf32, #tpu.memory_space<hbm>>) dst(%arg7 : memref<8x64xf32, #tpu.memory_space<vmem>>)
      tpu.yield
    }) : () -> ()
    %get3A = arith.constant 0 : i32
    %get3A_1 = arith.index_cast %get3A : i32 to index
    %get3A_2 = arith.constant 0 : index
    %get3A_3 = tpu.vector_load %arg7[%get3A_1, %get3A_2] {strides = array<i32>} : memref<8x64xf32, #tpu.memory_space<vmem>>, vector<16xf32>,
    %get3A_4 = arith.constant 0 : i32
    %get3A_5 = arith.index_cast %get3A_4 : i32 to index
    %get3A_6 = arith.constant 16 : index
    %get3A_7 = tpu.vector_load %arg7[%get3A_5, %get3A_6] {strides = array<i32>} : memref<8x64xf32, #tpu.memory_space<vmem>>, vector<16xf32>,
    %get3A_8 = arith.constant 0 : i32
    %get3A_9 = arith.index_cast %get3A_8 : i32 to index
    %get3A_10 = arith.constant 32 : index
    %get3A_11 = tpu.vector_load %arg7[%get3A_9, %get3A_10] {strides = array<i32>} : memref<8x64xf32, #tpu.memory_space<vmem>>, vector<16xf32>,
    %get3A_12 = arith.constant 0 : i32
    %get3A_13 = arith.index_cast %get3A_12 : i32 to index
    %get3A_14 = arith.constant 48 : index
    %get3A_15 = tpu.vector_load %arg7[%get3A_13, %get3A_14] {strides = array<i32>} : memref<8x64xf32, #tpu.memory_space<vmem>>, vector<16xf32>,
    %add3A_16 = arith.constant 0 : i32
    %add3A_17 = vector.broadcast %add3A_16 : i32 to vector<16xi32>
    %add3A_18 = arith.addi %iota3A, %add3A_17 : vector<16xi32>
    %add3A_19 = arith.constant 8192 : i32
    %add3A_20 = vector.broadcast %add3A_19 : i32 to vector<16xi32>
    %add3A_21 = arith.addi %iota3A, %add3A_20 : vector<16xi32>
    %add3A_22 = arith.constant 16384 : i32
    %add3A_23 = vector.broadcast %add3A_22 : i32 to vector<16xi32>
    %add3A_24 = arith.addi %iota3A, %add3A_23 : vector<16xi32>
    %add3A_25 = arith.constant 24576 : i32
    %add3A_26 = vector.broadcast %add3A_25 : i32 to vector<16xi32>
    %add3A_27 = arith.addi %iota3A, %add3A_26 : vector<16xi32>
    %scan3A = arith.constant 0 : i32
    %scan3A_28 = arith.constant 0 : i32
    %scan3A_29 = arith.constant 512 : i32
    %scan3A_30 = arith.addi %scan3A_28, %scan3A_29 : i32
    %scan3A_31 = arith.constant 1 : i32
    %scan3A_32 = scf.for %scan3A_41 = %scan3A_28 to %scan3A_30 step %scan3A_31 iter_args(%scan3A_42 = %scan3A) -> (i32)  : i32 {
      %add3A_43 = arith.constant 0 : i32
      %add3A_44 = arith.addi %add3A_43, %scan3A_41 : i32
      %mul3A_45 = arith.constant 16 : i32
      %mul3A_46 = arith.muli %add3A_44, %mul3A_45 : i32
      %swap3A = arith.index_cast %mul3A_46 : i32 to index
      %swap3A_47 = tpu.vector_load %arg6[%swap3A] {strides = array<i32>} : memref<32768xf32, #tpu.memory_space<vmem>>, vector<16xf32>,
      tpu.vector_store %arg6[%swap3A], %get3A_3 {strides = array<i32>} : memref<32768xf32, #tpu.memory_space<vmem>>, vector<16xf32>,
      %add3A_48 = arith.constant 512 : i32
      %add3A_49 = arith.addi %add3A_48, %scan3A_41 : i32
      %mul3A_50 = arith.constant 16 : i32
      %mul3A_51 = arith.muli %add3A_49, %mul3A_50 : i32
      %swap3A_52 = arith.index_cast %mul3A_51 : i32 to index
      %swap3A_53 = tpu.vector_load %arg6[%swap3A_52] {strides = array<i32>} : memref<32768xf32, #tpu.memory_space<vmem>>, vector<16xf32>,
      tpu.vector_store %arg6[%swap3A_52], %get3A_7 {strides = array<i32>} : memref<32768xf32, #tpu.memory_space<vmem>>, vector<16xf32>,
      %add3A_54 = arith.constant 1024 : i32
      %add3A_55 = arith.addi %add3A_54, %scan3A_41 : i32
      %mul3A_56 = arith.constant 16 : i32
      %mul3A_57 = arith.muli %add3A_55, %mul3A_56 : i32
      %swap3A_58 = arith.index_cast %mul3A_57 : i32 to index
      %swap3A_59 = tpu.vector_load %arg6[%swap3A_58] {strides = array<i32>} : memref<32768xf32, #tpu.memory_space<vmem>>, vector<16xf32>,
      tpu.vector_store %arg6[%swap3A_58], %get3A_11 {strides = array<i32>} : memref<32768xf32, #tpu.memory_space<vmem>>, vector<16xf32>,
      %add3A_60 = arith.constant 1536 : i32
      %add3A_61 = arith.addi %add3A_60, %scan3A_41 : i32
      %mul3A_62 = arith.constant 16 : i32
      %mul3A_63 = arith.muli %add3A_61, %mul3A_62 : i32
      %swap3A_64 = arith.index_cast %mul3A_63 : i32 to index
      %swap3A_65 = tpu.vector_load %arg6[%swap3A_64] {strides = array<i32>} : memref<32768xf32, #tpu.memory_space<vmem>>, vector<16xf32>,
      tpu.vector_store %arg6[%swap3A_64], %get3A_15 {strides = array<i32>} : memref<32768xf32, #tpu.memory_space<vmem>>, vector<16xf32>,
      %scan3A_66 = arith.constant 0 : i32
      scf.yield %scan3A_66 : i32
    }
    %scan3A_33 = arith.constant 512 : i32
    %broadcast_in_dim3A = arith.constant 0 : i32
    %broadcast_in_dim3A_34 = vector.broadcast %broadcast_in_dim3A : i32 to vector<16xi32>
    %scan3A_35 = arith.constant 0 : i32
    %scan3A_36 = arith.constant 64 : i32
    %scan3A_37 = arith.addi %scan3A_35, %scan3A_36 : i32
    %scan3A_38 = arith.constant 1 : i32
    %scan3A_39:4 = scf.for %scan3A_41 = %scan3A_35 to %scan3A_37 step %scan3A_38 iter_args(%scan3A_42 = %broadcast_in_dim3A_34, %scan3A_43 = %broadcast_in_dim3A_34, %scan3A_44 = %broadcast_in_dim3A_34, %scan3A_45 = %broadcast_in_dim3A_34) -> (vector<16xi32>, vector<16xi32>, vector<16xi32>, vector<16xi32>)  : i32 {
      %mul3A_46 = arith.constant 512 : i32
      %mul3A_47 = arith.muli %scan3A_41, %mul3A_46 : i32
      "tpu.region"() ({
        %run_scoped3A_54 = tpu.sem_alloc : memref<!tpu.dma_semaphore, #tpu.memory_space<semaphore_mem>>
        %dma_start3A = arith.constant 0 : i32
        %dma_start3A_55 = tpu.memref_slice %arg2[%add3A, %mul3A_47, %dma_start3A] : memref<32x32768x64xf32, #tpu.memory_space<hbm>> -> memref<1x512x64xf32, #tpu.memory_space<hbm>>
        %dma_start3A_56 = tpu.memref_squeeze %dma_start3A_55 : memref<1x512x64xf32, #tpu.memory_space<hbm>> -> memref<512x64xf32, #tpu.memory_space<hbm>>
        %dma_start3A_57 = arith.constant 0 : i32
        %dma_start3A_58 = tpu.memref_slice %arg2[%add3A, %mul3A_47, %dma_start3A_57] : memref<32x32768x64xf32, #tpu.memory_space<hbm>> -> memref<1x512x64xf32, #tpu.memory_space<hbm>>
        %dma_start3A_59 = tpu.memref_squeeze %dma_start3A_58 : memref<1x512x64xf32, #tpu.memory_space<hbm>> -> memref<512x64xf32, #tpu.memory_space<hbm>>
        tpu.enqueue_dma source(%dma_start3A_59 : memref<512x64xf32, #tpu.memory_space<hbm>>) target(%arg5 : memref<512x64xf32, #tpu.memory_space<vmem>>) target_semaphore(%run_scoped3A_54 : memref<!tpu.dma_semaphore, #tpu.memory_space<semaphore_mem>>)
        %dma_wait3A = arith.constant 0 : i32
        %dma_wait3A_60 = tpu.memref_slice %arg2[%add3A, %mul3A_47, %dma_wait3A] : memref<32x32768x64xf32, #tpu.memory_space<hbm>> -> memref<1x512x64xf32, #tpu.memory_space<hbm>>
        %dma_wait3A_61 = tpu.memref_squeeze %dma_wait3A_60 : memref<1x512x64xf32, #tpu.memory_space<hbm>> -> memref<512x64xf32, #tpu.memory_space<hbm>>
        %dma_wait3A_62 = arith.constant 0 : i32
        %dma_wait3A_63 = tpu.memref_slice %arg2[%add3A, %mul3A_47, %dma_wait3A_62] : memref<32x32768x64xf32, #tpu.memory_space<hbm>> -> memref<1x512x64xf32, #tpu.memory_space<hbm>>
        %dma_wait3A_64 = tpu.memref_squeeze %dma_wait3A_63 : memref<1x512x64xf32, #tpu.memory_space<hbm>> -> memref<512x64xf32, #tpu.memory_space<hbm>>
        tpu.wait_dma2 semaphore(%run_scoped3A_54 : memref<!tpu.dma_semaphore, #tpu.memory_space<semaphore_mem>>) src(%dma_wait3A_64 : memref<512x64xf32, #tpu.memory_space<hbm>>) dst(%arg5 : memref<512x64xf32, #tpu.memory_space<vmem>>)
        tpu.yield
      }) : () -> ()
      %scan3A_48 = arith.constant 0 : i32
      %scan3A_49 = arith.constant 512 : i32
      %scan3A_50 = arith.addi %scan3A_48, %scan3A_49 : i32
      %scan3A_51 = arith.constant 1 : i32
      %scan3A_52:4 = scf.for %scan3A_54 = %scan3A_48 to %scan3A_50 step %scan3A_51 iter_args(%scan3A_55 = %scan3A_42, %scan3A_56 = %scan3A_43, %scan3A_57 = %scan3A_44, %scan3A_58 = %scan3A_45) -> (vector<16xi32>, vector<16xi32>, vector<16xi32>, vector<16xi32>)  : i32 {
        %get3A_59 = arith.index_cast %scan3A_54 : i32 to index
        %get3A_60 = arith.constant 0 : index
        %get3A_61 = tpu.vector_load %arg5[%get3A_59, %get3A_60] {strides = array<i32>} : memref<512x64xf32, #tpu.memory_space<vmem>>, vector<16xf32>,
        %gt3A = arith.cmpf ogt, %get3A_61, %get3A_3 : vector<16xf32>
        %mul3A_62 = arith.constant 16 : i32
        %mul3A_63 = vector.broadcast %mul3A_62 : i32 to vector<16xi32>
        %mul3A_64 = arith.muli %scan3A_55, %mul3A_63 : vector<16xi32>
        %add3A_65 = arith.addi %mul3A_64, %add3A_18 : vector<16xi32>
        tpu.vector_store_idx %arg6[%add3A_65], %get3A_61 masked %gt3A : memref<32768xf32, #tpu.memory_space<vmem>>[vector<16xi32>], vector<16xf32>, vector<16xi1>
        %jit3A = arith.constant 1 : i32
        %jit3A_66 = arith.constant 0 : i32
        %broadcast_in_dim3A_67 = vector.broadcast %jit3A : i32 to vector<16xi32>
        %broadcast_in_dim3A_68 = vector.broadcast %jit3A_66 : i32 to vector<16xi32>
        %select_n3A = arith.select %gt3A, %broadcast_in_dim3A_67, %broadcast_in_dim3A_68 : vector<16xi1>, vector<16xi32>
        %add3A_69 = arith.addi %scan3A_55, %select_n3A : vector<16xi32>
        %get3A_70 = arith.index_cast %scan3A_54 : i32 to index
        %get3A_71 = arith.constant 16 : index
        %get3A_72 = tpu.vector_load %arg5[%get3A_70, %get3A_71] {strides = array<i32>} : memref<512x64xf32, #tpu.memory_space<vmem>>, vector<16xf32>,
        %gt3A_73 = arith.cmpf ogt, %get3A_72, %get3A_7 : vector<16xf32>
        %mul3A_74 = arith.constant 16 : i32
        %mul3A_75 = vector.broadcast %mul3A_74 : i32 to vector<16xi32>
        %mul3A_76 = arith.muli %scan3A_56, %mul3A_75 : vector<16xi32>
        %add3A_77 = arith.addi %mul3A_76, %add3A_21 : vector<16xi32>
        tpu.vector_store_idx %arg6[%add3A_77], %get3A_72 masked %gt3A_73 : memref<32768xf32, #tpu.memory_space<vmem>>[vector<16xi32>], vector<16xf32>, vector<16xi1>
        %jit3A_78 = arith.constant 1 : i32
        %jit3A_79 = arith.constant 0 : i32
        %broadcast_in_dim3A_80 = vector.broadcast %jit3A_78 : i32 to vector<16xi32>
        %broadcast_in_dim3A_81 = vector.broadcast %jit3A_79 : i32 to vector<16xi32>
        %select_n3A_82 = arith.select %gt3A_73, %broadcast_in_dim3A_80, %broadcast_in_dim3A_81 : vector<16xi1>, vector<16xi32>
        %add3A_83 = arith.addi %scan3A_56, %select_n3A_82 : vector<16xi32>
        %get3A_84 = arith.index_cast %scan3A_54 : i32 to index
        %get3A_85 = arith.constant 32 : index
        %get3A_86 = tpu.vector_load %arg5[%get3A_84, %get3A_85] {strides = array<i32>} : memref<512x64xf32, #tpu.memory_space<vmem>>, vector<16xf32>,
        %gt3A_87 = arith.cmpf ogt, %get3A_86, %get3A_11 : vector<16xf32>
        %mul3A_88 = arith.constant 16 : i32
        %mul3A_89 = vector.broadcast %mul3A_88 : i32 to vector<16xi32>
        %mul3A_90 = arith.muli %scan3A_57, %mul3A_89 : vector<16xi32>
        %add3A_91 = arith.addi %mul3A_90, %add3A_24 : vector<16xi32>
        tpu.vector_store_idx %arg6[%add3A_91], %get3A_86 masked %gt3A_87 : memref<32768xf32, #tpu.memory_space<vmem>>[vector<16xi32>], vector<16xf32>, vector<16xi1>
        %jit3A_92 = arith.constant 1 : i32
        %jit3A_93 = arith.constant 0 : i32
        %broadcast_in_dim3A_94 = vector.broadcast %jit3A_92 : i32 to vector<16xi32>
        %broadcast_in_dim3A_95 = vector.broadcast %jit3A_93 : i32 to vector<16xi32>
        %select_n3A_96 = arith.select %gt3A_87, %broadcast_in_dim3A_94, %broadcast_in_dim3A_95 : vector<16xi1>, vector<16xi32>
        %add3A_97 = arith.addi %scan3A_57, %select_n3A_96 : vector<16xi32>
        %get3A_98 = arith.index_cast %scan3A_54 : i32 to index
        %get3A_99 = arith.constant 48 : index
        %get3A_100 = tpu.vector_load %arg5[%get3A_98, %get3A_99] {strides = array<i32>} : memref<512x64xf32, #tpu.memory_space<vmem>>, vector<16xf32>,
        %gt3A_101 = arith.cmpf ogt, %get3A_100, %get3A_15 : vector<16xf32>
        %mul3A_102 = arith.constant 16 : i32
        %mul3A_103 = vector.broadcast %mul3A_102 : i32 to vector<16xi32>
        %mul3A_104 = arith.muli %scan3A_58, %mul3A_103 : vector<16xi32>
        %add3A_105 = arith.addi %mul3A_104, %add3A_27 : vector<16xi32>
        tpu.vector_store_idx %arg6[%add3A_105], %get3A_100 masked %gt3A_101 : memref<32768xf32, #tpu.memory_space<vmem>>[vector<16xi32>], vector<16xf32>, vector<16xi1>
        %jit3A_106 = arith.constant 1 : i32
        %jit3A_107 = arith.constant 0 : i32
        %broadcast_in_dim3A_108 = vector.broadcast %jit3A_106 : i32 to vector<16xi32>
        %broadcast_in_dim3A_109 = vector.broadcast %jit3A_107 : i32 to vector<16xi32>
        %select_n3A_110 = arith.select %gt3A_101, %broadcast_in_dim3A_108, %broadcast_in_dim3A_109 : vector<16xi1>, vector<16xi32>
        %add3A_111 = arith.addi %scan3A_58, %select_n3A_110 : vector<16xi32>
        scf.yield %add3A_69, %add3A_83, %add3A_97, %add3A_111 : vector<16xi32>, vector<16xi32>, vector<16xi32>, vector<16xi32>
      }
      %scan3A_53 = arith.constant 512 : i32
      scf.yield %scan3A_52#0, %scan3A_52#1, %scan3A_52#2, %scan3A_52#3 : vector<16xi32>, vector<16xi32>, vector<16xi32>, vector<16xi32>
    }
    %scan3A_40 = arith.constant 64 : i32
    %run_scoped3A = arith.constant 0 : i32
    "tpu.region"() ({
      %run_scoped3A_41 = tpu.sem_alloc : memref<!tpu.dma_semaphore, #tpu.memory_space<semaphore_mem>>
      %dma_start3A = arith.constant 0 : i32
      %dma_start3A_42 = tpu.memref_slice %arg4[%add3A, %run_scoped3A, %dma_start3A] : memref<32x1x32768xf32, #tpu.memory_space<hbm>> -> memref<1x1x32768xf32, #tpu.memory_space<hbm>>
      %dma_start3A_43 = tpu.memref_squeeze %dma_start3A_42 : memref<1x1x32768xf32, #tpu.memory_space<hbm>> -> memref<32768xf32, #tpu.memory_space<hbm>>
      %dma_start3A_44 = arith.constant 0 : i32
      %dma_start3A_45 = tpu.memref_slice %arg4[%add3A, %run_scoped3A, %dma_start3A_44] : memref<32x1x32768xf32, #tpu.memory_space<hbm>> -> memref<1x1x32768xf32, #tpu.memory_space<hbm>>
      %dma_start3A_46 = tpu.memref_squeeze %dma_start3A_45 : memref<1x1x32768xf32, #tpu.memory_space<hbm>> -> memref<32768xf32, #tpu.memory_space<hbm>>
      tpu.enqueue_dma source(%arg6 : memref<32768xf32, #tpu.memory_space<vmem>>) target(%dma_start3A_46 : memref<32768xf32, #tpu.memory_space<hbm>>) target_semaphore(%run_scoped3A_41 : memref<!tpu.dma_semaphore, #tpu.memory_space<semaphore_mem>>)
      %dma_wait3A = arith.constant 0 : i32
      %dma_wait3A_47 = tpu.memref_slice %arg4[%add3A, %run_scoped3A, %dma_wait3A] : memref<32x1x32768xf32, #tpu.memory_space<hbm>> -> memref<1x1x32768xf32, #tpu.memory_space<hbm>>
      %dma_wait3A_48 = tpu.memref_squeeze %dma_wait3A_47 : memref<1x1x32768xf32, #tpu.memory_space<hbm>> -> memref<32768xf32, #tpu.memory_space<hbm>>
      %dma_wait3A_49 = arith.constant 0 : i32
      %dma_wait3A_50 = tpu.memref_slice %arg4[%add3A, %run_scoped3A, %dma_wait3A_49] : memref<32x1x32768xf32, #tpu.memory_space<hbm>> -> memref<1x1x32768xf32, #tpu.memory_space<hbm>>
      %dma_wait3A_51 = tpu.memref_squeeze %dma_wait3A_50 : memref<1x1x32768xf32, #tpu.memory_space<hbm>> -> memref<32768xf32, #tpu.memory_space<hbm>>
      tpu.wait_dma2 semaphore(%run_scoped3A_41 : memref<!tpu.dma_semaphore, #tpu.memory_space<semaphore_mem>>) src(%arg6 : memref<32768xf32, #tpu.memory_space<vmem>>) dst(%dma_wait3A_51 : memref<32768xf32, #tpu.memory_space<hbm>>)
      tpu.yield
    }) : () -> ()
    return
  }
}

module attributes {stable_mosaic.version = 14 : i64} {
  func.func @_thresh_body(%arg0: i32, %arg1: i32, %arg2: memref<2x8192x64xf32, #tpu.memory_space<vmem>>, %arg3: memref<2x8x64xf32, #tpu.memory_space<vmem>>, %arg4: memref<32768x128xi32, #tpu.memory_space<vmem>>) attributes {dimension_semantics = [#tpu.dimension_semantics<arbitrary>, #tpu.dimension_semantics<arbitrary>], iteration_bounds = array<i64: 16, 4>, scalar_prefetch = 0 : i64, scratch_operands = 1 : i64, tpu.core_type = #tpu.core_type<tc>, window_params = [{transform_indices = @transform_0, window_bounds = array<i64: 2, 8192, 64>}, {transform_indices = @transform_1, window_bounds = array<i64: 2, 8, 64>}]} {
    %get3A = arith.constant 0 : index
    %get3A_0 = arith.constant 0 : index
    %get3A_1 = arith.constant 0 : index
    %get3A_2 = vector.load %arg2[%get3A, %get3A_0, %get3A_1] : memref<2x8192x64xf32, #tpu.memory_space<vmem>>, vector<2x8192x64xf32>
    %slice3A = vector.extract_strided_slice %get3A_2 {offsets = [0, 0, 0], sizes = [1, 8192, 64], strides = [1, 1, 1]} : vector<2x8192x64xf32> to vector<1x8192x64xf32>
    %squeeze3A = vector.shape_cast %slice3A : vector<1x8192x64xf32> to vector<8192x64xf32>
    %slice3A_3 = vector.extract_strided_slice %get3A_2 {offsets = [1, 0, 0], sizes = [1, 8192, 64], strides = [1, 1, 1]} : vector<2x8192x64xf32> to vector<1x8192x64xf32>
    %squeeze3A_4 = vector.shape_cast %slice3A_3 : vector<1x8192x64xf32> to vector<8192x64xf32>
    %concatenate3A = tpu.concatenate %squeeze3A, %squeeze3A_4 in 1 : vector<8192x64xf32>, vector<8192x64xf32> -> vector<8192x128xf32>
    %bitcast_convert_type3A = tpu.bitcast %concatenate3A : vector<8192x128xf32> -> vector<8192x128xi32>
    %ge3A = arith.constant -2147483648 : i32
    %ge3A_5 = vector.broadcast %ge3A : i32 to vector<8192x128xi32>
    %ge3A_6 = arith.cmpi uge, %bitcast_convert_type3A, %ge3A_5 : vector<8192x128xi32>
    %not3A = arith.constant dense<-1> : vector<8192x128xi32>
    %not3A_7 = arith.xori %bitcast_convert_type3A, %not3A : vector<8192x128xi32>
    %add3A = arith.constant -2147483648 : i32
    %add3A_8 = vector.broadcast %add3A : i32 to vector<8192x128xi32>
    %add3A_9 = arith.addi %bitcast_convert_type3A, %add3A_8 : vector<8192x128xi32>
    %select_n3A = arith.select %ge3A_6, %not3A_7, %add3A_9 : vector<8192x128xi1>, vector<8192x128xi32>
    %xor3A = arith.constant -2147483648 : i32
    %xor3A_10 = vector.broadcast %xor3A : i32 to vector<8192x128xi32>
    %xor3A_11 = arith.xori %select_n3A, %xor3A_10 : vector<8192x128xi32>
    %bitcast_convert_type3A_12 = tpu.bitcast %xor3A_11 : vector<8192x128xi32> -> vector<8192x128xi32>
    %mul3A = arith.constant 8192 : i32
    %mul3A_13 = arith.muli %arg1, %mul3A : i32
    %swap3A = arith.index_cast %mul3A_13 : i32 to index
    %swap3A_14 = arith.constant 0 : index
    %swap3A_15 = vector.load %arg4[%swap3A, %swap3A_14] : memref<32768x128xi32, #tpu.memory_space<vmem>>, vector<8192x128xi32>
    tpu.vector_store %arg4[%swap3A, %swap3A_14], %bitcast_convert_type3A_12 {strides = array<i32>} : memref<32768x128xi32, #tpu.memory_space<vmem>>, vector<8192x128xi32>,
    %eq3A = arith.constant 3 : i32
    %eq3A_16 = arith.cmpi eq, %arg1, %eq3A : i32
    %convert_element_type3A = arith.extui %eq3A_16 : i1 to i32
    %cond3A = arith.constant -2147483648 : i32
    %cond3A_17 = arith.constant 0 : i32
    %cond3A_18 = arith.cmpi ne, %convert_element_type3A, %cond3A_17 : i32
    scf.if %cond3A_18 {
      %broadcast_in_dim3A = arith.constant 0 : i32
      %broadcast_in_dim3A_19 = vector.broadcast %broadcast_in_dim3A : i32 to vector<1x128xi32>
      %broadcast_in_dim3A_20 = arith.constant 1.000000e+00 : f32
      %broadcast_in_dim3A_21 = vector.broadcast %broadcast_in_dim3A_20 : f32 to vector<1x1024xf32>
      %or3A = arith.constant -2147483648 : i32
      %or3A_22 = vector.broadcast %or3A : i32 to vector<1x128xi32>
      %or3A_23 = arith.ori %broadcast_in_dim3A_19, %or3A_22 : vector<1x128xi32>
      %xor3A_24 = vector.broadcast %cond3A : i32 to vector<1x128xi32>
      %xor3A_25 = arith.xori %or3A_23, %xor3A_24 : vector<1x128xi32>
      %bitcast_convert_type3A_26 = tpu.bitcast %xor3A_25 : vector<1x128xi32> -> vector<1x128xi32>
      %broadcast_in_dim3A_27 = arith.constant 0.000000e+00 : f32
      %broadcast_in_dim3A_28 = vector.broadcast %broadcast_in_dim3A_27 : f32 to vector<1x128xf32>
      %scan3A = arith.constant 0 : i32
      %scan3A_29 = arith.constant 32 : i32
      %scan3A_30 = arith.addi %scan3A, %scan3A_29 : i32
      %scan3A_31 = arith.constant 1 : i32
      %scan3A_32 = scf.for %scan3A_621 = %scan3A to %scan3A_30 step %scan3A_31 iter_args(%scan3A_622 = %broadcast_in_dim3A_28) -> (vector<1x128xf32>)  : i32 {
        %mul3A_623 = arith.constant 1024 : i32
        %mul3A_624 = arith.muli %scan3A_621, %mul3A_623 : i32
        %get3A_625 = arith.index_cast %mul3A_624 : i32 to index
        %get3A_626 = arith.constant 0 : index
        %get3A_627 = vector.load %arg4[%get3A_625, %get3A_626] : memref<32768x128xi32, #tpu.memory_space<vmem>>, vector<1024x128xi32>
        %ge3A_628 = vector.broadcast %bitcast_convert_type3A_26 : vector<1x128xi32> to vector<1024x128xi32>
        %ge3A_629 = arith.cmpi sge, %get3A_627, %ge3A_628 : vector<1024x128xi32>
        %jit3A = arith.constant 1.000000e+00 : f32
        %jit3A_630 = arith.constant 0.000000e+00 : f32
        %broadcast_in_dim3A_631 = vector.broadcast %jit3A : f32 to vector<1024x128xf32>
        %broadcast_in_dim3A_632 = vector.broadcast %jit3A_630 : f32 to vector<1024x128xf32>
        %select_n3A_633 = arith.select %ge3A_629, %broadcast_in_dim3A_631, %broadcast_in_dim3A_632 : vector<1024x128xi1>, vector<1024x128xf32>
        %dot_general3A = arith.constant dense<0.000000e+00> : vector<1x128xf32>
        %dot_general3A_634 = tpu.matmul %broadcast_in_dim3A_21, %select_n3A_633, %dot_general3A {dimension_numbers = #tpu.dot_dimension_numbers<[1], [0], [0], [1], [0, 0, 1, 1], [], []>, transpose_lhs_hint = false} : vector<1x1024xf32>, vector<1024x128xf32>, vector<1x128xf32> -> vector<1x128xf32>
        %add3A_635 = arith.addf %scan3A_622, %dot_general3A_634 : vector<1x128xf32>
        scf.yield %add3A_635 : vector<1x128xf32>
      }
      %scan3A_33 = arith.constant 32 : i32
      %ge3A_34 = arith.constant 5.120000e+02 : f32
      %ge3A_35 = vector.broadcast %ge3A_34 : f32 to vector<1x128xf32>
      %ge3A_36 = arith.cmpf oge, %scan3A_32, %ge3A_35 : vector<1x128xf32>
      %select_n3A_37 = arith.select %ge3A_36, %or3A_23, %broadcast_in_dim3A_19 : vector<1x128xi1>, vector<1x128xi32>
      %or3A_38 = arith.constant 1073741824 : i32
      %or3A_39 = vector.broadcast %or3A_38 : i32 to vector<1x128xi32>
      %or3A_40 = arith.ori %select_n3A_37, %or3A_39 : vector<1x128xi32>
      %xor3A_41 = vector.broadcast %cond3A : i32 to vector<1x128xi32>
      %xor3A_42 = arith.xori %or3A_40, %xor3A_41 : vector<1x128xi32>
      %bitcast_convert_type3A_43 = tpu.bitcast %xor3A_42 : vector<1x128xi32> -> vector<1x128xi32>
      %broadcast_in_dim3A_44 = arith.constant 0.000000e+00 : f32
      %broadcast_in_dim3A_45 = vector.broadcast %broadcast_in_dim3A_44 : f32 to vector<1x128xf32>
      %scan3A_46 = arith.constant 0 : i32
      %scan3A_47 = arith.constant 32 : i32
      %scan3A_48 = arith.addi %scan3A_46, %scan3A_47 : i32
      %scan3A_49 = arith.constant 1 : i32
      %scan3A_50 = scf.for %scan3A_621 = %scan3A_46 to %scan3A_48 step %scan3A_49 iter_args(%scan3A_622 = %broadcast_in_dim3A_45) -> (vector<1x128xf32>)  : i32 {
        %mul3A_623 = arith.constant 1024 : i32
        %mul3A_624 = arith.muli %scan3A_621, %mul3A_623 : i32
        %get3A_625 = arith.index_cast %mul3A_624 : i32 to index
        %get3A_626 = arith.constant 0 : index
        %get3A_627 = vector.load %arg4[%get3A_625, %get3A_626] : memref<32768x128xi32, #tpu.memory_space<vmem>>, vector<1024x128xi32>
        %ge3A_628 = vector.broadcast %bitcast_convert_type3A_43 : vector<1x128xi32> to vector<1024x128xi32>
        %ge3A_629 = arith.cmpi sge, %get3A_627, %ge3A_628 : vector<1024x128xi32>
        %jit3A = arith.constant 1.000000e+00 : f32
        %jit3A_630 = arith.constant 0.000000e+00 : f32
        %broadcast_in_dim3A_631 = vector.broadcast %jit3A : f32 to vector<1024x128xf32>
        %broadcast_in_dim3A_632 = vector.broadcast %jit3A_630 : f32 to vector<1024x128xf32>
        %select_n3A_633 = arith.select %ge3A_629, %broadcast_in_dim3A_631, %broadcast_in_dim3A_632 : vector<1024x128xi1>, vector<1024x128xf32>
        %dot_general3A = arith.constant dense<0.000000e+00> : vector<1x128xf32>
        %dot_general3A_634 = tpu.matmul %broadcast_in_dim3A_21, %select_n3A_633, %dot_general3A {dimension_numbers = #tpu.dot_dimension_numbers<[1], [0], [0], [1], [0, 0, 1, 1], [], []>, transpose_lhs_hint = false} : vector<1x1024xf32>, vector<1024x128xf32>, vector<1x128xf32> -> vector<1x128xf32>
        %add3A_635 = arith.addf %scan3A_622, %dot_general3A_634 : vector<1x128xf32>
        scf.yield %add3A_635 : vector<1x128xf32>
      }
      %scan3A_51 = arith.constant 32 : i32
      %ge3A_52 = arith.constant 5.120000e+02 : f32
      %ge3A_53 = vector.broadcast %ge3A_52 : f32 to vector<1x128xf32>
      %ge3A_54 = arith.cmpf oge, %scan3A_50, %ge3A_53 : vector<1x128xf32>
      %select_n3A_55 = arith.select %ge3A_54, %or3A_40, %select_n3A_37 : vector<1x128xi1>, vector<1x128xi32>
      %or3A_56 = arith.constant 536870912 : i32
      %or3A_57 = vector.broadcast %or3A_56 : i32 to vector<1x128xi32>
      %or3A_58 = arith.ori %select_n3A_55, %or3A_57 : vector<1x128xi32>
      %xor3A_59 = vector.broadcast %cond3A : i32 to vector<1x128xi32>
      %xor3A_60 = arith.xori %or3A_58, %xor3A_59 : vector<1x128xi32>
      %bitcast_convert_type3A_61 = tpu.bitcast %xor3A_60 : vector<1x128xi32> -> vector<1x128xi32>
      %broadcast_in_dim3A_62 = arith.constant 0.000000e+00 : f32
      %broadcast_in_dim3A_63 = vector.broadcast %broadcast_in_dim3A_62 : f32 to vector<1x128xf32>
      %scan3A_64 = arith.constant 0 : i32
      %scan3A_65 = arith.constant 32 : i32
      %scan3A_66 = arith.addi %scan3A_64, %scan3A_65 : i32
      %scan3A_67 = arith.constant 1 : i32
      %scan3A_68 = scf.for %scan3A_621 = %scan3A_64 to %scan3A_66 step %scan3A_67 iter_args(%scan3A_622 = %broadcast_in_dim3A_63) -> (vector<1x128xf32>)  : i32 {
        %mul3A_623 = arith.constant 1024 : i32
        %mul3A_624 = arith.muli %scan3A_621, %mul3A_623 : i32
        %get3A_625 = arith.index_cast %mul3A_624 : i32 to index
        %get3A_626 = arith.constant 0 : index
        %get3A_627 = vector.load %arg4[%get3A_625, %get3A_626] : memref<32768x128xi32, #tpu.memory_space<vmem>>, vector<1024x128xi32>
        %ge3A_628 = vector.broadcast %bitcast_convert_type3A_61 : vector<1x128xi32> to vector<1024x128xi32>
        %ge3A_629 = arith.cmpi sge, %get3A_627, %ge3A_628 : vector<1024x128xi32>
        %jit3A = arith.constant 1.000000e+00 : f32
        %jit3A_630 = arith.constant 0.000000e+00 : f32
        %broadcast_in_dim3A_631 = vector.broadcast %jit3A : f32 to vector<1024x128xf32>
        %broadcast_in_dim3A_632 = vector.broadcast %jit3A_630 : f32 to vector<1024x128xf32>
        %select_n3A_633 = arith.select %ge3A_629, %broadcast_in_dim3A_631, %broadcast_in_dim3A_632 : vector<1024x128xi1>, vector<1024x128xf32>
        %dot_general3A = arith.constant dense<0.000000e+00> : vector<1x128xf32>
        %dot_general3A_634 = tpu.matmul %broadcast_in_dim3A_21, %select_n3A_633, %dot_general3A {dimension_numbers = #tpu.dot_dimension_numbers<[1], [0], [0], [1], [0, 0, 1, 1], [], []>, transpose_lhs_hint = false} : vector<1x1024xf32>, vector<1024x128xf32>, vector<1x128xf32> -> vector<1x128xf32>
        %add3A_635 = arith.addf %scan3A_622, %dot_general3A_634 : vector<1x128xf32>
        scf.yield %add3A_635 : vector<1x128xf32>
      }
      %scan3A_69 = arith.constant 32 : i32
      %ge3A_70 = arith.constant 5.120000e+02 : f32
      %ge3A_71 = vector.broadcast %ge3A_70 : f32 to vector<1x128xf32>
      %ge3A_72 = arith.cmpf oge, %scan3A_68, %ge3A_71 : vector<1x128xf32>
      %select_n3A_73 = arith.select %ge3A_72, %or3A_58, %select_n3A_55 : vector<1x128xi1>, vector<1x128xi32>
      %or3A_74 = arith.constant 268435456 : i32
      %or3A_75 = vector.broadcast %or3A_74 : i32 to vector<1x128xi32>
      %or3A_76 = arith.ori %select_n3A_73, %or3A_75 : vector<1x128xi32>
      %xor3A_77 = vector.broadcast %cond3A : i32 to vector<1x128xi32>
      %xor3A_78 = arith.xori %or3A_76, %xor3A_77 : vector<1x128xi32>
      %bitcast_convert_type3A_79 = tpu.bitcast %xor3A_78 : vector<1x128xi32> -> vector<1x128xi32>
      %broadcast_in_dim3A_80 = arith.constant 0.000000e+00 : f32
      %broadcast_in_dim3A_81 = vector.broadcast %broadcast_in_dim3A_80 : f32 to vector<1x128xf32>
      %scan3A_82 = arith.constant 0 : i32
      %scan3A_83 = arith.constant 32 : i32
      %scan3A_84 = arith.addi %scan3A_82, %scan3A_83 : i32
      %scan3A_85 = arith.constant 1 : i32
      %scan3A_86 = scf.for %scan3A_621 = %scan3A_82 to %scan3A_84 step %scan3A_85 iter_args(%scan3A_622 = %broadcast_in_dim3A_81) -> (vector<1x128xf32>)  : i32 {
        %mul3A_623 = arith.constant 1024 : i32
        %mul3A_624 = arith.muli %scan3A_621, %mul3A_623 : i32
        %get3A_625 = arith.index_cast %mul3A_624 : i32 to index
        %get3A_626 = arith.constant 0 : index
        %get3A_627 = vector.load %arg4[%get3A_625, %get3A_626] : memref<32768x128xi32, #tpu.memory_space<vmem>>, vector<1024x128xi32>
        %ge3A_628 = vector.broadcast %bitcast_convert_type3A_79 : vector<1x128xi32> to vector<1024x128xi32>
        %ge3A_629 = arith.cmpi sge, %get3A_627, %ge3A_628 : vector<1024x128xi32>
        %jit3A = arith.constant 1.000000e+00 : f32
        %jit3A_630 = arith.constant 0.000000e+00 : f32
        %broadcast_in_dim3A_631 = vector.broadcast %jit3A : f32 to vector<1024x128xf32>
        %broadcast_in_dim3A_632 = vector.broadcast %jit3A_630 : f32 to vector<1024x128xf32>
        %select_n3A_633 = arith.select %ge3A_629, %broadcast_in_dim3A_631, %broadcast_in_dim3A_632 : vector<1024x128xi1>, vector<1024x128xf32>
        %dot_general3A = arith.constant dense<0.000000e+00> : vector<1x128xf32>
        %dot_general3A_634 = tpu.matmul %broadcast_in_dim3A_21, %select_n3A_633, %dot_general3A {dimension_numbers = #tpu.dot_dimension_numbers<[1], [0], [0], [1], [0, 0, 1, 1], [], []>, transpose_lhs_hint = false} : vector<1x1024xf32>, vector<1024x128xf32>, vector<1x128xf32> -> vector<1x128xf32>
        %add3A_635 = arith.addf %scan3A_622, %dot_general3A_634 : vector<1x128xf32>
        scf.yield %add3A_635 : vector<1x128xf32>
      }
      %scan3A_87 = arith.constant 32 : i32
      %ge3A_88 = arith.constant 5.120000e+02 : f32
      %ge3A_89 = vector.broadcast %ge3A_88 : f32 to vector<1x128xf32>
      %ge3A_90 = arith.cmpf oge, %scan3A_86, %ge3A_89 : vector<1x128xf32>
      %select_n3A_91 = arith.select %ge3A_90, %or3A_76, %select_n3A_73 : vector<1x128xi1>, vector<1x128xi32>
      %or3A_92 = arith.constant 134217728 : i32
      %or3A_93 = vector.broadcast %or3A_92 : i32 to vector<1x128xi32>
      %or3A_94 = arith.ori %select_n3A_91, %or3A_93 : vector<1x128xi32>
      %xor3A_95 = vector.broadcast %cond3A : i32 to vector<1x128xi32>
      %xor3A_96 = arith.xori %or3A_94, %xor3A_95 : vector<1x128xi32>
      %bitcast_convert_type3A_97 = tpu.bitcast %xor3A_96 : vector<1x128xi32> -> vector<1x128xi32>
      %broadcast_in_dim3A_98 = arith.constant 0.000000e+00 : f32
      %broadcast_in_dim3A_99 = vector.broadcast %broadcast_in_dim3A_98 : f32 to vector<1x128xf32>
      %scan3A_100 = arith.constant 0 : i32
      %scan3A_101 = arith.constant 32 : i32
      %scan3A_102 = arith.addi %scan3A_100, %scan3A_101 : i32
      %scan3A_103 = arith.constant 1 : i32
      %scan3A_104 = scf.for %scan3A_621 = %scan3A_100 to %scan3A_102 step %scan3A_103 iter_args(%scan3A_622 = %broadcast_in_dim3A_99) -> (vector<1x128xf32>)  : i32 {
        %mul3A_623 = arith.constant 1024 : i32
        %mul3A_624 = arith.muli %scan3A_621, %mul3A_623 : i32
        %get3A_625 = arith.index_cast %mul3A_624 : i32 to index
        %get3A_626 = arith.constant 0 : index
        %get3A_627 = vector.load %arg4[%get3A_625, %get3A_626] : memref<32768x128xi32, #tpu.memory_space<vmem>>, vector<1024x128xi32>
        %ge3A_628 = vector.broadcast %bitcast_convert_type3A_97 : vector<1x128xi32> to vector<1024x128xi32>
        %ge3A_629 = arith.cmpi sge, %get3A_627, %ge3A_628 : vector<1024x128xi32>
        %jit3A = arith.constant 1.000000e+00 : f32
        %jit3A_630 = arith.constant 0.000000e+00 : f32
        %broadcast_in_dim3A_631 = vector.broadcast %jit3A : f32 to vector<1024x128xf32>
        %broadcast_in_dim3A_632 = vector.broadcast %jit3A_630 : f32 to vector<1024x128xf32>
        %select_n3A_633 = arith.select %ge3A_629, %broadcast_in_dim3A_631, %broadcast_in_dim3A_632 : vector<1024x128xi1>, vector<1024x128xf32>
        %dot_general3A = arith.constant dense<0.000000e+00> : vector<1x128xf32>
        %dot_general3A_634 = tpu.matmul %broadcast_in_dim3A_21, %select_n3A_633, %dot_general3A {dimension_numbers = #tpu.dot_dimension_numbers<[1], [0], [0], [1], [0, 0, 1, 1], [], []>, transpose_lhs_hint = false} : vector<1x1024xf32>, vector<1024x128xf32>, vector<1x128xf32> -> vector<1x128xf32>
        %add3A_635 = arith.addf %scan3A_622, %dot_general3A_634 : vector<1x128xf32>
        scf.yield %add3A_635 : vector<1x128xf32>
      }
      %scan3A_105 = arith.constant 32 : i32
      %ge3A_106 = arith.constant 5.120000e+02 : f32
      %ge3A_107 = vector.broadcast %ge3A_106 : f32 to vector<1x128xf32>
      %ge3A_108 = arith.cmpf oge, %scan3A_104, %ge3A_107 : vector<1x128xf32>
      %select_n3A_109 = arith.select %ge3A_108, %or3A_94, %select_n3A_91 : vector<1x128xi1>, vector<1x128xi32>
      %or3A_110 = arith.constant 67108864 : i32
      %or3A_111 = vector.broadcast %or3A_110 : i32 to vector<1x128xi32>
      %or3A_112 = arith.ori %select_n3A_109, %or3A_111 : vector<1x128xi32>
      %xor3A_113 = vector.broadcast %cond3A : i32 to vector<1x128xi32>
      %xor3A_114 = arith.xori %or3A_112, %xor3A_113 : vector<1x128xi32>
      %bitcast_convert_type3A_115 = tpu.bitcast %xor3A_114 : vector<1x128xi32> -> vector<1x128xi32>
      %broadcast_in_dim3A_116 = arith.constant 0.000000e+00 : f32
      %broadcast_in_dim3A_117 = vector.broadcast %broadcast_in_dim3A_116 : f32 to vector<1x128xf32>
      %scan3A_118 = arith.constant 0 : i32
      %scan3A_119 = arith.constant 32 : i32
      %scan3A_120 = arith.addi %scan3A_118, %scan3A_119 : i32
      %scan3A_121 = arith.constant 1 : i32
      %scan3A_122 = scf.for %scan3A_621 = %scan3A_118 to %scan3A_120 step %scan3A_121 iter_args(%scan3A_622 = %broadcast_in_dim3A_117) -> (vector<1x128xf32>)  : i32 {
        %mul3A_623 = arith.constant 1024 : i32
        %mul3A_624 = arith.muli %scan3A_621, %mul3A_623 : i32
        %get3A_625 = arith.index_cast %mul3A_624 : i32 to index
        %get3A_626 = arith.constant 0 : index
        %get3A_627 = vector.load %arg4[%get3A_625, %get3A_626] : memref<32768x128xi32, #tpu.memory_space<vmem>>, vector<1024x128xi32>
        %ge3A_628 = vector.broadcast %bitcast_convert_type3A_115 : vector<1x128xi32> to vector<1024x128xi32>
        %ge3A_629 = arith.cmpi sge, %get3A_627, %ge3A_628 : vector<1024x128xi32>
        %jit3A = arith.constant 1.000000e+00 : f32
        %jit3A_630 = arith.constant 0.000000e+00 : f32
        %broadcast_in_dim3A_631 = vector.broadcast %jit3A : f32 to vector<1024x128xf32>
        %broadcast_in_dim3A_632 = vector.broadcast %jit3A_630 : f32 to vector<1024x128xf32>
        %select_n3A_633 = arith.select %ge3A_629, %broadcast_in_dim3A_631, %broadcast_in_dim3A_632 : vector<1024x128xi1>, vector<1024x128xf32>
        %dot_general3A = arith.constant dense<0.000000e+00> : vector<1x128xf32>
        %dot_general3A_634 = tpu.matmul %broadcast_in_dim3A_21, %select_n3A_633, %dot_general3A {dimension_numbers = #tpu.dot_dimension_numbers<[1], [0], [0], [1], [0, 0, 1, 1], [], []>, transpose_lhs_hint = false} : vector<1x1024xf32>, vector<1024x128xf32>, vector<1x128xf32> -> vector<1x128xf32>
        %add3A_635 = arith.addf %scan3A_622, %dot_general3A_634 : vector<1x128xf32>
        scf.yield %add3A_635 : vector<1x128xf32>
      }
      %scan3A_123 = arith.constant 32 : i32
      %ge3A_124 = arith.constant 5.120000e+02 : f32
      %ge3A_125 = vector.broadcast %ge3A_124 : f32 to vector<1x128xf32>
      %ge3A_126 = arith.cmpf oge, %scan3A_122, %ge3A_125 : vector<1x128xf32>
      %select_n3A_127 = arith.select %ge3A_126, %or3A_112, %select_n3A_109 : vector<1x128xi1>, vector<1x128xi32>
      %or3A_128 = arith.constant 33554432 : i32
      %or3A_129 = vector.broadcast %or3A_128 : i32 to vector<1x128xi32>
      %or3A_130 = arith.ori %select_n3A_127, %or3A_129 : vector<1x128xi32>
      %xor3A_131 = vector.broadcast %cond3A : i32 to vector<1x128xi32>
      %xor3A_132 = arith.xori %or3A_130, %xor3A_131 : vector<1x128xi32>
      %bitcast_convert_type3A_133 = tpu.bitcast %xor3A_132 : vector<1x128xi32> -> vector<1x128xi32>
      %broadcast_in_dim3A_134 = arith.constant 0.000000e+00 : f32
      %broadcast_in_dim3A_135 = vector.broadcast %broadcast_in_dim3A_134 : f32 to vector<1x128xf32>
      %scan3A_136 = arith.constant 0 : i32
      %scan3A_137 = arith.constant 32 : i32
      %scan3A_138 = arith.addi %scan3A_136, %scan3A_137 : i32
      %scan3A_139 = arith.constant 1 : i32
      %scan3A_140 = scf.for %scan3A_621 = %scan3A_136 to %scan3A_138 step %scan3A_139 iter_args(%scan3A_622 = %broadcast_in_dim3A_135) -> (vector<1x128xf32>)  : i32 {
        %mul3A_623 = arith.constant 1024 : i32
        %mul3A_624 = arith.muli %scan3A_621, %mul3A_623 : i32
        %get3A_625 = arith.index_cast %mul3A_624 : i32 to index
        %get3A_626 = arith.constant 0 : index
        %get3A_627 = vector.load %arg4[%get3A_625, %get3A_626] : memref<32768x128xi32, #tpu.memory_space<vmem>>, vector<1024x128xi32>
        %ge3A_628 = vector.broadcast %bitcast_convert_type3A_133 : vector<1x128xi32> to vector<1024x128xi32>
        %ge3A_629 = arith.cmpi sge, %get3A_627, %ge3A_628 : vector<1024x128xi32>
        %jit3A = arith.constant 1.000000e+00 : f32
        %jit3A_630 = arith.constant 0.000000e+00 : f32
        %broadcast_in_dim3A_631 = vector.broadcast %jit3A : f32 to vector<1024x128xf32>
        %broadcast_in_dim3A_632 = vector.broadcast %jit3A_630 : f32 to vector<1024x128xf32>
        %select_n3A_633 = arith.select %ge3A_629, %broadcast_in_dim3A_631, %broadcast_in_dim3A_632 : vector<1024x128xi1>, vector<1024x128xf32>
        %dot_general3A = arith.constant dense<0.000000e+00> : vector<1x128xf32>
        %dot_general3A_634 = tpu.matmul %broadcast_in_dim3A_21, %select_n3A_633, %dot_general3A {dimension_numbers = #tpu.dot_dimension_numbers<[1], [0], [0], [1], [0, 0, 1, 1], [], []>, transpose_lhs_hint = false} : vector<1x1024xf32>, vector<1024x128xf32>, vector<1x128xf32> -> vector<1x128xf32>
        %add3A_635 = arith.addf %scan3A_622, %dot_general3A_634 : vector<1x128xf32>
        scf.yield %add3A_635 : vector<1x128xf32>
      }
      %scan3A_141 = arith.constant 32 : i32
      %ge3A_142 = arith.constant 5.120000e+02 : f32
      %ge3A_143 = vector.broadcast %ge3A_142 : f32 to vector<1x128xf32>
      %ge3A_144 = arith.cmpf oge, %scan3A_140, %ge3A_143 : vector<1x128xf32>
      %select_n3A_145 = arith.select %ge3A_144, %or3A_130, %select_n3A_127 : vector<1x128xi1>, vector<1x128xi32>
      %or3A_146 = arith.constant 16777216 : i32
      %or3A_147 = vector.broadcast %or3A_146 : i32 to vector<1x128xi32>
      %or3A_148 = arith.ori %select_n3A_145, %or3A_147 : vector<1x128xi32>
      %xor3A_149 = vector.broadcast %cond3A : i32 to vector<1x128xi32>
      %xor3A_150 = arith.xori %or3A_148, %xor3A_149 : vector<1x128xi32>
      %bitcast_convert_type3A_151 = tpu.bitcast %xor3A_150 : vector<1x128xi32> -> vector<1x128xi32>
      %broadcast_in_dim3A_152 = arith.constant 0.000000e+00 : f32
      %broadcast_in_dim3A_153 = vector.broadcast %broadcast_in_dim3A_152 : f32 to vector<1x128xf32>
      %scan3A_154 = arith.constant 0 : i32
      %scan3A_155 = arith.constant 32 : i32
      %scan3A_156 = arith.addi %scan3A_154, %scan3A_155 : i32
      %scan3A_157 = arith.constant 1 : i32
      %scan3A_158 = scf.for %scan3A_621 = %scan3A_154 to %scan3A_156 step %scan3A_157 iter_args(%scan3A_622 = %broadcast_in_dim3A_153) -> (vector<1x128xf32>)  : i32 {
        %mul3A_623 = arith.constant 1024 : i32
        %mul3A_624 = arith.muli %scan3A_621, %mul3A_623 : i32
        %get3A_625 = arith.index_cast %mul3A_624 : i32 to index
        %get3A_626 = arith.constant 0 : index
        %get3A_627 = vector.load %arg4[%get3A_625, %get3A_626] : memref<32768x128xi32, #tpu.memory_space<vmem>>, vector<1024x128xi32>
        %ge3A_628 = vector.broadcast %bitcast_convert_type3A_151 : vector<1x128xi32> to vector<1024x128xi32>
        %ge3A_629 = arith.cmpi sge, %get3A_627, %ge3A_628 : vector<1024x128xi32>
        %jit3A = arith.constant 1.000000e+00 : f32
        %jit3A_630 = arith.constant 0.000000e+00 : f32
        %broadcast_in_dim3A_631 = vector.broadcast %jit3A : f32 to vector<1024x128xf32>
        %broadcast_in_dim3A_632 = vector.broadcast %jit3A_630 : f32 to vector<1024x128xf32>
        %select_n3A_633 = arith.select %ge3A_629, %broadcast_in_dim3A_631, %broadcast_in_dim3A_632 : vector<1024x128xi1>, vector<1024x128xf32>
        %dot_general3A = arith.constant dense<0.000000e+00> : vector<1x128xf32>
        %dot_general3A_634 = tpu.matmul %broadcast_in_dim3A_21, %select_n3A_633, %dot_general3A {dimension_numbers = #tpu.dot_dimension_numbers<[1], [0], [0], [1], [0, 0, 1, 1], [], []>, transpose_lhs_hint = false} : vector<1x1024xf32>, vector<1024x128xf32>, vector<1x128xf32> -> vector<1x128xf32>
        %add3A_635 = arith.addf %scan3A_622, %dot_general3A_634 : vector<1x128xf32>
        scf.yield %add3A_635 : vector<1x128xf32>
      }
      %scan3A_159 = arith.constant 32 : i32
      %ge3A_160 = arith.constant 5.120000e+02 : f32
      %ge3A_161 = vector.broadcast %ge3A_160 : f32 to vector<1x128xf32>
      %ge3A_162 = arith.cmpf oge, %scan3A_158, %ge3A_161 : vector<1x128xf32>
      %select_n3A_163 = arith.select %ge3A_162, %or3A_148, %select_n3A_145 : vector<1x128xi1>, vector<1x128xi32>
      %or3A_164 = arith.constant 8388608 : i32
      %or3A_165 = vector.broadcast %or3A_164 : i32 to vector<1x128xi32>
      %or3A_166 = arith.ori %select_n3A_163, %or3A_165 : vector<1x128xi32>
      %xor3A_167 = vector.broadcast %cond3A : i32 to vector<1x128xi32>
      %xor3A_168 = arith.xori %or3A_166, %xor3A_167 : vector<1x128xi32>
      %bitcast_convert_type3A_169 = tpu.bitcast %xor3A_168 : vector<1x128xi32> -> vector<1x128xi32>
      %broadcast_in_dim3A_170 = arith.constant 0.000000e+00 : f32
      %broadcast_in_dim3A_171 = vector.broadcast %broadcast_in_dim3A_170 : f32 to vector<1x128xf32>
      %scan3A_172 = arith.constant 0 : i32
      %scan3A_173 = arith.constant 32 : i32
      %scan3A_174 = arith.addi %scan3A_172, %scan3A_173 : i32
      %scan3A_175 = arith.constant 1 : i32
      %scan3A_176 = scf.for %scan3A_621 = %scan3A_172 to %scan3A_174 step %scan3A_175 iter_args(%scan3A_622 = %broadcast_in_dim3A_171) -> (vector<1x128xf32>)  : i32 {
        %mul3A_623 = arith.constant 1024 : i32
        %mul3A_624 = arith.muli %scan3A_621, %mul3A_623 : i32
        %get3A_625 = arith.index_cast %mul3A_624 : i32 to index
        %get3A_626 = arith.constant 0 : index
        %get3A_627 = vector.load %arg4[%get3A_625, %get3A_626] : memref<32768x128xi32, #tpu.memory_space<vmem>>, vector<1024x128xi32>
        %ge3A_628 = vector.broadcast %bitcast_convert_type3A_169 : vector<1x128xi32> to vector<1024x128xi32>
        %ge3A_629 = arith.cmpi sge, %get3A_627, %ge3A_628 : vector<1024x128xi32>
        %jit3A = arith.constant 1.000000e+00 : f32
        %jit3A_630 = arith.constant 0.000000e+00 : f32
        %broadcast_in_dim3A_631 = vector.broadcast %jit3A : f32 to vector<1024x128xf32>
        %broadcast_in_dim3A_632 = vector.broadcast %jit3A_630 : f32 to vector<1024x128xf32>
        %select_n3A_633 = arith.select %ge3A_629, %broadcast_in_dim3A_631, %broadcast_in_dim3A_632 : vector<1024x128xi1>, vector<1024x128xf32>
        %dot_general3A = arith.constant dense<0.000000e+00> : vector<1x128xf32>
        %dot_general3A_634 = tpu.matmul %broadcast_in_dim3A_21, %select_n3A_633, %dot_general3A {dimension_numbers = #tpu.dot_dimension_numbers<[1], [0], [0], [1], [0, 0, 1, 1], [], []>, transpose_lhs_hint = false} : vector<1x1024xf32>, vector<1024x128xf32>, vector<1x128xf32> -> vector<1x128xf32>
        %add3A_635 = arith.addf %scan3A_622, %dot_general3A_634 : vector<1x128xf32>
        scf.yield %add3A_635 : vector<1x128xf32>
      }
      %scan3A_177 = arith.constant 32 : i32
      %ge3A_178 = arith.constant 5.120000e+02 : f32
      %ge3A_179 = vector.broadcast %ge3A_178 : f32 to vector<1x128xf32>
      %ge3A_180 = arith.cmpf oge, %scan3A_176, %ge3A_179 : vector<1x128xf32>
      %select_n3A_181 = arith.select %ge3A_180, %or3A_166, %select_n3A_163 : vector<1x128xi1>, vector<1x128xi32>
      %or3A_182 = arith.constant 4194304 : i32
      %or3A_183 = vector.broadcast %or3A_182 : i32 to vector<1x128xi32>
      %or3A_184 = arith.ori %select_n3A_181, %or3A_183 : vector<1x128xi32>
      %xor3A_185 = vector.broadcast %cond3A : i32 to vector<1x128xi32>
      %xor3A_186 = arith.xori %or3A_184, %xor3A_185 : vector<1x128xi32>
      %bitcast_convert_type3A_187 = tpu.bitcast %xor3A_186 : vector<1x128xi32> -> vector<1x128xi32>
      %broadcast_in_dim3A_188 = arith.constant 0.000000e+00 : f32
      %broadcast_in_dim3A_189 = vector.broadcast %broadcast_in_dim3A_188 : f32 to vector<1x128xf32>
      %scan3A_190 = arith.constant 0 : i32
      %scan3A_191 = arith.constant 32 : i32
      %scan3A_192 = arith.addi %scan3A_190, %scan3A_191 : i32
      %scan3A_193 = arith.constant 1 : i32
      %scan3A_194 = scf.for %scan3A_621 = %scan3A_190 to %scan3A_192 step %scan3A_193 iter_args(%scan3A_622 = %broadcast_in_dim3A_189) -> (vector<1x128xf32>)  : i32 {
        %mul3A_623 = arith.constant 1024 : i32
        %mul3A_624 = arith.muli %scan3A_621, %mul3A_623 : i32
        %get3A_625 = arith.index_cast %mul3A_624 : i32 to index
        %get3A_626 = arith.constant 0 : index
        %get3A_627 = vector.load %arg4[%get3A_625, %get3A_626] : memref<32768x128xi32, #tpu.memory_space<vmem>>, vector<1024x128xi32>
        %ge3A_628 = vector.broadcast %bitcast_convert_type3A_187 : vector<1x128xi32> to vector<1024x128xi32>
        %ge3A_629 = arith.cmpi sge, %get3A_627, %ge3A_628 : vector<1024x128xi32>
        %jit3A = arith.constant 1.000000e+00 : f32
        %jit3A_630 = arith.constant 0.000000e+00 : f32
        %broadcast_in_dim3A_631 = vector.broadcast %jit3A : f32 to vector<1024x128xf32>
        %broadcast_in_dim3A_632 = vector.broadcast %jit3A_630 : f32 to vector<1024x128xf32>
        %select_n3A_633 = arith.select %ge3A_629, %broadcast_in_dim3A_631, %broadcast_in_dim3A_632 : vector<1024x128xi1>, vector<1024x128xf32>
        %dot_general3A = arith.constant dense<0.000000e+00> : vector<1x128xf32>
        %dot_general3A_634 = tpu.matmul %broadcast_in_dim3A_21, %select_n3A_633, %dot_general3A {dimension_numbers = #tpu.dot_dimension_numbers<[1], [0], [0], [1], [0, 0, 1, 1], [], []>, transpose_lhs_hint = false} : vector<1x1024xf32>, vector<1024x128xf32>, vector<1x128xf32> -> vector<1x128xf32>
        %add3A_635 = arith.addf %scan3A_622, %dot_general3A_634 : vector<1x128xf32>
        scf.yield %add3A_635 : vector<1x128xf32>
      }
      %scan3A_195 = arith.constant 32 : i32
      %ge3A_196 = arith.constant 5.120000e+02 : f32
      %ge3A_197 = vector.broadcast %ge3A_196 : f32 to vector<1x128xf32>
      %ge3A_198 = arith.cmpf oge, %scan3A_194, %ge3A_197 : vector<1x128xf32>
      %select_n3A_199 = arith.select %ge3A_198, %or3A_184, %select_n3A_181 : vector<1x128xi1>, vector<1x128xi32>
      %or3A_200 = arith.constant 2097152 : i32
      %or3A_201 = vector.broadcast %or3A_200 : i32 to vector<1x128xi32>
      %or3A_202 = arith.ori %select_n3A_199, %or3A_201 : vector<1x128xi32>
      %xor3A_203 = vector.broadcast %cond3A : i32 to vector<1x128xi32>
      %xor3A_204 = arith.xori %or3A_202, %xor3A_203 : vector<1x128xi32>
      %bitcast_convert_type3A_205 = tpu.bitcast %xor3A_204 : vector<1x128xi32> -> vector<1x128xi32>
      %broadcast_in_dim3A_206 = arith.constant 0.000000e+00 : f32
      %broadcast_in_dim3A_207 = vector.broadcast %broadcast_in_dim3A_206 : f32 to vector<1x128xf32>
      %scan3A_208 = arith.constant 0 : i32
      %scan3A_209 = arith.constant 32 : i32
      %scan3A_210 = arith.addi %scan3A_208, %scan3A_209 : i32
      %scan3A_211 = arith.constant 1 : i32
      %scan3A_212 = scf.for %scan3A_621 = %scan3A_208 to %scan3A_210 step %scan3A_211 iter_args(%scan3A_622 = %broadcast_in_dim3A_207) -> (vector<1x128xf32>)  : i32 {
        %mul3A_623 = arith.constant 1024 : i32
        %mul3A_624 = arith.muli %scan3A_621, %mul3A_623 : i32
        %get3A_625 = arith.index_cast %mul3A_624 : i32 to index
        %get3A_626 = arith.constant 0 : index
        %get3A_627 = vector.load %arg4[%get3A_625, %get3A_626] : memref<32768x128xi32, #tpu.memory_space<vmem>>, vector<1024x128xi32>
        %ge3A_628 = vector.broadcast %bitcast_convert_type3A_205 : vector<1x128xi32> to vector<1024x128xi32>
        %ge3A_629 = arith.cmpi sge, %get3A_627, %ge3A_628 : vector<1024x128xi32>
        %jit3A = arith.constant 1.000000e+00 : f32
        %jit3A_630 = arith.constant 0.000000e+00 : f32
        %broadcast_in_dim3A_631 = vector.broadcast %jit3A : f32 to vector<1024x128xf32>
        %broadcast_in_dim3A_632 = vector.broadcast %jit3A_630 : f32 to vector<1024x128xf32>
        %select_n3A_633 = arith.select %ge3A_629, %broadcast_in_dim3A_631, %broadcast_in_dim3A_632 : vector<1024x128xi1>, vector<1024x128xf32>
        %dot_general3A = arith.constant dense<0.000000e+00> : vector<1x128xf32>
        %dot_general3A_634 = tpu.matmul %broadcast_in_dim3A_21, %select_n3A_633, %dot_general3A {dimension_numbers = #tpu.dot_dimension_numbers<[1], [0], [0], [1], [0, 0, 1, 1], [], []>, transpose_lhs_hint = false} : vector<1x1024xf32>, vector<1024x128xf32>, vector<1x128xf32> -> vector<1x128xf32>
        %add3A_635 = arith.addf %scan3A_622, %dot_general3A_634 : vector<1x128xf32>
        scf.yield %add3A_635 : vector<1x128xf32>
      }
      %scan3A_213 = arith.constant 32 : i32
      %ge3A_214 = arith.constant 5.120000e+02 : f32
      %ge3A_215 = vector.broadcast %ge3A_214 : f32 to vector<1x128xf32>
      %ge3A_216 = arith.cmpf oge, %scan3A_212, %ge3A_215 : vector<1x128xf32>
      %select_n3A_217 = arith.select %ge3A_216, %or3A_202, %select_n3A_199 : vector<1x128xi1>, vector<1x128xi32>
      %or3A_218 = arith.constant 1048576 : i32
      %or3A_219 = vector.broadcast %or3A_218 : i32 to vector<1x128xi32>
      %or3A_220 = arith.ori %select_n3A_217, %or3A_219 : vector<1x128xi32>
      %xor3A_221 = vector.broadcast %cond3A : i32 to vector<1x128xi32>
      %xor3A_222 = arith.xori %or3A_220, %xor3A_221 : vector<1x128xi32>
      %bitcast_convert_type3A_223 = tpu.bitcast %xor3A_222 : vector<1x128xi32> -> vector<1x128xi32>
      %broadcast_in_dim3A_224 = arith.constant 0.000000e+00 : f32
      %broadcast_in_dim3A_225 = vector.broadcast %broadcast_in_dim3A_224 : f32 to vector<1x128xf32>
      %scan3A_226 = arith.constant 0 : i32
      %scan3A_227 = arith.constant 32 : i32
      %scan3A_228 = arith.addi %scan3A_226, %scan3A_227 : i32
      %scan3A_229 = arith.constant 1 : i32
      %scan3A_230 = scf.for %scan3A_621 = %scan3A_226 to %scan3A_228 step %scan3A_229 iter_args(%scan3A_622 = %broadcast_in_dim3A_225) -> (vector<1x128xf32>)  : i32 {
        %mul3A_623 = arith.constant 1024 : i32
        %mul3A_624 = arith.muli %scan3A_621, %mul3A_623 : i32
        %get3A_625 = arith.index_cast %mul3A_624 : i32 to index
        %get3A_626 = arith.constant 0 : index
        %get3A_627 = vector.load %arg4[%get3A_625, %get3A_626] : memref<32768x128xi32, #tpu.memory_space<vmem>>, vector<1024x128xi32>
        %ge3A_628 = vector.broadcast %bitcast_convert_type3A_223 : vector<1x128xi32> to vector<1024x128xi32>
        %ge3A_629 = arith.cmpi sge, %get3A_627, %ge3A_628 : vector<1024x128xi32>
        %jit3A = arith.constant 1.000000e+00 : f32
        %jit3A_630 = arith.constant 0.000000e+00 : f32
        %broadcast_in_dim3A_631 = vector.broadcast %jit3A : f32 to vector<1024x128xf32>
        %broadcast_in_dim3A_632 = vector.broadcast %jit3A_630 : f32 to vector<1024x128xf32>
        %select_n3A_633 = arith.select %ge3A_629, %broadcast_in_dim3A_631, %broadcast_in_dim3A_632 : vector<1024x128xi1>, vector<1024x128xf32>
        %dot_general3A = arith.constant dense<0.000000e+00> : vector<1x128xf32>
        %dot_general3A_634 = tpu.matmul %broadcast_in_dim3A_21, %select_n3A_633, %dot_general3A {dimension_numbers = #tpu.dot_dimension_numbers<[1], [0], [0], [1], [0, 0, 1, 1], [], []>, transpose_lhs_hint = false} : vector<1x1024xf32>, vector<1024x128xf32>, vector<1x128xf32> -> vector<1x128xf32>
        %add3A_635 = arith.addf %scan3A_622, %dot_general3A_634 : vector<1x128xf32>
        scf.yield %add3A_635 : vector<1x128xf32>
      }
      %scan3A_231 = arith.constant 32 : i32
      %ge3A_232 = arith.constant 5.120000e+02 : f32
      %ge3A_233 = vector.broadcast %ge3A_232 : f32 to vector<1x128xf32>
      %ge3A_234 = arith.cmpf oge, %scan3A_230, %ge3A_233 : vector<1x128xf32>
      %select_n3A_235 = arith.select %ge3A_234, %or3A_220, %select_n3A_217 : vector<1x128xi1>, vector<1x128xi32>
      %or3A_236 = arith.constant 524288 : i32
      %or3A_237 = vector.broadcast %or3A_236 : i32 to vector<1x128xi32>
      %or3A_238 = arith.ori %select_n3A_235, %or3A_237 : vector<1x128xi32>
      %xor3A_239 = vector.broadcast %cond3A : i32 to vector<1x128xi32>
      %xor3A_240 = arith.xori %or3A_238, %xor3A_239 : vector<1x128xi32>
      %bitcast_convert_type3A_241 = tpu.bitcast %xor3A_240 : vector<1x128xi32> -> vector<1x128xi32>
      %broadcast_in_dim3A_242 = arith.constant 0.000000e+00 : f32
      %broadcast_in_dim3A_243 = vector.broadcast %broadcast_in_dim3A_242 : f32 to vector<1x128xf32>
      %scan3A_244 = arith.constant 0 : i32
      %scan3A_245 = arith.constant 32 : i32
      %scan3A_246 = arith.addi %scan3A_244, %scan3A_245 : i32
      %scan3A_247 = arith.constant 1 : i32
      %scan3A_248 = scf.for %scan3A_621 = %scan3A_244 to %scan3A_246 step %scan3A_247 iter_args(%scan3A_622 = %broadcast_in_dim3A_243) -> (vector<1x128xf32>)  : i32 {
        %mul3A_623 = arith.constant 1024 : i32
        %mul3A_624 = arith.muli %scan3A_621, %mul3A_623 : i32
        %get3A_625 = arith.index_cast %mul3A_624 : i32 to index
        %get3A_626 = arith.constant 0 : index
        %get3A_627 = vector.load %arg4[%get3A_625, %get3A_626] : memref<32768x128xi32, #tpu.memory_space<vmem>>, vector<1024x128xi32>
        %ge3A_628 = vector.broadcast %bitcast_convert_type3A_241 : vector<1x128xi32> to vector<1024x128xi32>
        %ge3A_629 = arith.cmpi sge, %get3A_627, %ge3A_628 : vector<1024x128xi32>
        %jit3A = arith.constant 1.000000e+00 : f32
        %jit3A_630 = arith.constant 0.000000e+00 : f32
        %broadcast_in_dim3A_631 = vector.broadcast %jit3A : f32 to vector<1024x128xf32>
        %broadcast_in_dim3A_632 = vector.broadcast %jit3A_630 : f32 to vector<1024x128xf32>
        %select_n3A_633 = arith.select %ge3A_629, %broadcast_in_dim3A_631, %broadcast_in_dim3A_632 : vector<1024x128xi1>, vector<1024x128xf32>
        %dot_general3A = arith.constant dense<0.000000e+00> : vector<1x128xf32>
        %dot_general3A_634 = tpu.matmul %broadcast_in_dim3A_21, %select_n3A_633, %dot_general3A {dimension_numbers = #tpu.dot_dimension_numbers<[1], [0], [0], [1], [0, 0, 1, 1], [], []>, transpose_lhs_hint = false} : vector<1x1024xf32>, vector<1024x128xf32>, vector<1x128xf32> -> vector<1x128xf32>
        %add3A_635 = arith.addf %scan3A_622, %dot_general3A_634 : vector<1x128xf32>
        scf.yield %add3A_635 : vector<1x128xf32>
      }
      %scan3A_249 = arith.constant 32 : i32
      %ge3A_250 = arith.constant 5.120000e+02 : f32
      %ge3A_251 = vector.broadcast %ge3A_250 : f32 to vector<1x128xf32>
      %ge3A_252 = arith.cmpf oge, %scan3A_248, %ge3A_251 : vector<1x128xf32>
      %select_n3A_253 = arith.select %ge3A_252, %or3A_238, %select_n3A_235 : vector<1x128xi1>, vector<1x128xi32>
      %or3A_254 = arith.constant 262144 : i32
      %or3A_255 = vector.broadcast %or3A_254 : i32 to vector<1x128xi32>
      %or3A_256 = arith.ori %select_n3A_253, %or3A_255 : vector<1x128xi32>
      %xor3A_257 = vector.broadcast %cond3A : i32 to vector<1x128xi32>
      %xor3A_258 = arith.xori %or3A_256, %xor3A_257 : vector<1x128xi32>
      %bitcast_convert_type3A_259 = tpu.bitcast %xor3A_258 : vector<1x128xi32> -> vector<1x128xi32>
      %broadcast_in_dim3A_260 = arith.constant 0.000000e+00 : f32
      %broadcast_in_dim3A_261 = vector.broadcast %broadcast_in_dim3A_260 : f32 to vector<1x128xf32>
      %scan3A_262 = arith.constant 0 : i32
      %scan3A_263 = arith.constant 32 : i32
      %scan3A_264 = arith.addi %scan3A_262, %scan3A_263 : i32
      %scan3A_265 = arith.constant 1 : i32
      %scan3A_266 = scf.for %scan3A_621 = %scan3A_262 to %scan3A_264 step %scan3A_265 iter_args(%scan3A_622 = %broadcast_in_dim3A_261) -> (vector<1x128xf32>)  : i32 {
        %mul3A_623 = arith.constant 1024 : i32
        %mul3A_624 = arith.muli %scan3A_621, %mul3A_623 : i32
        %get3A_625 = arith.index_cast %mul3A_624 : i32 to index
        %get3A_626 = arith.constant 0 : index
        %get3A_627 = vector.load %arg4[%get3A_625, %get3A_626] : memref<32768x128xi32, #tpu.memory_space<vmem>>, vector<1024x128xi32>
        %ge3A_628 = vector.broadcast %bitcast_convert_type3A_259 : vector<1x128xi32> to vector<1024x128xi32>
        %ge3A_629 = arith.cmpi sge, %get3A_627, %ge3A_628 : vector<1024x128xi32>
        %jit3A = arith.constant 1.000000e+00 : f32
        %jit3A_630 = arith.constant 0.000000e+00 : f32
        %broadcast_in_dim3A_631 = vector.broadcast %jit3A : f32 to vector<1024x128xf32>
        %broadcast_in_dim3A_632 = vector.broadcast %jit3A_630 : f32 to vector<1024x128xf32>
        %select_n3A_633 = arith.select %ge3A_629, %broadcast_in_dim3A_631, %broadcast_in_dim3A_632 : vector<1024x128xi1>, vector<1024x128xf32>
        %dot_general3A = arith.constant dense<0.000000e+00> : vector<1x128xf32>
        %dot_general3A_634 = tpu.matmul %broadcast_in_dim3A_21, %select_n3A_633, %dot_general3A {dimension_numbers = #tpu.dot_dimension_numbers<[1], [0], [0], [1], [0, 0, 1, 1], [], []>, transpose_lhs_hint = false} : vector<1x1024xf32>, vector<1024x128xf32>, vector<1x128xf32> -> vector<1x128xf32>
        %add3A_635 = arith.addf %scan3A_622, %dot_general3A_634 : vector<1x128xf32>
        scf.yield %add3A_635 : vector<1x128xf32>
      }
      %scan3A_267 = arith.constant 32 : i32
      %ge3A_268 = arith.constant 5.120000e+02 : f32
      %ge3A_269 = vector.broadcast %ge3A_268 : f32 to vector<1x128xf32>
      %ge3A_270 = arith.cmpf oge, %scan3A_266, %ge3A_269 : vector<1x128xf32>
      %select_n3A_271 = arith.select %ge3A_270, %or3A_256, %select_n3A_253 : vector<1x128xi1>, vector<1x128xi32>
      %or3A_272 = arith.constant 131072 : i32
      %or3A_273 = vector.broadcast %or3A_272 : i32 to vector<1x128xi32>
      %or3A_274 = arith.ori %select_n3A_271, %or3A_273 : vector<1x128xi32>
      %xor3A_275 = vector.broadcast %cond3A : i32 to vector<1x128xi32>
      %xor3A_276 = arith.xori %or3A_274, %xor3A_275 : vector<1x128xi32>
      %bitcast_convert_type3A_277 = tpu.bitcast %xor3A_276 : vector<1x128xi32> -> vector<1x128xi32>
      %broadcast_in_dim3A_278 = arith.constant 0.000000e+00 : f32
      %broadcast_in_dim3A_279 = vector.broadcast %broadcast_in_dim3A_278 : f32 to vector<1x128xf32>
      %scan3A_280 = arith.constant 0 : i32
      %scan3A_281 = arith.constant 32 : i32
      %scan3A_282 = arith.addi %scan3A_280, %scan3A_281 : i32
      %scan3A_283 = arith.constant 1 : i32
      %scan3A_284 = scf.for %scan3A_621 = %scan3A_280 to %scan3A_282 step %scan3A_283 iter_args(%scan3A_622 = %broadcast_in_dim3A_279) -> (vector<1x128xf32>)  : i32 {
        %mul3A_623 = arith.constant 1024 : i32
        %mul3A_624 = arith.muli %scan3A_621, %mul3A_623 : i32
        %get3A_625 = arith.index_cast %mul3A_624 : i32 to index
        %get3A_626 = arith.constant 0 : index
        %get3A_627 = vector.load %arg4[%get3A_625, %get3A_626] : memref<32768x128xi32, #tpu.memory_space<vmem>>, vector<1024x128xi32>
        %ge3A_628 = vector.broadcast %bitcast_convert_type3A_277 : vector<1x128xi32> to vector<1024x128xi32>
        %ge3A_629 = arith.cmpi sge, %get3A_627, %ge3A_628 : vector<1024x128xi32>
        %jit3A = arith.constant 1.000000e+00 : f32
        %jit3A_630 = arith.constant 0.000000e+00 : f32
        %broadcast_in_dim3A_631 = vector.broadcast %jit3A : f32 to vector<1024x128xf32>
        %broadcast_in_dim3A_632 = vector.broadcast %jit3A_630 : f32 to vector<1024x128xf32>
        %select_n3A_633 = arith.select %ge3A_629, %broadcast_in_dim3A_631, %broadcast_in_dim3A_632 : vector<1024x128xi1>, vector<1024x128xf32>
        %dot_general3A = arith.constant dense<0.000000e+00> : vector<1x128xf32>
        %dot_general3A_634 = tpu.matmul %broadcast_in_dim3A_21, %select_n3A_633, %dot_general3A {dimension_numbers = #tpu.dot_dimension_numbers<[1], [0], [0], [1], [0, 0, 1, 1], [], []>, transpose_lhs_hint = false} : vector<1x1024xf32>, vector<1024x128xf32>, vector<1x128xf32> -> vector<1x128xf32>
        %add3A_635 = arith.addf %scan3A_622, %dot_general3A_634 : vector<1x128xf32>
        scf.yield %add3A_635 : vector<1x128xf32>
      }
      %scan3A_285 = arith.constant 32 : i32
      %ge3A_286 = arith.constant 5.120000e+02 : f32
      %ge3A_287 = vector.broadcast %ge3A_286 : f32 to vector<1x128xf32>
      %ge3A_288 = arith.cmpf oge, %scan3A_284, %ge3A_287 : vector<1x128xf32>
      %select_n3A_289 = arith.select %ge3A_288, %or3A_274, %select_n3A_271 : vector<1x128xi1>, vector<1x128xi32>
      %or3A_290 = arith.constant 65536 : i32
      %or3A_291 = vector.broadcast %or3A_290 : i32 to vector<1x128xi32>
      %or3A_292 = arith.ori %select_n3A_289, %or3A_291 : vector<1x128xi32>
      %xor3A_293 = vector.broadcast %cond3A : i32 to vector<1x128xi32>
      %xor3A_294 = arith.xori %or3A_292, %xor3A_293 : vector<1x128xi32>
      %bitcast_convert_type3A_295 = tpu.bitcast %xor3A_294 : vector<1x128xi32> -> vector<1x128xi32>
      %broadcast_in_dim3A_296 = arith.constant 0.000000e+00 : f32
      %broadcast_in_dim3A_297 = vector.broadcast %broadcast_in_dim3A_296 : f32 to vector<1x128xf32>
      %scan3A_298 = arith.constant 0 : i32
      %scan3A_299 = arith.constant 32 : i32
      %scan3A_300 = arith.addi %scan3A_298, %scan3A_299 : i32
      %scan3A_301 = arith.constant 1 : i32
      %scan3A_302 = scf.for %scan3A_621 = %scan3A_298 to %scan3A_300 step %scan3A_301 iter_args(%scan3A_622 = %broadcast_in_dim3A_297) -> (vector<1x128xf32>)  : i32 {
        %mul3A_623 = arith.constant 1024 : i32
        %mul3A_624 = arith.muli %scan3A_621, %mul3A_623 : i32
        %get3A_625 = arith.index_cast %mul3A_624 : i32 to index
        %get3A_626 = arith.constant 0 : index
        %get3A_627 = vector.load %arg4[%get3A_625, %get3A_626] : memref<32768x128xi32, #tpu.memory_space<vmem>>, vector<1024x128xi32>
        %ge3A_628 = vector.broadcast %bitcast_convert_type3A_295 : vector<1x128xi32> to vector<1024x128xi32>
        %ge3A_629 = arith.cmpi sge, %get3A_627, %ge3A_628 : vector<1024x128xi32>
        %jit3A = arith.constant 1.000000e+00 : f32
        %jit3A_630 = arith.constant 0.000000e+00 : f32
        %broadcast_in_dim3A_631 = vector.broadcast %jit3A : f32 to vector<1024x128xf32>
        %broadcast_in_dim3A_632 = vector.broadcast %jit3A_630 : f32 to vector<1024x128xf32>
        %select_n3A_633 = arith.select %ge3A_629, %broadcast_in_dim3A_631, %broadcast_in_dim3A_632 : vector<1024x128xi1>, vector<1024x128xf32>
        %dot_general3A = arith.constant dense<0.000000e+00> : vector<1x128xf32>
        %dot_general3A_634 = tpu.matmul %broadcast_in_dim3A_21, %select_n3A_633, %dot_general3A {dimension_numbers = #tpu.dot_dimension_numbers<[1], [0], [0], [1], [0, 0, 1, 1], [], []>, transpose_lhs_hint = false} : vector<1x1024xf32>, vector<1024x128xf32>, vector<1x128xf32> -> vector<1x128xf32>
        %add3A_635 = arith.addf %scan3A_622, %dot_general3A_634 : vector<1x128xf32>
        scf.yield %add3A_635 : vector<1x128xf32>
      }
      %scan3A_303 = arith.constant 32 : i32
      %ge3A_304 = arith.constant 5.120000e+02 : f32
      %ge3A_305 = vector.broadcast %ge3A_304 : f32 to vector<1x128xf32>
      %ge3A_306 = arith.cmpf oge, %scan3A_302, %ge3A_305 : vector<1x128xf32>
      %select_n3A_307 = arith.select %ge3A_306, %or3A_292, %select_n3A_289 : vector<1x128xi1>, vector<1x128xi32>
      %or3A_308 = arith.constant 32768 : i32
      %or3A_309 = vector.broadcast %or3A_308 : i32 to vector<1x128xi32>
      %or3A_310 = arith.ori %select_n3A_307, %or3A_309 : vector<1x128xi32>
      %xor3A_311 = vector.broadcast %cond3A : i32 to vector<1x128xi32>
      %xor3A_312 = arith.xori %or3A_310, %xor3A_311 : vector<1x128xi32>
      %bitcast_convert_type3A_313 = tpu.bitcast %xor3A_312 : vector<1x128xi32> -> vector<1x128xi32>
      %broadcast_in_dim3A_314 = arith.constant 0.000000e+00 : f32
      %broadcast_in_dim3A_315 = vector.broadcast %broadcast_in_dim3A_314 : f32 to vector<1x128xf32>
      %scan3A_316 = arith.constant 0 : i32
      %scan3A_317 = arith.constant 32 : i32
      %scan3A_318 = arith.addi %scan3A_316, %scan3A_317 : i32
      %scan3A_319 = arith.constant 1 : i32
      %scan3A_320 = scf.for %scan3A_621 = %scan3A_316 to %scan3A_318 step %scan3A_319 iter_args(%scan3A_622 = %broadcast_in_dim3A_315) -> (vector<1x128xf32>)  : i32 {
        %mul3A_623 = arith.constant 1024 : i32
        %mul3A_624 = arith.muli %scan3A_621, %mul3A_623 : i32
        %get3A_625 = arith.index_cast %mul3A_624 : i32 to index
        %get3A_626 = arith.constant 0 : index
        %get3A_627 = vector.load %arg4[%get3A_625, %get3A_626] : memref<32768x128xi32, #tpu.memory_space<vmem>>, vector<1024x128xi32>
        %ge3A_628 = vector.broadcast %bitcast_convert_type3A_313 : vector<1x128xi32> to vector<1024x128xi32>
        %ge3A_629 = arith.cmpi sge, %get3A_627, %ge3A_628 : vector<1024x128xi32>
        %jit3A = arith.constant 1.000000e+00 : f32
        %jit3A_630 = arith.constant 0.000000e+00 : f32
        %broadcast_in_dim3A_631 = vector.broadcast %jit3A : f32 to vector<1024x128xf32>
        %broadcast_in_dim3A_632 = vector.broadcast %jit3A_630 : f32 to vector<1024x128xf32>
        %select_n3A_633 = arith.select %ge3A_629, %broadcast_in_dim3A_631, %broadcast_in_dim3A_632 : vector<1024x128xi1>, vector<1024x128xf32>
        %dot_general3A = arith.constant dense<0.000000e+00> : vector<1x128xf32>
        %dot_general3A_634 = tpu.matmul %broadcast_in_dim3A_21, %select_n3A_633, %dot_general3A {dimension_numbers = #tpu.dot_dimension_numbers<[1], [0], [0], [1], [0, 0, 1, 1], [], []>, transpose_lhs_hint = false} : vector<1x1024xf32>, vector<1024x128xf32>, vector<1x128xf32> -> vector<1x128xf32>
        %add3A_635 = arith.addf %scan3A_622, %dot_general3A_634 : vector<1x128xf32>
        scf.yield %add3A_635 : vector<1x128xf32>
      }
      %scan3A_321 = arith.constant 32 : i32
      %ge3A_322 = arith.constant 5.120000e+02 : f32
      %ge3A_323 = vector.broadcast %ge3A_322 : f32 to vector<1x128xf32>
      %ge3A_324 = arith.cmpf oge, %scan3A_320, %ge3A_323 : vector<1x128xf32>
      %select_n3A_325 = arith.select %ge3A_324, %or3A_310, %select_n3A_307 : vector<1x128xi1>, vector<1x128xi32>
      %or3A_326 = arith.constant 16384 : i32
      %or3A_327 = vector.broadcast %or3A_326 : i32 to vector<1x128xi32>
      %or3A_328 = arith.ori %select_n3A_325, %or3A_327 : vector<1x128xi32>
      %xor3A_329 = vector.broadcast %cond3A : i32 to vector<1x128xi32>
      %xor3A_330 = arith.xori %or3A_328, %xor3A_329 : vector<1x128xi32>
      %bitcast_convert_type3A_331 = tpu.bitcast %xor3A_330 : vector<1x128xi32> -> vector<1x128xi32>
      %broadcast_in_dim3A_332 = arith.constant 0.000000e+00 : f32
      %broadcast_in_dim3A_333 = vector.broadcast %broadcast_in_dim3A_332 : f32 to vector<1x128xf32>
      %scan3A_334 = arith.constant 0 : i32
      %scan3A_335 = arith.constant 32 : i32
      %scan3A_336 = arith.addi %scan3A_334, %scan3A_335 : i32
      %scan3A_337 = arith.constant 1 : i32
      %scan3A_338 = scf.for %scan3A_621 = %scan3A_334 to %scan3A_336 step %scan3A_337 iter_args(%scan3A_622 = %broadcast_in_dim3A_333) -> (vector<1x128xf32>)  : i32 {
        %mul3A_623 = arith.constant 1024 : i32
        %mul3A_624 = arith.muli %scan3A_621, %mul3A_623 : i32
        %get3A_625 = arith.index_cast %mul3A_624 : i32 to index
        %get3A_626 = arith.constant 0 : index
        %get3A_627 = vector.load %arg4[%get3A_625, %get3A_626] : memref<32768x128xi32, #tpu.memory_space<vmem>>, vector<1024x128xi32>
        %ge3A_628 = vector.broadcast %bitcast_convert_type3A_331 : vector<1x128xi32> to vector<1024x128xi32>
        %ge3A_629 = arith.cmpi sge, %get3A_627, %ge3A_628 : vector<1024x128xi32>
        %jit3A = arith.constant 1.000000e+00 : f32
        %jit3A_630 = arith.constant 0.000000e+00 : f32
        %broadcast_in_dim3A_631 = vector.broadcast %jit3A : f32 to vector<1024x128xf32>
        %broadcast_in_dim3A_632 = vector.broadcast %jit3A_630 : f32 to vector<1024x128xf32>
        %select_n3A_633 = arith.select %ge3A_629, %broadcast_in_dim3A_631, %broadcast_in_dim3A_632 : vector<1024x128xi1>, vector<1024x128xf32>
        %dot_general3A = arith.constant dense<0.000000e+00> : vector<1x128xf32>
        %dot_general3A_634 = tpu.matmul %broadcast_in_dim3A_21, %select_n3A_633, %dot_general3A {dimension_numbers = #tpu.dot_dimension_numbers<[1], [0], [0], [1], [0, 0, 1, 1], [], []>, transpose_lhs_hint = false} : vector<1x1024xf32>, vector<1024x128xf32>, vector<1x128xf32> -> vector<1x128xf32>
        %add3A_635 = arith.addf %scan3A_622, %dot_general3A_634 : vector<1x128xf32>
        scf.yield %add3A_635 : vector<1x128xf32>
      }
      %scan3A_339 = arith.constant 32 : i32
      %ge3A_340 = arith.constant 5.120000e+02 : f32
      %ge3A_341 = vector.broadcast %ge3A_340 : f32 to vector<1x128xf32>
      %ge3A_342 = arith.cmpf oge, %scan3A_338, %ge3A_341 : vector<1x128xf32>
      %select_n3A_343 = arith.select %ge3A_342, %or3A_328, %select_n3A_325 : vector<1x128xi1>, vector<1x128xi32>
      %or3A_344 = arith.constant 8192 : i32
      %or3A_345 = vector.broadcast %or3A_344 : i32 to vector<1x128xi32>
      %or3A_346 = arith.ori %select_n3A_343, %or3A_345 : vector<1x128xi32>
      %xor3A_347 = vector.broadcast %cond3A : i32 to vector<1x128xi32>
      %xor3A_348 = arith.xori %or3A_346, %xor3A_347 : vector<1x128xi32>
      %bitcast_convert_type3A_349 = tpu.bitcast %xor3A_348 : vector<1x128xi32> -> vector<1x128xi32>
      %broadcast_in_dim3A_350 = arith.constant 0.000000e+00 : f32
      %broadcast_in_dim3A_351 = vector.broadcast %broadcast_in_dim3A_350 : f32 to vector<1x128xf32>
      %scan3A_352 = arith.constant 0 : i32
      %scan3A_353 = arith.constant 32 : i32
      %scan3A_354 = arith.addi %scan3A_352, %scan3A_353 : i32
      %scan3A_355 = arith.constant 1 : i32
      %scan3A_356 = scf.for %scan3A_621 = %scan3A_352 to %scan3A_354 step %scan3A_355 iter_args(%scan3A_622 = %broadcast_in_dim3A_351) -> (vector<1x128xf32>)  : i32 {
        %mul3A_623 = arith.constant 1024 : i32
        %mul3A_624 = arith.muli %scan3A_621, %mul3A_623 : i32
        %get3A_625 = arith.index_cast %mul3A_624 : i32 to index
        %get3A_626 = arith.constant 0 : index
        %get3A_627 = vector.load %arg4[%get3A_625, %get3A_626] : memref<32768x128xi32, #tpu.memory_space<vmem>>, vector<1024x128xi32>
        %ge3A_628 = vector.broadcast %bitcast_convert_type3A_349 : vector<1x128xi32> to vector<1024x128xi32>
        %ge3A_629 = arith.cmpi sge, %get3A_627, %ge3A_628 : vector<1024x128xi32>
        %jit3A = arith.constant 1.000000e+00 : f32
        %jit3A_630 = arith.constant 0.000000e+00 : f32
        %broadcast_in_dim3A_631 = vector.broadcast %jit3A : f32 to vector<1024x128xf32>
        %broadcast_in_dim3A_632 = vector.broadcast %jit3A_630 : f32 to vector<1024x128xf32>
        %select_n3A_633 = arith.select %ge3A_629, %broadcast_in_dim3A_631, %broadcast_in_dim3A_632 : vector<1024x128xi1>, vector<1024x128xf32>
        %dot_general3A = arith.constant dense<0.000000e+00> : vector<1x128xf32>
        %dot_general3A_634 = tpu.matmul %broadcast_in_dim3A_21, %select_n3A_633, %dot_general3A {dimension_numbers = #tpu.dot_dimension_numbers<[1], [0], [0], [1], [0, 0, 1, 1], [], []>, transpose_lhs_hint = false} : vector<1x1024xf32>, vector<1024x128xf32>, vector<1x128xf32> -> vector<1x128xf32>
        %add3A_635 = arith.addf %scan3A_622, %dot_general3A_634 : vector<1x128xf32>
        scf.yield %add3A_635 : vector<1x128xf32>
      }
      %scan3A_357 = arith.constant 32 : i32
      %ge3A_358 = arith.constant 5.120000e+02 : f32
      %ge3A_359 = vector.broadcast %ge3A_358 : f32 to vector<1x128xf32>
      %ge3A_360 = arith.cmpf oge, %scan3A_356, %ge3A_359 : vector<1x128xf32>
      %select_n3A_361 = arith.select %ge3A_360, %or3A_346, %select_n3A_343 : vector<1x128xi1>, vector<1x128xi32>
      %or3A_362 = arith.constant 4096 : i32
      %or3A_363 = vector.broadcast %or3A_362 : i32 to vector<1x128xi32>
      %or3A_364 = arith.ori %select_n3A_361, %or3A_363 : vector<1x128xi32>
      %xor3A_365 = vector.broadcast %cond3A : i32 to vector<1x128xi32>
      %xor3A_366 = arith.xori %or3A_364, %xor3A_365 : vector<1x128xi32>
      %bitcast_convert_type3A_367 = tpu.bitcast %xor3A_366 : vector<1x128xi32> -> vector<1x128xi32>
      %broadcast_in_dim3A_368 = arith.constant 0.000000e+00 : f32
      %broadcast_in_dim3A_369 = vector.broadcast %broadcast_in_dim3A_368 : f32 to vector<1x128xf32>
      %scan3A_370 = arith.constant 0 : i32
      %scan3A_371 = arith.constant 32 : i32
      %scan3A_372 = arith.addi %scan3A_370, %scan3A_371 : i32
      %scan3A_373 = arith.constant 1 : i32
      %scan3A_374 = scf.for %scan3A_621 = %scan3A_370 to %scan3A_372 step %scan3A_373 iter_args(%scan3A_622 = %broadcast_in_dim3A_369) -> (vector<1x128xf32>)  : i32 {
        %mul3A_623 = arith.constant 1024 : i32
        %mul3A_624 = arith.muli %scan3A_621, %mul3A_623 : i32
        %get3A_625 = arith.index_cast %mul3A_624 : i32 to index
        %get3A_626 = arith.constant 0 : index
        %get3A_627 = vector.load %arg4[%get3A_625, %get3A_626] : memref<32768x128xi32, #tpu.memory_space<vmem>>, vector<1024x128xi32>
        %ge3A_628 = vector.broadcast %bitcast_convert_type3A_367 : vector<1x128xi32> to vector<1024x128xi32>
        %ge3A_629 = arith.cmpi sge, %get3A_627, %ge3A_628 : vector<1024x128xi32>
        %jit3A = arith.constant 1.000000e+00 : f32
        %jit3A_630 = arith.constant 0.000000e+00 : f32
        %broadcast_in_dim3A_631 = vector.broadcast %jit3A : f32 to vector<1024x128xf32>
        %broadcast_in_dim3A_632 = vector.broadcast %jit3A_630 : f32 to vector<1024x128xf32>
        %select_n3A_633 = arith.select %ge3A_629, %broadcast_in_dim3A_631, %broadcast_in_dim3A_632 : vector<1024x128xi1>, vector<1024x128xf32>
        %dot_general3A = arith.constant dense<0.000000e+00> : vector<1x128xf32>
        %dot_general3A_634 = tpu.matmul %broadcast_in_dim3A_21, %select_n3A_633, %dot_general3A {dimension_numbers = #tpu.dot_dimension_numbers<[1], [0], [0], [1], [0, 0, 1, 1], [], []>, transpose_lhs_hint = false} : vector<1x1024xf32>, vector<1024x128xf32>, vector<1x128xf32> -> vector<1x128xf32>
        %add3A_635 = arith.addf %scan3A_622, %dot_general3A_634 : vector<1x128xf32>
        scf.yield %add3A_635 : vector<1x128xf32>
      }
      %scan3A_375 = arith.constant 32 : i32
      %ge3A_376 = arith.constant 5.120000e+02 : f32
      %ge3A_377 = vector.broadcast %ge3A_376 : f32 to vector<1x128xf32>
      %ge3A_378 = arith.cmpf oge, %scan3A_374, %ge3A_377 : vector<1x128xf32>
      %select_n3A_379 = arith.select %ge3A_378, %or3A_364, %select_n3A_361 : vector<1x128xi1>, vector<1x128xi32>
      %or3A_380 = arith.constant 2048 : i32
      %or3A_381 = vector.broadcast %or3A_380 : i32 to vector<1x128xi32>
      %or3A_382 = arith.ori %select_n3A_379, %or3A_381 : vector<1x128xi32>
      %xor3A_383 = vector.broadcast %cond3A : i32 to vector<1x128xi32>
      %xor3A_384 = arith.xori %or3A_382, %xor3A_383 : vector<1x128xi32>
      %bitcast_convert_type3A_385 = tpu.bitcast %xor3A_384 : vector<1x128xi32> -> vector<1x128xi32>
      %broadcast_in_dim3A_386 = arith.constant 0.000000e+00 : f32
      %broadcast_in_dim3A_387 = vector.broadcast %broadcast_in_dim3A_386 : f32 to vector<1x128xf32>
      %scan3A_388 = arith.constant 0 : i32
      %scan3A_389 = arith.constant 32 : i32
      %scan3A_390 = arith.addi %scan3A_388, %scan3A_389 : i32
      %scan3A_391 = arith.constant 1 : i32
      %scan3A_392 = scf.for %scan3A_621 = %scan3A_388 to %scan3A_390 step %scan3A_391 iter_args(%scan3A_622 = %broadcast_in_dim3A_387) -> (vector<1x128xf32>)  : i32 {
        %mul3A_623 = arith.constant 1024 : i32
        %mul3A_624 = arith.muli %scan3A_621, %mul3A_623 : i32
        %get3A_625 = arith.index_cast %mul3A_624 : i32 to index
        %get3A_626 = arith.constant 0 : index
        %get3A_627 = vector.load %arg4[%get3A_625, %get3A_626] : memref<32768x128xi32, #tpu.memory_space<vmem>>, vector<1024x128xi32>
        %ge3A_628 = vector.broadcast %bitcast_convert_type3A_385 : vector<1x128xi32> to vector<1024x128xi32>
        %ge3A_629 = arith.cmpi sge, %get3A_627, %ge3A_628 : vector<1024x128xi32>
        %jit3A = arith.constant 1.000000e+00 : f32
        %jit3A_630 = arith.constant 0.000000e+00 : f32
        %broadcast_in_dim3A_631 = vector.broadcast %jit3A : f32 to vector<1024x128xf32>
        %broadcast_in_dim3A_632 = vector.broadcast %jit3A_630 : f32 to vector<1024x128xf32>
        %select_n3A_633 = arith.select %ge3A_629, %broadcast_in_dim3A_631, %broadcast_in_dim3A_632 : vector<1024x128xi1>, vector<1024x128xf32>
        %dot_general3A = arith.constant dense<0.000000e+00> : vector<1x128xf32>
        %dot_general3A_634 = tpu.matmul %broadcast_in_dim3A_21, %select_n3A_633, %dot_general3A {dimension_numbers = #tpu.dot_dimension_numbers<[1], [0], [0], [1], [0, 0, 1, 1], [], []>, transpose_lhs_hint = false} : vector<1x1024xf32>, vector<1024x128xf32>, vector<1x128xf32> -> vector<1x128xf32>
        %add3A_635 = arith.addf %scan3A_622, %dot_general3A_634 : vector<1x128xf32>
        scf.yield %add3A_635 : vector<1x128xf32>
      }
      %scan3A_393 = arith.constant 32 : i32
      %ge3A_394 = arith.constant 5.120000e+02 : f32
      %ge3A_395 = vector.broadcast %ge3A_394 : f32 to vector<1x128xf32>
      %ge3A_396 = arith.cmpf oge, %scan3A_392, %ge3A_395 : vector<1x128xf32>
      %select_n3A_397 = arith.select %ge3A_396, %or3A_382, %select_n3A_379 : vector<1x128xi1>, vector<1x128xi32>
      %or3A_398 = arith.constant 1024 : i32
      %or3A_399 = vector.broadcast %or3A_398 : i32 to vector<1x128xi32>
      %or3A_400 = arith.ori %select_n3A_397, %or3A_399 : vector<1x128xi32>
      %xor3A_401 = vector.broadcast %cond3A : i32 to vector<1x128xi32>
      %xor3A_402 = arith.xori %or3A_400, %xor3A_401 : vector<1x128xi32>
      %bitcast_convert_type3A_403 = tpu.bitcast %xor3A_402 : vector<1x128xi32> -> vector<1x128xi32>
      %broadcast_in_dim3A_404 = arith.constant 0.000000e+00 : f32
      %broadcast_in_dim3A_405 = vector.broadcast %broadcast_in_dim3A_404 : f32 to vector<1x128xf32>
      %scan3A_406 = arith.constant 0 : i32
      %scan3A_407 = arith.constant 32 : i32
      %scan3A_408 = arith.addi %scan3A_406, %scan3A_407 : i32
      %scan3A_409 = arith.constant 1 : i32
      %scan3A_410 = scf.for %scan3A_621 = %scan3A_406 to %scan3A_408 step %scan3A_409 iter_args(%scan3A_622 = %broadcast_in_dim3A_405) -> (vector<1x128xf32>)  : i32 {
        %mul3A_623 = arith.constant 1024 : i32
        %mul3A_624 = arith.muli %scan3A_621, %mul3A_623 : i32
        %get3A_625 = arith.index_cast %mul3A_624 : i32 to index
        %get3A_626 = arith.constant 0 : index
        %get3A_627 = vector.load %arg4[%get3A_625, %get3A_626] : memref<32768x128xi32, #tpu.memory_space<vmem>>, vector<1024x128xi32>
        %ge3A_628 = vector.broadcast %bitcast_convert_type3A_403 : vector<1x128xi32> to vector<1024x128xi32>
        %ge3A_629 = arith.cmpi sge, %get3A_627, %ge3A_628 : vector<1024x128xi32>
        %jit3A = arith.constant 1.000000e+00 : f32
        %jit3A_630 = arith.constant 0.000000e+00 : f32
        %broadcast_in_dim3A_631 = vector.broadcast %jit3A : f32 to vector<1024x128xf32>
        %broadcast_in_dim3A_632 = vector.broadcast %jit3A_630 : f32 to vector<1024x128xf32>
        %select_n3A_633 = arith.select %ge3A_629, %broadcast_in_dim3A_631, %broadcast_in_dim3A_632 : vector<1024x128xi1>, vector<1024x128xf32>
        %dot_general3A = arith.constant dense<0.000000e+00> : vector<1x128xf32>
        %dot_general3A_634 = tpu.matmul %broadcast_in_dim3A_21, %select_n3A_633, %dot_general3A {dimension_numbers = #tpu.dot_dimension_numbers<[1], [0], [0], [1], [0, 0, 1, 1], [], []>, transpose_lhs_hint = false} : vector<1x1024xf32>, vector<1024x128xf32>, vector<1x128xf32> -> vector<1x128xf32>
        %add3A_635 = arith.addf %scan3A_622, %dot_general3A_634 : vector<1x128xf32>
        scf.yield %add3A_635 : vector<1x128xf32>
      }
      %scan3A_411 = arith.constant 32 : i32
      %ge3A_412 = arith.constant 5.120000e+02 : f32
      %ge3A_413 = vector.broadcast %ge3A_412 : f32 to vector<1x128xf32>
      %ge3A_414 = arith.cmpf oge, %scan3A_410, %ge3A_413 : vector<1x128xf32>
      %select_n3A_415 = arith.select %ge3A_414, %or3A_400, %select_n3A_397 : vector<1x128xi1>, vector<1x128xi32>
      %or3A_416 = arith.constant 512 : i32
      %or3A_417 = vector.broadcast %or3A_416 : i32 to vector<1x128xi32>
      %or3A_418 = arith.ori %select_n3A_415, %or3A_417 : vector<1x128xi32>
      %xor3A_419 = vector.broadcast %cond3A : i32 to vector<1x128xi32>
      %xor3A_420 = arith.xori %or3A_418, %xor3A_419 : vector<1x128xi32>
      %bitcast_convert_type3A_421 = tpu.bitcast %xor3A_420 : vector<1x128xi32> -> vector<1x128xi32>
      %broadcast_in_dim3A_422 = arith.constant 0.000000e+00 : f32
      %broadcast_in_dim3A_423 = vector.broadcast %broadcast_in_dim3A_422 : f32 to vector<1x128xf32>
      %scan3A_424 = arith.constant 0 : i32
      %scan3A_425 = arith.constant 32 : i32
      %scan3A_426 = arith.addi %scan3A_424, %scan3A_425 : i32
      %scan3A_427 = arith.constant 1 : i32
      %scan3A_428 = scf.for %scan3A_621 = %scan3A_424 to %scan3A_426 step %scan3A_427 iter_args(%scan3A_622 = %broadcast_in_dim3A_423) -> (vector<1x128xf32>)  : i32 {
        %mul3A_623 = arith.constant 1024 : i32
        %mul3A_624 = arith.muli %scan3A_621, %mul3A_623 : i32
        %get3A_625 = arith.index_cast %mul3A_624 : i32 to index
        %get3A_626 = arith.constant 0 : index
        %get3A_627 = vector.load %arg4[%get3A_625, %get3A_626] : memref<32768x128xi32, #tpu.memory_space<vmem>>, vector<1024x128xi32>
        %ge3A_628 = vector.broadcast %bitcast_convert_type3A_421 : vector<1x128xi32> to vector<1024x128xi32>
        %ge3A_629 = arith.cmpi sge, %get3A_627, %ge3A_628 : vector<1024x128xi32>
        %jit3A = arith.constant 1.000000e+00 : f32
        %jit3A_630 = arith.constant 0.000000e+00 : f32
        %broadcast_in_dim3A_631 = vector.broadcast %jit3A : f32 to vector<1024x128xf32>
        %broadcast_in_dim3A_632 = vector.broadcast %jit3A_630 : f32 to vector<1024x128xf32>
        %select_n3A_633 = arith.select %ge3A_629, %broadcast_in_dim3A_631, %broadcast_in_dim3A_632 : vector<1024x128xi1>, vector<1024x128xf32>
        %dot_general3A = arith.constant dense<0.000000e+00> : vector<1x128xf32>
        %dot_general3A_634 = tpu.matmul %broadcast_in_dim3A_21, %select_n3A_633, %dot_general3A {dimension_numbers = #tpu.dot_dimension_numbers<[1], [0], [0], [1], [0, 0, 1, 1], [], []>, transpose_lhs_hint = false} : vector<1x1024xf32>, vector<1024x128xf32>, vector<1x128xf32> -> vector<1x128xf32>
        %add3A_635 = arith.addf %scan3A_622, %dot_general3A_634 : vector<1x128xf32>
        scf.yield %add3A_635 : vector<1x128xf32>
      }
      %scan3A_429 = arith.constant 32 : i32
      %ge3A_430 = arith.constant 5.120000e+02 : f32
      %ge3A_431 = vector.broadcast %ge3A_430 : f32 to vector<1x128xf32>
      %ge3A_432 = arith.cmpf oge, %scan3A_428, %ge3A_431 : vector<1x128xf32>
      %select_n3A_433 = arith.select %ge3A_432, %or3A_418, %select_n3A_415 : vector<1x128xi1>, vector<1x128xi32>
      %or3A_434 = arith.constant 256 : i32
      %or3A_435 = vector.broadcast %or3A_434 : i32 to vector<1x128xi32>
      %or3A_436 = arith.ori %select_n3A_433, %or3A_435 : vector<1x128xi32>
      %xor3A_437 = vector.broadcast %cond3A : i32 to vector<1x128xi32>
      %xor3A_438 = arith.xori %or3A_436, %xor3A_437 : vector<1x128xi32>
      %bitcast_convert_type3A_439 = tpu.bitcast %xor3A_438 : vector<1x128xi32> -> vector<1x128xi32>
      %broadcast_in_dim3A_440 = arith.constant 0.000000e+00 : f32
      %broadcast_in_dim3A_441 = vector.broadcast %broadcast_in_dim3A_440 : f32 to vector<1x128xf32>
      %scan3A_442 = arith.constant 0 : i32
      %scan3A_443 = arith.constant 32 : i32
      %scan3A_444 = arith.addi %scan3A_442, %scan3A_443 : i32
      %scan3A_445 = arith.constant 1 : i32
      %scan3A_446 = scf.for %scan3A_621 = %scan3A_442 to %scan3A_444 step %scan3A_445 iter_args(%scan3A_622 = %broadcast_in_dim3A_441) -> (vector<1x128xf32>)  : i32 {
        %mul3A_623 = arith.constant 1024 : i32
        %mul3A_624 = arith.muli %scan3A_621, %mul3A_623 : i32
        %get3A_625 = arith.index_cast %mul3A_624 : i32 to index
        %get3A_626 = arith.constant 0 : index
        %get3A_627 = vector.load %arg4[%get3A_625, %get3A_626] : memref<32768x128xi32, #tpu.memory_space<vmem>>, vector<1024x128xi32>
        %ge3A_628 = vector.broadcast %bitcast_convert_type3A_439 : vector<1x128xi32> to vector<1024x128xi32>
        %ge3A_629 = arith.cmpi sge, %get3A_627, %ge3A_628 : vector<1024x128xi32>
        %jit3A = arith.constant 1.000000e+00 : f32
        %jit3A_630 = arith.constant 0.000000e+00 : f32
        %broadcast_in_dim3A_631 = vector.broadcast %jit3A : f32 to vector<1024x128xf32>
        %broadcast_in_dim3A_632 = vector.broadcast %jit3A_630 : f32 to vector<1024x128xf32>
        %select_n3A_633 = arith.select %ge3A_629, %broadcast_in_dim3A_631, %broadcast_in_dim3A_632 : vector<1024x128xi1>, vector<1024x128xf32>
        %dot_general3A = arith.constant dense<0.000000e+00> : vector<1x128xf32>
        %dot_general3A_634 = tpu.matmul %broadcast_in_dim3A_21, %select_n3A_633, %dot_general3A {dimension_numbers = #tpu.dot_dimension_numbers<[1], [0], [0], [1], [0, 0, 1, 1], [], []>, transpose_lhs_hint = false} : vector<1x1024xf32>, vector<1024x128xf32>, vector<1x128xf32> -> vector<1x128xf32>
        %add3A_635 = arith.addf %scan3A_622, %dot_general3A_634 : vector<1x128xf32>
        scf.yield %add3A_635 : vector<1x128xf32>
      }
      %scan3A_447 = arith.constant 32 : i32
      %ge3A_448 = arith.constant 5.120000e+02 : f32
      %ge3A_449 = vector.broadcast %ge3A_448 : f32 to vector<1x128xf32>
      %ge3A_450 = arith.cmpf oge, %scan3A_446, %ge3A_449 : vector<1x128xf32>
      %select_n3A_451 = arith.select %ge3A_450, %or3A_436, %select_n3A_433 : vector<1x128xi1>, vector<1x128xi32>
      %or3A_452 = arith.constant 128 : i32
      %or3A_453 = vector.broadcast %or3A_452 : i32 to vector<1x128xi32>
      %or3A_454 = arith.ori %select_n3A_451, %or3A_453 : vector<1x128xi32>
      %xor3A_455 = vector.broadcast %cond3A : i32 to vector<1x128xi32>
      %xor3A_456 = arith.xori %or3A_454, %xor3A_455 : vector<1x128xi32>
      %bitcast_convert_type3A_457 = tpu.bitcast %xor3A_456 : vector<1x128xi32> -> vector<1x128xi32>
      %broadcast_in_dim3A_458 = arith.constant 0.000000e+00 : f32
      %broadcast_in_dim3A_459 = vector.broadcast %broadcast_in_dim3A_458 : f32 to vector<1x128xf32>
      %scan3A_460 = arith.constant 0 : i32
      %scan3A_461 = arith.constant 32 : i32
      %scan3A_462 = arith.addi %scan3A_460, %scan3A_461 : i32
      %scan3A_463 = arith.constant 1 : i32
      %scan3A_464 = scf.for %scan3A_621 = %scan3A_460 to %scan3A_462 step %scan3A_463 iter_args(%scan3A_622 = %broadcast_in_dim3A_459) -> (vector<1x128xf32>)  : i32 {
        %mul3A_623 = arith.constant 1024 : i32
        %mul3A_624 = arith.muli %scan3A_621, %mul3A_623 : i32
        %get3A_625 = arith.index_cast %mul3A_624 : i32 to index
        %get3A_626 = arith.constant 0 : index
        %get3A_627 = vector.load %arg4[%get3A_625, %get3A_626] : memref<32768x128xi32, #tpu.memory_space<vmem>>, vector<1024x128xi32>
        %ge3A_628 = vector.broadcast %bitcast_convert_type3A_457 : vector<1x128xi32> to vector<1024x128xi32>
        %ge3A_629 = arith.cmpi sge, %get3A_627, %ge3A_628 : vector<1024x128xi32>
        %jit3A = arith.constant 1.000000e+00 : f32
        %jit3A_630 = arith.constant 0.000000e+00 : f32
        %broadcast_in_dim3A_631 = vector.broadcast %jit3A : f32 to vector<1024x128xf32>
        %broadcast_in_dim3A_632 = vector.broadcast %jit3A_630 : f32 to vector<1024x128xf32>
        %select_n3A_633 = arith.select %ge3A_629, %broadcast_in_dim3A_631, %broadcast_in_dim3A_632 : vector<1024x128xi1>, vector<1024x128xf32>
        %dot_general3A = arith.constant dense<0.000000e+00> : vector<1x128xf32>
        %dot_general3A_634 = tpu.matmul %broadcast_in_dim3A_21, %select_n3A_633, %dot_general3A {dimension_numbers = #tpu.dot_dimension_numbers<[1], [0], [0], [1], [0, 0, 1, 1], [], []>, transpose_lhs_hint = false} : vector<1x1024xf32>, vector<1024x128xf32>, vector<1x128xf32> -> vector<1x128xf32>
        %add3A_635 = arith.addf %scan3A_622, %dot_general3A_634 : vector<1x128xf32>
        scf.yield %add3A_635 : vector<1x128xf32>
      }
      %scan3A_465 = arith.constant 32 : i32
      %ge3A_466 = arith.constant 5.120000e+02 : f32
      %ge3A_467 = vector.broadcast %ge3A_466 : f32 to vector<1x128xf32>
      %ge3A_468 = arith.cmpf oge, %scan3A_464, %ge3A_467 : vector<1x128xf32>
      %select_n3A_469 = arith.select %ge3A_468, %or3A_454, %select_n3A_451 : vector<1x128xi1>, vector<1x128xi32>
      %or3A_470 = arith.constant 64 : i32
      %or3A_471 = vector.broadcast %or3A_470 : i32 to vector<1x128xi32>
      %or3A_472 = arith.ori %select_n3A_469, %or3A_471 : vector<1x128xi32>
      %xor3A_473 = vector.broadcast %cond3A : i32 to vector<1x128xi32>
      %xor3A_474 = arith.xori %or3A_472, %xor3A_473 : vector<1x128xi32>
      %bitcast_convert_type3A_475 = tpu.bitcast %xor3A_474 : vector<1x128xi32> -> vector<1x128xi32>
      %broadcast_in_dim3A_476 = arith.constant 0.000000e+00 : f32
      %broadcast_in_dim3A_477 = vector.broadcast %broadcast_in_dim3A_476 : f32 to vector<1x128xf32>
      %scan3A_478 = arith.constant 0 : i32
      %scan3A_479 = arith.constant 32 : i32
      %scan3A_480 = arith.addi %scan3A_478, %scan3A_479 : i32
      %scan3A_481 = arith.constant 1 : i32
      %scan3A_482 = scf.for %scan3A_621 = %scan3A_478 to %scan3A_480 step %scan3A_481 iter_args(%scan3A_622 = %broadcast_in_dim3A_477) -> (vector<1x128xf32>)  : i32 {
        %mul3A_623 = arith.constant 1024 : i32
        %mul3A_624 = arith.muli %scan3A_621, %mul3A_623 : i32
        %get3A_625 = arith.index_cast %mul3A_624 : i32 to index
        %get3A_626 = arith.constant 0 : index
        %get3A_627 = vector.load %arg4[%get3A_625, %get3A_626] : memref<32768x128xi32, #tpu.memory_space<vmem>>, vector<1024x128xi32>
        %ge3A_628 = vector.broadcast %bitcast_convert_type3A_475 : vector<1x128xi32> to vector<1024x128xi32>
        %ge3A_629 = arith.cmpi sge, %get3A_627, %ge3A_628 : vector<1024x128xi32>
        %jit3A = arith.constant 1.000000e+00 : f32
        %jit3A_630 = arith.constant 0.000000e+00 : f32
        %broadcast_in_dim3A_631 = vector.broadcast %jit3A : f32 to vector<1024x128xf32>
        %broadcast_in_dim3A_632 = vector.broadcast %jit3A_630 : f32 to vector<1024x128xf32>
        %select_n3A_633 = arith.select %ge3A_629, %broadcast_in_dim3A_631, %broadcast_in_dim3A_632 : vector<1024x128xi1>, vector<1024x128xf32>
        %dot_general3A = arith.constant dense<0.000000e+00> : vector<1x128xf32>
        %dot_general3A_634 = tpu.matmul %broadcast_in_dim3A_21, %select_n3A_633, %dot_general3A {dimension_numbers = #tpu.dot_dimension_numbers<[1], [0], [0], [1], [0, 0, 1, 1], [], []>, transpose_lhs_hint = false} : vector<1x1024xf32>, vector<1024x128xf32>, vector<1x128xf32> -> vector<1x128xf32>
        %add3A_635 = arith.addf %scan3A_622, %dot_general3A_634 : vector<1x128xf32>
        scf.yield %add3A_635 : vector<1x128xf32>
      }
      %scan3A_483 = arith.constant 32 : i32
      %ge3A_484 = arith.constant 5.120000e+02 : f32
      %ge3A_485 = vector.broadcast %ge3A_484 : f32 to vector<1x128xf32>
      %ge3A_486 = arith.cmpf oge, %scan3A_482, %ge3A_485 : vector<1x128xf32>
      %select_n3A_487 = arith.select %ge3A_486, %or3A_472, %select_n3A_469 : vector<1x128xi1>, vector<1x128xi32>
      %or3A_488 = arith.constant 32 : i32
      %or3A_489 = vector.broadcast %or3A_488 : i32 to vector<1x128xi32>
      %or3A_490 = arith.ori %select_n3A_487, %or3A_489 : vector<1x128xi32>
      %xor3A_491 = vector.broadcast %cond3A : i32 to vector<1x128xi32>
      %xor3A_492 = arith.xori %or3A_490, %xor3A_491 : vector<1x128xi32>
      %bitcast_convert_type3A_493 = tpu.bitcast %xor3A_492 : vector<1x128xi32> -> vector<1x128xi32>
      %broadcast_in_dim3A_494 = arith.constant 0.000000e+00 : f32
      %broadcast_in_dim3A_495 = vector.broadcast %broadcast_in_dim3A_494 : f32 to vector<1x128xf32>
      %scan3A_496 = arith.constant 0 : i32
      %scan3A_497 = arith.constant 32 : i32
      %scan3A_498 = arith.addi %scan3A_496, %scan3A_497 : i32
      %scan3A_499 = arith.constant 1 : i32
      %scan3A_500 = scf.for %scan3A_621 = %scan3A_496 to %scan3A_498 step %scan3A_499 iter_args(%scan3A_622 = %broadcast_in_dim3A_495) -> (vector<1x128xf32>)  : i32 {
        %mul3A_623 = arith.constant 1024 : i32
        %mul3A_624 = arith.muli %scan3A_621, %mul3A_623 : i32
        %get3A_625 = arith.index_cast %mul3A_624 : i32 to index
        %get3A_626 = arith.constant 0 : index
        %get3A_627 = vector.load %arg4[%get3A_625, %get3A_626] : memref<32768x128xi32, #tpu.memory_space<vmem>>, vector<1024x128xi32>
        %ge3A_628 = vector.broadcast %bitcast_convert_type3A_493 : vector<1x128xi32> to vector<1024x128xi32>
        %ge3A_629 = arith.cmpi sge, %get3A_627, %ge3A_628 : vector<1024x128xi32>
        %jit3A = arith.constant 1.000000e+00 : f32
        %jit3A_630 = arith.constant 0.000000e+00 : f32
        %broadcast_in_dim3A_631 = vector.broadcast %jit3A : f32 to vector<1024x128xf32>
        %broadcast_in_dim3A_632 = vector.broadcast %jit3A_630 : f32 to vector<1024x128xf32>
        %select_n3A_633 = arith.select %ge3A_629, %broadcast_in_dim3A_631, %broadcast_in_dim3A_632 : vector<1024x128xi1>, vector<1024x128xf32>
        %dot_general3A = arith.constant dense<0.000000e+00> : vector<1x128xf32>
        %dot_general3A_634 = tpu.matmul %broadcast_in_dim3A_21, %select_n3A_633, %dot_general3A {dimension_numbers = #tpu.dot_dimension_numbers<[1], [0], [0], [1], [0, 0, 1, 1], [], []>, transpose_lhs_hint = false} : vector<1x1024xf32>, vector<1024x128xf32>, vector<1x128xf32> -> vector<1x128xf32>
        %add3A_635 = arith.addf %scan3A_622, %dot_general3A_634 : vector<1x128xf32>
        scf.yield %add3A_635 : vector<1x128xf32>
      }
      %scan3A_501 = arith.constant 32 : i32
      %ge3A_502 = arith.constant 5.120000e+02 : f32
      %ge3A_503 = vector.broadcast %ge3A_502 : f32 to vector<1x128xf32>
      %ge3A_504 = arith.cmpf oge, %scan3A_500, %ge3A_503 : vector<1x128xf32>
      %select_n3A_505 = arith.select %ge3A_504, %or3A_490, %select_n3A_487 : vector<1x128xi1>, vector<1x128xi32>
      %or3A_506 = arith.constant 16 : i32
      %or3A_507 = vector.broadcast %or3A_506 : i32 to vector<1x128xi32>
      %or3A_508 = arith.ori %select_n3A_505, %or3A_507 : vector<1x128xi32>
      %xor3A_509 = vector.broadcast %cond3A : i32 to vector<1x128xi32>
      %xor3A_510 = arith.xori %or3A_508, %xor3A_509 : vector<1x128xi32>
      %bitcast_convert_type3A_511 = tpu.bitcast %xor3A_510 : vector<1x128xi32> -> vector<1x128xi32>
      %broadcast_in_dim3A_512 = arith.constant 0.000000e+00 : f32
      %broadcast_in_dim3A_513 = vector.broadcast %broadcast_in_dim3A_512 : f32 to vector<1x128xf32>
      %scan3A_514 = arith.constant 0 : i32
      %scan3A_515 = arith.constant 32 : i32
      %scan3A_516 = arith.addi %scan3A_514, %scan3A_515 : i32
      %scan3A_517 = arith.constant 1 : i32
      %scan3A_518 = scf.for %scan3A_621 = %scan3A_514 to %scan3A_516 step %scan3A_517 iter_args(%scan3A_622 = %broadcast_in_dim3A_513) -> (vector<1x128xf32>)  : i32 {
        %mul3A_623 = arith.constant 1024 : i32
        %mul3A_624 = arith.muli %scan3A_621, %mul3A_623 : i32
        %get3A_625 = arith.index_cast %mul3A_624 : i32 to index
        %get3A_626 = arith.constant 0 : index
        %get3A_627 = vector.load %arg4[%get3A_625, %get3A_626] : memref<32768x128xi32, #tpu.memory_space<vmem>>, vector<1024x128xi32>
        %ge3A_628 = vector.broadcast %bitcast_convert_type3A_511 : vector<1x128xi32> to vector<1024x128xi32>
        %ge3A_629 = arith.cmpi sge, %get3A_627, %ge3A_628 : vector<1024x128xi32>
        %jit3A = arith.constant 1.000000e+00 : f32
        %jit3A_630 = arith.constant 0.000000e+00 : f32
        %broadcast_in_dim3A_631 = vector.broadcast %jit3A : f32 to vector<1024x128xf32>
        %broadcast_in_dim3A_632 = vector.broadcast %jit3A_630 : f32 to vector<1024x128xf32>
        %select_n3A_633 = arith.select %ge3A_629, %broadcast_in_dim3A_631, %broadcast_in_dim3A_632 : vector<1024x128xi1>, vector<1024x128xf32>
        %dot_general3A = arith.constant dense<0.000000e+00> : vector<1x128xf32>
        %dot_general3A_634 = tpu.matmul %broadcast_in_dim3A_21, %select_n3A_633, %dot_general3A {dimension_numbers = #tpu.dot_dimension_numbers<[1], [0], [0], [1], [0, 0, 1, 1], [], []>, transpose_lhs_hint = false} : vector<1x1024xf32>, vector<1024x128xf32>, vector<1x128xf32> -> vector<1x128xf32>
        %add3A_635 = arith.addf %scan3A_622, %dot_general3A_634 : vector<1x128xf32>
        scf.yield %add3A_635 : vector<1x128xf32>
      }
      %scan3A_519 = arith.constant 32 : i32
      %ge3A_520 = arith.constant 5.120000e+02 : f32
      %ge3A_521 = vector.broadcast %ge3A_520 : f32 to vector<1x128xf32>
      %ge3A_522 = arith.cmpf oge, %scan3A_518, %ge3A_521 : vector<1x128xf32>
      %select_n3A_523 = arith.select %ge3A_522, %or3A_508, %select_n3A_505 : vector<1x128xi1>, vector<1x128xi32>
      %or3A_524 = arith.constant 8 : i32
      %or3A_525 = vector.broadcast %or3A_524 : i32 to vector<1x128xi32>
      %or3A_526 = arith.ori %select_n3A_523, %or3A_525 : vector<1x128xi32>
      %xor3A_527 = vector.broadcast %cond3A : i32 to vector<1x128xi32>
      %xor3A_528 = arith.xori %or3A_526, %xor3A_527 : vector<1x128xi32>
      %bitcast_convert_type3A_529 = tpu.bitcast %xor3A_528 : vector<1x128xi32> -> vector<1x128xi32>
      %broadcast_in_dim3A_530 = arith.constant 0.000000e+00 : f32
      %broadcast_in_dim3A_531 = vector.broadcast %broadcast_in_dim3A_530 : f32 to vector<1x128xf32>
      %scan3A_532 = arith.constant 0 : i32
      %scan3A_533 = arith.constant 32 : i32
      %scan3A_534 = arith.addi %scan3A_532, %scan3A_533 : i32
      %scan3A_535 = arith.constant 1 : i32
      %scan3A_536 = scf.for %scan3A_621 = %scan3A_532 to %scan3A_534 step %scan3A_535 iter_args(%scan3A_622 = %broadcast_in_dim3A_531) -> (vector<1x128xf32>)  : i32 {
        %mul3A_623 = arith.constant 1024 : i32
        %mul3A_624 = arith.muli %scan3A_621, %mul3A_623 : i32
        %get3A_625 = arith.index_cast %mul3A_624 : i32 to index
        %get3A_626 = arith.constant 0 : index
        %get3A_627 = vector.load %arg4[%get3A_625, %get3A_626] : memref<32768x128xi32, #tpu.memory_space<vmem>>, vector<1024x128xi32>
        %ge3A_628 = vector.broadcast %bitcast_convert_type3A_529 : vector<1x128xi32> to vector<1024x128xi32>
        %ge3A_629 = arith.cmpi sge, %get3A_627, %ge3A_628 : vector<1024x128xi32>
        %jit3A = arith.constant 1.000000e+00 : f32
        %jit3A_630 = arith.constant 0.000000e+00 : f32
        %broadcast_in_dim3A_631 = vector.broadcast %jit3A : f32 to vector<1024x128xf32>
        %broadcast_in_dim3A_632 = vector.broadcast %jit3A_630 : f32 to vector<1024x128xf32>
        %select_n3A_633 = arith.select %ge3A_629, %broadcast_in_dim3A_631, %broadcast_in_dim3A_632 : vector<1024x128xi1>, vector<1024x128xf32>
        %dot_general3A = arith.constant dense<0.000000e+00> : vector<1x128xf32>
        %dot_general3A_634 = tpu.matmul %broadcast_in_dim3A_21, %select_n3A_633, %dot_general3A {dimension_numbers = #tpu.dot_dimension_numbers<[1], [0], [0], [1], [0, 0, 1, 1], [], []>, transpose_lhs_hint = false} : vector<1x1024xf32>, vector<1024x128xf32>, vector<1x128xf32> -> vector<1x128xf32>
        %add3A_635 = arith.addf %scan3A_622, %dot_general3A_634 : vector<1x128xf32>
        scf.yield %add3A_635 : vector<1x128xf32>
      }
      %scan3A_537 = arith.constant 32 : i32
      %ge3A_538 = arith.constant 5.120000e+02 : f32
      %ge3A_539 = vector.broadcast %ge3A_538 : f32 to vector<1x128xf32>
      %ge3A_540 = arith.cmpf oge, %scan3A_536, %ge3A_539 : vector<1x128xf32>
      %select_n3A_541 = arith.select %ge3A_540, %or3A_526, %select_n3A_523 : vector<1x128xi1>, vector<1x128xi32>
      %or3A_542 = arith.constant 4 : i32
      %or3A_543 = vector.broadcast %or3A_542 : i32 to vector<1x128xi32>
      %or3A_544 = arith.ori %select_n3A_541, %or3A_543 : vector<1x128xi32>
      %xor3A_545 = vector.broadcast %cond3A : i32 to vector<1x128xi32>
      %xor3A_546 = arith.xori %or3A_544, %xor3A_545 : vector<1x128xi32>
      %bitcast_convert_type3A_547 = tpu.bitcast %xor3A_546 : vector<1x128xi32> -> vector<1x128xi32>
      %broadcast_in_dim3A_548 = arith.constant 0.000000e+00 : f32
      %broadcast_in_dim3A_549 = vector.broadcast %broadcast_in_dim3A_548 : f32 to vector<1x128xf32>
      %scan3A_550 = arith.constant 0 : i32
      %scan3A_551 = arith.constant 32 : i32
      %scan3A_552 = arith.addi %scan3A_550, %scan3A_551 : i32
      %scan3A_553 = arith.constant 1 : i32
      %scan3A_554 = scf.for %scan3A_621 = %scan3A_550 to %scan3A_552 step %scan3A_553 iter_args(%scan3A_622 = %broadcast_in_dim3A_549) -> (vector<1x128xf32>)  : i32 {
        %mul3A_623 = arith.constant 1024 : i32
        %mul3A_624 = arith.muli %scan3A_621, %mul3A_623 : i32
        %get3A_625 = arith.index_cast %mul3A_624 : i32 to index
        %get3A_626 = arith.constant 0 : index
        %get3A_627 = vector.load %arg4[%get3A_625, %get3A_626] : memref<32768x128xi32, #tpu.memory_space<vmem>>, vector<1024x128xi32>
        %ge3A_628 = vector.broadcast %bitcast_convert_type3A_547 : vector<1x128xi32> to vector<1024x128xi32>
        %ge3A_629 = arith.cmpi sge, %get3A_627, %ge3A_628 : vector<1024x128xi32>
        %jit3A = arith.constant 1.000000e+00 : f32
        %jit3A_630 = arith.constant 0.000000e+00 : f32
        %broadcast_in_dim3A_631 = vector.broadcast %jit3A : f32 to vector<1024x128xf32>
        %broadcast_in_dim3A_632 = vector.broadcast %jit3A_630 : f32 to vector<1024x128xf32>
        %select_n3A_633 = arith.select %ge3A_629, %broadcast_in_dim3A_631, %broadcast_in_dim3A_632 : vector<1024x128xi1>, vector<1024x128xf32>
        %dot_general3A = arith.constant dense<0.000000e+00> : vector<1x128xf32>
        %dot_general3A_634 = tpu.matmul %broadcast_in_dim3A_21, %select_n3A_633, %dot_general3A {dimension_numbers = #tpu.dot_dimension_numbers<[1], [0], [0], [1], [0, 0, 1, 1], [], []>, transpose_lhs_hint = false} : vector<1x1024xf32>, vector<1024x128xf32>, vector<1x128xf32> -> vector<1x128xf32>
        %add3A_635 = arith.addf %scan3A_622, %dot_general3A_634 : vector<1x128xf32>
        scf.yield %add3A_635 : vector<1x128xf32>
      }
      %scan3A_555 = arith.constant 32 : i32
      %ge3A_556 = arith.constant 5.120000e+02 : f32
      %ge3A_557 = vector.broadcast %ge3A_556 : f32 to vector<1x128xf32>
      %ge3A_558 = arith.cmpf oge, %scan3A_554, %ge3A_557 : vector<1x128xf32>
      %select_n3A_559 = arith.select %ge3A_558, %or3A_544, %select_n3A_541 : vector<1x128xi1>, vector<1x128xi32>
      %or3A_560 = arith.constant 2 : i32
      %or3A_561 = vector.broadcast %or3A_560 : i32 to vector<1x128xi32>
      %or3A_562 = arith.ori %select_n3A_559, %or3A_561 : vector<1x128xi32>
      %xor3A_563 = vector.broadcast %cond3A : i32 to vector<1x128xi32>
      %xor3A_564 = arith.xori %or3A_562, %xor3A_563 : vector<1x128xi32>
      %bitcast_convert_type3A_565 = tpu.bitcast %xor3A_564 : vector<1x128xi32> -> vector<1x128xi32>
      %broadcast_in_dim3A_566 = arith.constant 0.000000e+00 : f32
      %broadcast_in_dim3A_567 = vector.broadcast %broadcast_in_dim3A_566 : f32 to vector<1x128xf32>
      %scan3A_568 = arith.constant 0 : i32
      %scan3A_569 = arith.constant 32 : i32
      %scan3A_570 = arith.addi %scan3A_568, %scan3A_569 : i32
      %scan3A_571 = arith.constant 1 : i32
      %scan3A_572 = scf.for %scan3A_621 = %scan3A_568 to %scan3A_570 step %scan3A_571 iter_args(%scan3A_622 = %broadcast_in_dim3A_567) -> (vector<1x128xf32>)  : i32 {
        %mul3A_623 = arith.constant 1024 : i32
        %mul3A_624 = arith.muli %scan3A_621, %mul3A_623 : i32
        %get3A_625 = arith.index_cast %mul3A_624 : i32 to index
        %get3A_626 = arith.constant 0 : index
        %get3A_627 = vector.load %arg4[%get3A_625, %get3A_626] : memref<32768x128xi32, #tpu.memory_space<vmem>>, vector<1024x128xi32>
        %ge3A_628 = vector.broadcast %bitcast_convert_type3A_565 : vector<1x128xi32> to vector<1024x128xi32>
        %ge3A_629 = arith.cmpi sge, %get3A_627, %ge3A_628 : vector<1024x128xi32>
        %jit3A = arith.constant 1.000000e+00 : f32
        %jit3A_630 = arith.constant 0.000000e+00 : f32
        %broadcast_in_dim3A_631 = vector.broadcast %jit3A : f32 to vector<1024x128xf32>
        %broadcast_in_dim3A_632 = vector.broadcast %jit3A_630 : f32 to vector<1024x128xf32>
        %select_n3A_633 = arith.select %ge3A_629, %broadcast_in_dim3A_631, %broadcast_in_dim3A_632 : vector<1024x128xi1>, vector<1024x128xf32>
        %dot_general3A = arith.constant dense<0.000000e+00> : vector<1x128xf32>
        %dot_general3A_634 = tpu.matmul %broadcast_in_dim3A_21, %select_n3A_633, %dot_general3A {dimension_numbers = #tpu.dot_dimension_numbers<[1], [0], [0], [1], [0, 0, 1, 1], [], []>, transpose_lhs_hint = false} : vector<1x1024xf32>, vector<1024x128xf32>, vector<1x128xf32> -> vector<1x128xf32>
        %add3A_635 = arith.addf %scan3A_622, %dot_general3A_634 : vector<1x128xf32>
        scf.yield %add3A_635 : vector<1x128xf32>
      }
      %scan3A_573 = arith.constant 32 : i32
      %ge3A_574 = arith.constant 5.120000e+02 : f32
      %ge3A_575 = vector.broadcast %ge3A_574 : f32 to vector<1x128xf32>
      %ge3A_576 = arith.cmpf oge, %scan3A_572, %ge3A_575 : vector<1x128xf32>
      %select_n3A_577 = arith.select %ge3A_576, %or3A_562, %select_n3A_559 : vector<1x128xi1>, vector<1x128xi32>
      %or3A_578 = arith.constant 1 : i32
      %or3A_579 = vector.broadcast %or3A_578 : i32 to vector<1x128xi32>
      %or3A_580 = arith.ori %select_n3A_577, %or3A_579 : vector<1x128xi32>
      %xor3A_581 = vector.broadcast %cond3A : i32 to vector<1x128xi32>
      %xor3A_582 = arith.xori %or3A_580, %xor3A_581 : vector<1x128xi32>
      %bitcast_convert_type3A_583 = tpu.bitcast %xor3A_582 : vector<1x128xi32> -> vector<1x128xi32>
      %broadcast_in_dim3A_584 = arith.constant 0.000000e+00 : f32
      %broadcast_in_dim3A_585 = vector.broadcast %broadcast_in_dim3A_584 : f32 to vector<1x128xf32>
      %scan3A_586 = arith.constant 0 : i32
      %scan3A_587 = arith.constant 32 : i32
      %scan3A_588 = arith.addi %scan3A_586, %scan3A_587 : i32
      %scan3A_589 = arith.constant 1 : i32
      %scan3A_590 = scf.for %scan3A_621 = %scan3A_586 to %scan3A_588 step %scan3A_589 iter_args(%scan3A_622 = %broadcast_in_dim3A_585) -> (vector<1x128xf32>)  : i32 {
        %mul3A_623 = arith.constant 1024 : i32
        %mul3A_624 = arith.muli %scan3A_621, %mul3A_623 : i32
        %get3A_625 = arith.index_cast %mul3A_624 : i32 to index
        %get3A_626 = arith.constant 0 : index
        %get3A_627 = vector.load %arg4[%get3A_625, %get3A_626] : memref<32768x128xi32, #tpu.memory_space<vmem>>, vector<1024x128xi32>
        %ge3A_628 = vector.broadcast %bitcast_convert_type3A_583 : vector<1x128xi32> to vector<1024x128xi32>
        %ge3A_629 = arith.cmpi sge, %get3A_627, %ge3A_628 : vector<1024x128xi32>
        %jit3A = arith.constant 1.000000e+00 : f32
        %jit3A_630 = arith.constant 0.000000e+00 : f32
        %broadcast_in_dim3A_631 = vector.broadcast %jit3A : f32 to vector<1024x128xf32>
        %broadcast_in_dim3A_632 = vector.broadcast %jit3A_630 : f32 to vector<1024x128xf32>
        %select_n3A_633 = arith.select %ge3A_629, %broadcast_in_dim3A_631, %broadcast_in_dim3A_632 : vector<1024x128xi1>, vector<1024x128xf32>
        %dot_general3A = arith.constant dense<0.000000e+00> : vector<1x128xf32>
        %dot_general3A_634 = tpu.matmul %broadcast_in_dim3A_21, %select_n3A_633, %dot_general3A {dimension_numbers = #tpu.dot_dimension_numbers<[1], [0], [0], [1], [0, 0, 1, 1], [], []>, transpose_lhs_hint = false} : vector<1x1024xf32>, vector<1024x128xf32>, vector<1x128xf32> -> vector<1x128xf32>
        %add3A_635 = arith.addf %scan3A_622, %dot_general3A_634 : vector<1x128xf32>
        scf.yield %add3A_635 : vector<1x128xf32>
      }
      %scan3A_591 = arith.constant 32 : i32
      %ge3A_592 = arith.constant 5.120000e+02 : f32
      %ge3A_593 = vector.broadcast %ge3A_592 : f32 to vector<1x128xf32>
      %ge3A_594 = arith.cmpf oge, %scan3A_590, %ge3A_593 : vector<1x128xf32>
      %select_n3A_595 = arith.select %ge3A_594, %or3A_580, %select_n3A_577 : vector<1x128xi1>, vector<1x128xi32>
      %ge3A_596 = vector.broadcast %cond3A : i32 to vector<1x128xi32>
      %ge3A_597 = arith.cmpi uge, %select_n3A_595, %ge3A_596 : vector<1x128xi32>
      %sub3A = vector.broadcast %cond3A : i32 to vector<1x128xi32>
      %sub3A_598 = arith.subi %select_n3A_595, %sub3A : vector<1x128xi32>
      %not3A_599 = arith.constant dense<-1> : vector<1x128xi32>
      %not3A_600 = arith.xori %select_n3A_595, %not3A_599 : vector<1x128xi32>
      %select_n3A_601 = arith.select %ge3A_597, %sub3A_598, %not3A_600 : vector<1x128xi1>, vector<1x128xi32>
      %bitcast_convert_type3A_602 = tpu.bitcast %select_n3A_601 : vector<1x128xi32> -> vector<1x128xf32>
      %slice3A_603 = vector.extract_strided_slice %bitcast_convert_type3A_602 {offsets = [0, 0], sizes = [1, 64], strides = [1, 1]} : vector<1x128xf32> to vector<1x64xf32>
      %broadcast_in_dim3A_604 = vector.shape_cast %slice3A_603 : vector<1x64xf32> to vector<1x64xf32>
      %broadcast_in_dim3A_605 = vector.broadcast %broadcast_in_dim3A_604 : vector<1x64xf32> to vector<8x64xf32>
      %swap3A_606 = arith.constant 0 : index
      %swap3A_607 = arith.constant 0 : index
      %swap3A_608 = arith.constant 0 : index
      %swap3A_609 = vector.load %arg3[%swap3A_606, %swap3A_607, %swap3A_608] : memref<2x8x64xf32, #tpu.memory_space<vmem>>, vector<1x8x64xf32>
      %swap3A_610 = vector.shape_cast %swap3A_609 : vector<1x8x64xf32> to vector<8x64xf32>
      %swap3A_611 = vector.shape_cast %broadcast_in_dim3A_605 : vector<8x64xf32> to vector<1x8x64xf32>
      tpu.vector_store %arg3[%swap3A_606, %swap3A_607, %swap3A_608], %swap3A_611 {strides = array<i32>} : memref<2x8x64xf32, #tpu.memory_space<vmem>>, vector<1x8x64xf32>,
      %slice3A_612 = vector.extract_strided_slice %bitcast_convert_type3A_602 {offsets = [0, 64], sizes = [1, 64], strides = [1, 1]} : vector<1x128xf32> to vector<1x64xf32>
      %broadcast_in_dim3A_613 = vector.shape_cast %slice3A_612 : vector<1x64xf32> to vector<1x64xf32>
      %broadcast_in_dim3A_614 = vector.broadcast %broadcast_in_dim3A_613 : vector<1x64xf32> to vector<8x64xf32>
      %swap3A_615 = arith.constant 1 : index
      %swap3A_616 = arith.constant 0 : index
      %swap3A_617 = arith.constant 0 : index
      %swap3A_618 = vector.load %arg3[%swap3A_615, %swap3A_616, %swap3A_617] : memref<2x8x64xf32, #tpu.memory_space<vmem>>, vector<1x8x64xf32>
      %swap3A_619 = vector.shape_cast %swap3A_618 : vector<1x8x64xf32> to vector<8x64xf32>
      %swap3A_620 = vector.shape_cast %broadcast_in_dim3A_614 : vector<8x64xf32> to vector<1x8x64xf32>
      tpu.vector_store %arg3[%swap3A_615, %swap3A_616, %swap3A_617], %swap3A_620 {strides = array<i32>} : memref<2x8x64xf32, #tpu.memory_space<vmem>>, vector<1x8x64xf32>,
    } else {
    }
    return
  }
  func.func @transform_0(%arg0: i32, %arg1: i32) -> (i32, i32, i32) {
    %c0_i32 = arith.constant 0 : i32
    %c0_i32_0 = arith.constant 0 : i32
    return %arg0, %arg1, %c0_i32 : i32, i32, i32
  }
  func.func @transform_1(%arg0: i32, %arg1: i32) -> (i32, i32, i32) {
    %c0_i32 = arith.constant 0 : i32
    %c0_i32_0 = arith.constant 0 : i32
    %c0_i32_1 = arith.constant 0 : i32
    return %arg0, %c0_i32, %c0_i32_0 : i32, i32, i32
  }
}

module attributes {stable_mosaic.version = 14 : i64} {
  func.func @_sort_body(%arg0: i32, %arg1: memref<2x512x64xf32, #tpu.memory_space<vmem>>, %arg2: memref<2x512x64xf32, #tpu.memory_space<vmem>>) attributes {dimension_semantics = [#tpu.dimension_semantics<parallel>], iteration_bounds = array<i64: 16>, scalar_prefetch = 0 : i64, scratch_operands = 0 : i64, tpu.core_type = #tpu.core_type<tc>, window_params = [{transform_indices = @transform_0, window_bounds = array<i64: 2, 512, 64>}, {transform_indices = @transform_1, window_bounds = array<i64: 2, 512, 64>}]} {
    %get3A = arith.constant 0 : index
    %get3A_0 = arith.constant 0 : index
    %get3A_1 = arith.constant 0 : index
    %get3A_2 = vector.load %arg1[%get3A, %get3A_0, %get3A_1] : memref<2x512x64xf32, #tpu.memory_space<vmem>>, vector<2x512x64xf32>
    %slice3A = vector.extract_strided_slice %get3A_2 {offsets = [0, 0, 0], sizes = [1, 512, 64], strides = [1, 1, 1]} : vector<2x512x64xf32> to vector<1x512x64xf32>
    %squeeze3A = vector.shape_cast %slice3A : vector<1x512x64xf32> to vector<512x64xf32>
    %slice3A_3 = vector.extract_strided_slice %get3A_2 {offsets = [1, 0, 0], sizes = [1, 512, 64], strides = [1, 1, 1]} : vector<2x512x64xf32> to vector<1x512x64xf32>
    %squeeze3A_4 = vector.shape_cast %slice3A_3 : vector<1x512x64xf32> to vector<512x64xf32>
    %concatenate3A = tpu.concatenate %squeeze3A, %squeeze3A_4 in 1 : vector<512x64xf32>, vector<512x64xf32> -> vector<512x128xf32>
    %iota3A = tpu.iota {dimensions = array<i32: 0>} : vector<512x1xi32>
    %and3A = arith.constant 1 : i32
    %and3A_5 = vector.broadcast %and3A : i32 to vector<512x1xi32>
    %and3A_6 = arith.andi %iota3A, %and3A_5 : vector<512x1xi32>
    %ne3A = arith.constant 0 : i32
    %ne3A_7 = vector.broadcast %ne3A : i32 to vector<512x1xi32>
    %ne3A_8 = arith.cmpi ne, %and3A_6, %ne3A_7 : vector<512x1xi32>
    %roll3A = arith.constant 511 : i32
    %roll3A_9 = tpu.dynamic_rotate %concatenate3A by %roll3A dim 0 : vector<512x128xf32>, i32 -> vector<512x128xf32>
    %roll3A_10 = arith.constant 1 : i32
    %roll3A_11 = tpu.dynamic_rotate %concatenate3A by %roll3A_10 dim 0 : vector<512x128xf32>, i32 -> vector<512x128xf32>
    %broadcast_in_dim3A = vector.shape_cast %ne3A_8 : vector<512x1xi1> to vector<512x1xi1>
    %broadcast_in_dim3A_12 = vector.broadcast %broadcast_in_dim3A : vector<512x1xi1> to vector<512x128xi1>
    %select_n3A = arith.select %broadcast_in_dim3A_12, %roll3A_11, %roll3A_9 : vector<512x128xi1>, vector<512x128xf32>
    %max3A = arith.maximumf %concatenate3A, %select_n3A : vector<512x128xf32>
    %min3A = arith.minimumf %concatenate3A, %select_n3A : vector<512x128xf32>
    %and3A_13 = arith.constant 2 : i32
    %and3A_14 = vector.broadcast %and3A_13 : i32 to vector<512x1xi32>
    %and3A_15 = arith.andi %iota3A, %and3A_14 : vector<512x1xi32>
    %ne3A_16 = arith.constant 0 : i32
    %ne3A_17 = vector.broadcast %ne3A_16 : i32 to vector<512x1xi32>
    %ne3A_18 = arith.cmpi ne, %and3A_15, %ne3A_17 : vector<512x1xi32>
    %ne3A_19 = arith.xori %ne3A_8, %ne3A_18 : vector<512x1xi1>
    %not3A = arith.constant dense<true> : vector<512x1xi1>
    %not3A_20 = arith.xori %ne3A_19, %not3A : vector<512x1xi1>
    %broadcast_in_dim3A_21 = vector.shape_cast %not3A_20 : vector<512x1xi1> to vector<512x1xi1>
    %broadcast_in_dim3A_22 = vector.broadcast %broadcast_in_dim3A_21 : vector<512x1xi1> to vector<512x128xi1>
    %select_n3A_23 = arith.select %broadcast_in_dim3A_22, %max3A, %min3A : vector<512x128xi1>, vector<512x128xf32>
    %iota3A_24 = tpu.iota {dimensions = array<i32: 0>} : vector<512x1xi32>
    %and3A_25 = arith.constant 2 : i32
    %and3A_26 = vector.broadcast %and3A_25 : i32 to vector<512x1xi32>
    %and3A_27 = arith.andi %iota3A_24, %and3A_26 : vector<512x1xi32>
    %ne3A_28 = arith.constant 0 : i32
    %ne3A_29 = vector.broadcast %ne3A_28 : i32 to vector<512x1xi32>
    %ne3A_30 = arith.cmpi ne, %and3A_27, %ne3A_29 : vector<512x1xi32>
    %roll3A_31 = arith.constant 510 : i32
    %roll3A_32 = tpu.dynamic_rotate %select_n3A_23 by %roll3A_31 dim 0 : vector<512x128xf32>, i32 -> vector<512x128xf32>
    %roll3A_33 = arith.constant 2 : i32
    %roll3A_34 = tpu.dynamic_rotate %select_n3A_23 by %roll3A_33 dim 0 : vector<512x128xf32>, i32 -> vector<512x128xf32>
    %broadcast_in_dim3A_35 = vector.shape_cast %ne3A_30 : vector<512x1xi1> to vector<512x1xi1>
    %broadcast_in_dim3A_36 = vector.broadcast %broadcast_in_dim3A_35 : vector<512x1xi1> to vector<512x128xi1>
    %select_n3A_37 = arith.select %broadcast_in_dim3A_36, %roll3A_34, %roll3A_32 : vector<512x128xi1>, vector<512x128xf32>
    %max3A_38 = arith.maximumf %select_n3A_23, %select_n3A_37 : vector<512x128xf32>
    %min3A_39 = arith.minimumf %select_n3A_23, %select_n3A_37 : vector<512x128xf32>
    %and3A_40 = arith.constant 4 : i32
    %and3A_41 = vector.broadcast %and3A_40 : i32 to vector<512x1xi32>
    %and3A_42 = arith.andi %iota3A_24, %and3A_41 : vector<512x1xi32>
    %ne3A_43 = arith.constant 0 : i32
    %ne3A_44 = vector.broadcast %ne3A_43 : i32 to vector<512x1xi32>
    %ne3A_45 = arith.cmpi ne, %and3A_42, %ne3A_44 : vector<512x1xi32>
    %ne3A_46 = arith.xori %ne3A_30, %ne3A_45 : vector<512x1xi1>
    %not3A_47 = arith.constant dense<true> : vector<512x1xi1>
    %not3A_48 = arith.xori %ne3A_46, %not3A_47 : vector<512x1xi1>
    %broadcast_in_dim3A_49 = vector.shape_cast %not3A_48 : vector<512x1xi1> to vector<512x1xi1>
    %broadcast_in_dim3A_50 = vector.broadcast %broadcast_in_dim3A_49 : vector<512x1xi1> to vector<512x128xi1>
    %select_n3A_51 = arith.select %broadcast_in_dim3A_50, %max3A_38, %min3A_39 : vector<512x128xi1>, vector<512x128xf32>
    %iota3A_52 = tpu.iota {dimensions = array<i32: 0>} : vector<512x1xi32>
    %and3A_53 = arith.constant 1 : i32
    %and3A_54 = vector.broadcast %and3A_53 : i32 to vector<512x1xi32>
    %and3A_55 = arith.andi %iota3A_52, %and3A_54 : vector<512x1xi32>
    %ne3A_56 = arith.constant 0 : i32
    %ne3A_57 = vector.broadcast %ne3A_56 : i32 to vector<512x1xi32>
    %ne3A_58 = arith.cmpi ne, %and3A_55, %ne3A_57 : vector<512x1xi32>
    %roll3A_59 = arith.constant 511 : i32
    %roll3A_60 = tpu.dynamic_rotate %select_n3A_51 by %roll3A_59 dim 0 : vector<512x128xf32>, i32 -> vector<512x128xf32>
    %roll3A_61 = arith.constant 1 : i32
    %roll3A_62 = tpu.dynamic_rotate %select_n3A_51 by %roll3A_61 dim 0 : vector<512x128xf32>, i32 -> vector<512x128xf32>
    %broadcast_in_dim3A_63 = vector.shape_cast %ne3A_58 : vector<512x1xi1> to vector<512x1xi1>
    %broadcast_in_dim3A_64 = vector.broadcast %broadcast_in_dim3A_63 : vector<512x1xi1> to vector<512x128xi1>
    %select_n3A_65 = arith.select %broadcast_in_dim3A_64, %roll3A_62, %roll3A_60 : vector<512x128xi1>, vector<512x128xf32>
    %max3A_66 = arith.maximumf %select_n3A_51, %select_n3A_65 : vector<512x128xf32>
    %min3A_67 = arith.minimumf %select_n3A_51, %select_n3A_65 : vector<512x128xf32>
    %and3A_68 = arith.constant 4 : i32
    %and3A_69 = vector.broadcast %and3A_68 : i32 to vector<512x1xi32>
    %and3A_70 = arith.andi %iota3A_52, %and3A_69 : vector<512x1xi32>
    %ne3A_71 = arith.constant 0 : i32
    %ne3A_72 = vector.broadcast %ne3A_71 : i32 to vector<512x1xi32>
    %ne3A_73 = arith.cmpi ne, %and3A_70, %ne3A_72 : vector<512x1xi32>
    %ne3A_74 = arith.xori %ne3A_58, %ne3A_73 : vector<512x1xi1>
    %not3A_75 = arith.constant dense<true> : vector<512x1xi1>
    %not3A_76 = arith.xori %ne3A_74, %not3A_75 : vector<512x1xi1>
    %broadcast_in_dim3A_77 = vector.shape_cast %not3A_76 : vector<512x1xi1> to vector<512x1xi1>
    %broadcast_in_dim3A_78 = vector.broadcast %broadcast_in_dim3A_77 : vector<512x1xi1> to vector<512x128xi1>
    %select_n3A_79 = arith.select %broadcast_in_dim3A_78, %max3A_66, %min3A_67 : vector<512x128xi1>, vector<512x128xf32>
    %iota3A_80 = tpu.iota {dimensions = array<i32: 0>} : vector<512x1xi32>
    %and3A_81 = arith.constant 4 : i32
    %and3A_82 = vector.broadcast %and3A_81 : i32 to vector<512x1xi32>
    %and3A_83 = arith.andi %iota3A_80, %and3A_82 : vector<512x1xi32>
    %ne3A_84 = arith.constant 0 : i32
    %ne3A_85 = vector.broadcast %ne3A_84 : i32 to vector<512x1xi32>
    %ne3A_86 = arith.cmpi ne, %and3A_83, %ne3A_85 : vector<512x1xi32>
    %roll3A_87 = arith.constant 508 : i32
    %roll3A_88 = tpu.dynamic_rotate %select_n3A_79 by %roll3A_87 dim 0 : vector<512x128xf32>, i32 -> vector<512x128xf32>
    %roll3A_89 = arith.constant 4 : i32
    %roll3A_90 = tpu.dynamic_rotate %select_n3A_79 by %roll3A_89 dim 0 : vector<512x128xf32>, i32 -> vector<512x128xf32>
    %broadcast_in_dim3A_91 = vector.shape_cast %ne3A_86 : vector<512x1xi1> to vector<512x1xi1>
    %broadcast_in_dim3A_92 = vector.broadcast %broadcast_in_dim3A_91 : vector<512x1xi1> to vector<512x128xi1>
    %select_n3A_93 = arith.select %broadcast_in_dim3A_92, %roll3A_90, %roll3A_88 : vector<512x128xi1>, vector<512x128xf32>
    %max3A_94 = arith.maximumf %select_n3A_79, %select_n3A_93 : vector<512x128xf32>
    %min3A_95 = arith.minimumf %select_n3A_79, %select_n3A_93 : vector<512x128xf32>
    %and3A_96 = arith.constant 8 : i32
    %and3A_97 = vector.broadcast %and3A_96 : i32 to vector<512x1xi32>
    %and3A_98 = arith.andi %iota3A_80, %and3A_97 : vector<512x1xi32>
    %ne3A_99 = arith.constant 0 : i32
    %ne3A_100 = vector.broadcast %ne3A_99 : i32 to vector<512x1xi32>
    %ne3A_101 = arith.cmpi ne, %and3A_98, %ne3A_100 : vector<512x1xi32>
    %ne3A_102 = arith.xori %ne3A_86, %ne3A_101 : vector<512x1xi1>
    %not3A_103 = arith.constant dense<true> : vector<512x1xi1>
    %not3A_104 = arith.xori %ne3A_102, %not3A_103 : vector<512x1xi1>
    %broadcast_in_dim3A_105 = vector.shape_cast %not3A_104 : vector<512x1xi1> to vector<512x1xi1>
    %broadcast_in_dim3A_106 = vector.broadcast %broadcast_in_dim3A_105 : vector<512x1xi1> to vector<512x128xi1>
    %select_n3A_107 = arith.select %broadcast_in_dim3A_106, %max3A_94, %min3A_95 : vector<512x128xi1>, vector<512x128xf32>
    %iota3A_108 = tpu.iota {dimensions = array<i32: 0>} : vector<512x1xi32>
    %and3A_109 = arith.constant 2 : i32
    %and3A_110 = vector.broadcast %and3A_109 : i32 to vector<512x1xi32>
    %and3A_111 = arith.andi %iota3A_108, %and3A_110 : vector<512x1xi32>
    %ne3A_112 = arith.constant 0 : i32
    %ne3A_113 = vector.broadcast %ne3A_112 : i32 to vector<512x1xi32>
    %ne3A_114 = arith.cmpi ne, %and3A_111, %ne3A_113 : vector<512x1xi32>
    %roll3A_115 = arith.constant 510 : i32
    %roll3A_116 = tpu.dynamic_rotate %select_n3A_107 by %roll3A_115 dim 0 : vector<512x128xf32>, i32 -> vector<512x128xf32>
    %roll3A_117 = arith.constant 2 : i32
    %roll3A_118 = tpu.dynamic_rotate %select_n3A_107 by %roll3A_117 dim 0 : vector<512x128xf32>, i32 -> vector<512x128xf32>
    %broadcast_in_dim3A_119 = vector.shape_cast %ne3A_114 : vector<512x1xi1> to vector<512x1xi1>
    %broadcast_in_dim3A_120 = vector.broadcast %broadcast_in_dim3A_119 : vector<512x1xi1> to vector<512x128xi1>
    %select_n3A_121 = arith.select %broadcast_in_dim3A_120, %roll3A_118, %roll3A_116 : vector<512x128xi1>, vector<512x128xf32>
    %max3A_122 = arith.maximumf %select_n3A_107, %select_n3A_121 : vector<512x128xf32>
    %min3A_123 = arith.minimumf %select_n3A_107, %select_n3A_121 : vector<512x128xf32>
    %and3A_124 = arith.constant 8 : i32
    %and3A_125 = vector.broadcast %and3A_124 : i32 to vector<512x1xi32>
    %and3A_126 = arith.andi %iota3A_108, %and3A_125 : vector<512x1xi32>
    %ne3A_127 = arith.constant 0 : i32
    %ne3A_128 = vector.broadcast %ne3A_127 : i32 to vector<512x1xi32>
    %ne3A_129 = arith.cmpi ne, %and3A_126, %ne3A_128 : vector<512x1xi32>
    %ne3A_130 = arith.xori %ne3A_114, %ne3A_129 : vector<512x1xi1>
    %not3A_131 = arith.constant dense<true> : vector<512x1xi1>
    %not3A_132 = arith.xori %ne3A_130, %not3A_131 : vector<512x1xi1>
    %broadcast_in_dim3A_133 = vector.shape_cast %not3A_132 : vector<512x1xi1> to vector<512x1xi1>
    %broadcast_in_dim3A_134 = vector.broadcast %broadcast_in_dim3A_133 : vector<512x1xi1> to vector<512x128xi1>
    %select_n3A_135 = arith.select %broadcast_in_dim3A_134, %max3A_122, %min3A_123 : vector<512x128xi1>, vector<512x128xf32>
    %iota3A_136 = tpu.iota {dimensions = array<i32: 0>} : vector<512x1xi32>
    %and3A_137 = arith.constant 1 : i32
    %and3A_138 = vector.broadcast %and3A_137 : i32 to vector<512x1xi32>
    %and3A_139 = arith.andi %iota3A_136, %and3A_138 : vector<512x1xi32>
    %ne3A_140 = arith.constant 0 : i32
    %ne3A_141 = vector.broadcast %ne3A_140 : i32 to vector<512x1xi32>
    %ne3A_142 = arith.cmpi ne, %and3A_139, %ne3A_141 : vector<512x1xi32>
    %roll3A_143 = arith.constant 511 : i32
    %roll3A_144 = tpu.dynamic_rotate %select_n3A_135 by %roll3A_143 dim 0 : vector<512x128xf32>, i32 -> vector<512x128xf32>
    %roll3A_145 = arith.constant 1 : i32
    %roll3A_146 = tpu.dynamic_rotate %select_n3A_135 by %roll3A_145 dim 0 : vector<512x128xf32>, i32 -> vector<512x128xf32>
    %broadcast_in_dim3A_147 = vector.shape_cast %ne3A_142 : vector<512x1xi1> to vector<512x1xi1>
    %broadcast_in_dim3A_148 = vector.broadcast %broadcast_in_dim3A_147 : vector<512x1xi1> to vector<512x128xi1>
    %select_n3A_149 = arith.select %broadcast_in_dim3A_148, %roll3A_146, %roll3A_144 : vector<512x128xi1>, vector<512x128xf32>
    %max3A_150 = arith.maximumf %select_n3A_135, %select_n3A_149 : vector<512x128xf32>
    %min3A_151 = arith.minimumf %select_n3A_135, %select_n3A_149 : vector<512x128xf32>
    %and3A_152 = arith.constant 8 : i32
    %and3A_153 = vector.broadcast %and3A_152 : i32 to vector<512x1xi32>
    %and3A_154 = arith.andi %iota3A_136, %and3A_153 : vector<512x1xi32>
    %ne3A_155 = arith.constant 0 : i32
    %ne3A_156 = vector.broadcast %ne3A_155 : i32 to vector<512x1xi32>
    %ne3A_157 = arith.cmpi ne, %and3A_154, %ne3A_156 : vector<512x1xi32>
    %ne3A_158 = arith.xori %ne3A_142, %ne3A_157 : vector<512x1xi1>
    %not3A_159 = arith.constant dense<true> : vector<512x1xi1>
    %not3A_160 = arith.xori %ne3A_158, %not3A_159 : vector<512x1xi1>
    %broadcast_in_dim3A_161 = vector.shape_cast %not3A_160 : vector<512x1xi1> to vector<512x1xi1>
    %broadcast_in_dim3A_162 = vector.broadcast %broadcast_in_dim3A_161 : vector<512x1xi1> to vector<512x128xi1>
    %select_n3A_163 = arith.select %broadcast_in_dim3A_162, %max3A_150, %min3A_151 : vector<512x128xi1>, vector<512x128xf32>
    %iota3A_164 = tpu.iota {dimensions = array<i32: 0>} : vector<512x1xi32>
    %and3A_165 = arith.constant 8 : i32
    %and3A_166 = vector.broadcast %and3A_165 : i32 to vector<512x1xi32>
    %and3A_167 = arith.andi %iota3A_164, %and3A_166 : vector<512x1xi32>
    %ne3A_168 = arith.constant 0 : i32
    %ne3A_169 = vector.broadcast %ne3A_168 : i32 to vector<512x1xi32>
    %ne3A_170 = arith.cmpi ne, %and3A_167, %ne3A_169 : vector<512x1xi32>
    %roll3A_171 = arith.constant 504 : i32
    %roll3A_172 = tpu.dynamic_rotate %select_n3A_163 by %roll3A_171 dim 0 : vector<512x128xf32>, i32 -> vector<512x128xf32>
    %roll3A_173 = arith.constant 8 : i32
    %roll3A_174 = tpu.dynamic_rotate %select_n3A_163 by %roll3A_173 dim 0 : vector<512x128xf32>, i32 -> vector<512x128xf32>
    %broadcast_in_dim3A_175 = vector.shape_cast %ne3A_170 : vector<512x1xi1> to vector<512x1xi1>
    %broadcast_in_dim3A_176 = vector.broadcast %broadcast_in_dim3A_175 : vector<512x1xi1> to vector<512x128xi1>
    %select_n3A_177 = arith.select %broadcast_in_dim3A_176, %roll3A_174, %roll3A_172 : vector<512x128xi1>, vector<512x128xf32>
    %max3A_178 = arith.maximumf %select_n3A_163, %select_n3A_177 : vector<512x128xf32>
    %min3A_179 = arith.minimumf %select_n3A_163, %select_n3A_177 : vector<512x128xf32>
    %and3A_180 = arith.constant 16 : i32
    %and3A_181 = vector.broadcast %and3A_180 : i32 to vector<512x1xi32>
    %and3A_182 = arith.andi %iota3A_164, %and3A_181 : vector<512x1xi32>
    %ne3A_183 = arith.constant 0 : i32
    %ne3A_184 = vector.broadcast %ne3A_183 : i32 to vector<512x1xi32>
    %ne3A_185 = arith.cmpi ne, %and3A_182, %ne3A_184 : vector<512x1xi32>
    %ne3A_186 = arith.xori %ne3A_170, %ne3A_185 : vector<512x1xi1>
    %not3A_187 = arith.constant dense<true> : vector<512x1xi1>
    %not3A_188 = arith.xori %ne3A_186, %not3A_187 : vector<512x1xi1>
    %broadcast_in_dim3A_189 = vector.shape_cast %not3A_188 : vector<512x1xi1> to vector<512x1xi1>
    %broadcast_in_dim3A_190 = vector.broadcast %broadcast_in_dim3A_189 : vector<512x1xi1> to vector<512x128xi1>
    %select_n3A_191 = arith.select %broadcast_in_dim3A_190, %max3A_178, %min3A_179 : vector<512x128xi1>, vector<512x128xf32>
    %iota3A_192 = tpu.iota {dimensions = array<i32: 0>} : vector<512x1xi32>
    %and3A_193 = arith.constant 4 : i32
    %and3A_194 = vector.broadcast %and3A_193 : i32 to vector<512x1xi32>
    %and3A_195 = arith.andi %iota3A_192, %and3A_194 : vector<512x1xi32>
    %ne3A_196 = arith.constant 0 : i32
    %ne3A_197 = vector.broadcast %ne3A_196 : i32 to vector<512x1xi32>
    %ne3A_198 = arith.cmpi ne, %and3A_195, %ne3A_197 : vector<512x1xi32>
    %roll3A_199 = arith.constant 508 : i32
    %roll3A_200 = tpu.dynamic_rotate %select_n3A_191 by %roll3A_199 dim 0 : vector<512x128xf32>, i32 -> vector<512x128xf32>
    %roll3A_201 = arith.constant 4 : i32
    %roll3A_202 = tpu.dynamic_rotate %select_n3A_191 by %roll3A_201 dim 0 : vector<512x128xf32>, i32 -> vector<512x128xf32>
    %broadcast_in_dim3A_203 = vector.shape_cast %ne3A_198 : vector<512x1xi1> to vector<512x1xi1>
    %broadcast_in_dim3A_204 = vector.broadcast %broadcast_in_dim3A_203 : vector<512x1xi1> to vector<512x128xi1>
    %select_n3A_205 = arith.select %broadcast_in_dim3A_204, %roll3A_202, %roll3A_200 : vector<512x128xi1>, vector<512x128xf32>
    %max3A_206 = arith.maximumf %select_n3A_191, %select_n3A_205 : vector<512x128xf32>
    %min3A_207 = arith.minimumf %select_n3A_191, %select_n3A_205 : vector<512x128xf32>
    %and3A_208 = arith.constant 16 : i32
    %and3A_209 = vector.broadcast %and3A_208 : i32 to vector<512x1xi32>
    %and3A_210 = arith.andi %iota3A_192, %and3A_209 : vector<512x1xi32>
    %ne3A_211 = arith.constant 0 : i32
    %ne3A_212 = vector.broadcast %ne3A_211 : i32 to vector<512x1xi32>
    %ne3A_213 = arith.cmpi ne, %and3A_210, %ne3A_212 : vector<512x1xi32>
    %ne3A_214 = arith.xori %ne3A_198, %ne3A_213 : vector<512x1xi1>
    %not3A_215 = arith.constant dense<true> : vector<512x1xi1>
    %not3A_216 = arith.xori %ne3A_214, %not3A_215 : vector<512x1xi1>
    %broadcast_in_dim3A_217 = vector.shape_cast %not3A_216 : vector<512x1xi1> to vector<512x1xi1>
    %broadcast_in_dim3A_218 = vector.broadcast %broadcast_in_dim3A_217 : vector<512x1xi1> to vector<512x128xi1>
    %select_n3A_219 = arith.select %broadcast_in_dim3A_218, %max3A_206, %min3A_207 : vector<512x128xi1>, vector<512x128xf32>
    %iota3A_220 = tpu.iota {dimensions = array<i32: 0>} : vector<512x1xi32>
    %and3A_221 = arith.constant 2 : i32
    %and3A_222 = vector.broadcast %and3A_221 : i32 to vector<512x1xi32>
    %and3A_223 = arith.andi %iota3A_220, %and3A_222 : vector<512x1xi32>
    %ne3A_224 = arith.constant 0 : i32
    %ne3A_225 = vector.broadcast %ne3A_224 : i32 to vector<512x1xi32>
    %ne3A_226 = arith.cmpi ne, %and3A_223, %ne3A_225 : vector<512x1xi32>
    %roll3A_227 = arith.constant 510 : i32
    %roll3A_228 = tpu.dynamic_rotate %select_n3A_219 by %roll3A_227 dim 0 : vector<512x128xf32>, i32 -> vector<512x128xf32>
    %roll3A_229 = arith.constant 2 : i32
    %roll3A_230 = tpu.dynamic_rotate %select_n3A_219 by %roll3A_229 dim 0 : vector<512x128xf32>, i32 -> vector<512x128xf32>
    %broadcast_in_dim3A_231 = vector.shape_cast %ne3A_226 : vector<512x1xi1> to vector<512x1xi1>
    %broadcast_in_dim3A_232 = vector.broadcast %broadcast_in_dim3A_231 : vector<512x1xi1> to vector<512x128xi1>
    %select_n3A_233 = arith.select %broadcast_in_dim3A_232, %roll3A_230, %roll3A_228 : vector<512x128xi1>, vector<512x128xf32>
    %max3A_234 = arith.maximumf %select_n3A_219, %select_n3A_233 : vector<512x128xf32>
    %min3A_235 = arith.minimumf %select_n3A_219, %select_n3A_233 : vector<512x128xf32>
    %and3A_236 = arith.constant 16 : i32
    %and3A_237 = vector.broadcast %and3A_236 : i32 to vector<512x1xi32>
    %and3A_238 = arith.andi %iota3A_220, %and3A_237 : vector<512x1xi32>
    %ne3A_239 = arith.constant 0 : i32
    %ne3A_240 = vector.broadcast %ne3A_239 : i32 to vector<512x1xi32>
    %ne3A_241 = arith.cmpi ne, %and3A_238, %ne3A_240 : vector<512x1xi32>
    %ne3A_242 = arith.xori %ne3A_226, %ne3A_241 : vector<512x1xi1>
    %not3A_243 = arith.constant dense<true> : vector<512x1xi1>
    %not3A_244 = arith.xori %ne3A_242, %not3A_243 : vector<512x1xi1>
    %broadcast_in_dim3A_245 = vector.shape_cast %not3A_244 : vector<512x1xi1> to vector<512x1xi1>
    %broadcast_in_dim3A_246 = vector.broadcast %broadcast_in_dim3A_245 : vector<512x1xi1> to vector<512x128xi1>
    %select_n3A_247 = arith.select %broadcast_in_dim3A_246, %max3A_234, %min3A_235 : vector<512x128xi1>, vector<512x128xf32>
    %iota3A_248 = tpu.iota {dimensions = array<i32: 0>} : vector<512x1xi32>
    %and3A_249 = arith.constant 1 : i32
    %and3A_250 = vector.broadcast %and3A_249 : i32 to vector<512x1xi32>
    %and3A_251 = arith.andi %iota3A_248, %and3A_250 : vector<512x1xi32>
    %ne3A_252 = arith.constant 0 : i32
    %ne3A_253 = vector.broadcast %ne3A_252 : i32 to vector<512x1xi32>
    %ne3A_254 = arith.cmpi ne, %and3A_251, %ne3A_253 : vector<512x1xi32>
    %roll3A_255 = arith.constant 511 : i32
    %roll3A_256 = tpu.dynamic_rotate %select_n3A_247 by %roll3A_255 dim 0 : vector<512x128xf32>, i32 -> vector<512x128xf32>
    %roll3A_257 = arith.constant 1 : i32
    %roll3A_258 = tpu.dynamic_rotate %select_n3A_247 by %roll3A_257 dim 0 : vector<512x128xf32>, i32 -> vector<512x128xf32>
    %broadcast_in_dim3A_259 = vector.shape_cast %ne3A_254 : vector<512x1xi1> to vector<512x1xi1>
    %broadcast_in_dim3A_260 = vector.broadcast %broadcast_in_dim3A_259 : vector<512x1xi1> to vector<512x128xi1>
    %select_n3A_261 = arith.select %broadcast_in_dim3A_260, %roll3A_258, %roll3A_256 : vector<512x128xi1>, vector<512x128xf32>
    %max3A_262 = arith.maximumf %select_n3A_247, %select_n3A_261 : vector<512x128xf32>
    %min3A_263 = arith.minimumf %select_n3A_247, %select_n3A_261 : vector<512x128xf32>
    %and3A_264 = arith.constant 16 : i32
    %and3A_265 = vector.broadcast %and3A_264 : i32 to vector<512x1xi32>
    %and3A_266 = arith.andi %iota3A_248, %and3A_265 : vector<512x1xi32>
    %ne3A_267 = arith.constant 0 : i32
    %ne3A_268 = vector.broadcast %ne3A_267 : i32 to vector<512x1xi32>
    %ne3A_269 = arith.cmpi ne, %and3A_266, %ne3A_268 : vector<512x1xi32>
    %ne3A_270 = arith.xori %ne3A_254, %ne3A_269 : vector<512x1xi1>
    %not3A_271 = arith.constant dense<true> : vector<512x1xi1>
    %not3A_272 = arith.xori %ne3A_270, %not3A_271 : vector<512x1xi1>
    %broadcast_in_dim3A_273 = vector.shape_cast %not3A_272 : vector<512x1xi1> to vector<512x1xi1>
    %broadcast_in_dim3A_274 = vector.broadcast %broadcast_in_dim3A_273 : vector<512x1xi1> to vector<512x128xi1>
    %select_n3A_275 = arith.select %broadcast_in_dim3A_274, %max3A_262, %min3A_263 : vector<512x128xi1>, vector<512x128xf32>
    %iota3A_276 = tpu.iota {dimensions = array<i32: 0>} : vector<512x1xi32>
    %and3A_277 = arith.constant 16 : i32
    %and3A_278 = vector.broadcast %and3A_277 : i32 to vector<512x1xi32>
    %and3A_279 = arith.andi %iota3A_276, %and3A_278 : vector<512x1xi32>
    %ne3A_280 = arith.constant 0 : i32
    %ne3A_281 = vector.broadcast %ne3A_280 : i32 to vector<512x1xi32>
    %ne3A_282 = arith.cmpi ne, %and3A_279, %ne3A_281 : vector<512x1xi32>
    %roll3A_283 = arith.constant 496 : i32
    %roll3A_284 = tpu.dynamic_rotate %select_n3A_275 by %roll3A_283 dim 0 : vector<512x128xf32>, i32 -> vector<512x128xf32>
    %roll3A_285 = arith.constant 16 : i32
    %roll3A_286 = tpu.dynamic_rotate %select_n3A_275 by %roll3A_285 dim 0 : vector<512x128xf32>, i32 -> vector<512x128xf32>
    %broadcast_in_dim3A_287 = vector.shape_cast %ne3A_282 : vector<512x1xi1> to vector<512x1xi1>
    %broadcast_in_dim3A_288 = vector.broadcast %broadcast_in_dim3A_287 : vector<512x1xi1> to vector<512x128xi1>
    %select_n3A_289 = arith.select %broadcast_in_dim3A_288, %roll3A_286, %roll3A_284 : vector<512x128xi1>, vector<512x128xf32>
    %max3A_290 = arith.maximumf %select_n3A_275, %select_n3A_289 : vector<512x128xf32>
    %min3A_291 = arith.minimumf %select_n3A_275, %select_n3A_289 : vector<512x128xf32>
    %and3A_292 = arith.constant 32 : i32
    %and3A_293 = vector.broadcast %and3A_292 : i32 to vector<512x1xi32>
    %and3A_294 = arith.andi %iota3A_276, %and3A_293 : vector<512x1xi32>
    %ne3A_295 = arith.constant 0 : i32
    %ne3A_296 = vector.broadcast %ne3A_295 : i32 to vector<512x1xi32>
    %ne3A_297 = arith.cmpi ne, %and3A_294, %ne3A_296 : vector<512x1xi32>
    %ne3A_298 = arith.xori %ne3A_282, %ne3A_297 : vector<512x1xi1>
    %not3A_299 = arith.constant dense<true> : vector<512x1xi1>
    %not3A_300 = arith.xori %ne3A_298, %not3A_299 : vector<512x1xi1>
    %broadcast_in_dim3A_301 = vector.shape_cast %not3A_300 : vector<512x1xi1> to vector<512x1xi1>
    %broadcast_in_dim3A_302 = vector.broadcast %broadcast_in_dim3A_301 : vector<512x1xi1> to vector<512x128xi1>
    %select_n3A_303 = arith.select %broadcast_in_dim3A_302, %max3A_290, %min3A_291 : vector<512x128xi1>, vector<512x128xf32>
    %iota3A_304 = tpu.iota {dimensions = array<i32: 0>} : vector<512x1xi32>
    %and3A_305 = arith.constant 8 : i32
    %and3A_306 = vector.broadcast %and3A_305 : i32 to vector<512x1xi32>
    %and3A_307 = arith.andi %iota3A_304, %and3A_306 : vector<512x1xi32>
    %ne3A_308 = arith.constant 0 : i32
    %ne3A_309 = vector.broadcast %ne3A_308 : i32 to vector<512x1xi32>
    %ne3A_310 = arith.cmpi ne, %and3A_307, %ne3A_309 : vector<512x1xi32>
    %roll3A_311 = arith.constant 504 : i32
    %roll3A_312 = tpu.dynamic_rotate %select_n3A_303 by %roll3A_311 dim 0 : vector<512x128xf32>, i32 -> vector<512x128xf32>
    %roll3A_313 = arith.constant 8 : i32
    %roll3A_314 = tpu.dynamic_rotate %select_n3A_303 by %roll3A_313 dim 0 : vector<512x128xf32>, i32 -> vector<512x128xf32>
    %broadcast_in_dim3A_315 = vector.shape_cast %ne3A_310 : vector<512x1xi1> to vector<512x1xi1>
    %broadcast_in_dim3A_316 = vector.broadcast %broadcast_in_dim3A_315 : vector<512x1xi1> to vector<512x128xi1>
    %select_n3A_317 = arith.select %broadcast_in_dim3A_316, %roll3A_314, %roll3A_312 : vector<512x128xi1>, vector<512x128xf32>
    %max3A_318 = arith.maximumf %select_n3A_303, %select_n3A_317 : vector<512x128xf32>
    %min3A_319 = arith.minimumf %select_n3A_303, %select_n3A_317 : vector<512x128xf32>
    %and3A_320 = arith.constant 32 : i32
    %and3A_321 = vector.broadcast %and3A_320 : i32 to vector<512x1xi32>
    %and3A_322 = arith.andi %iota3A_304, %and3A_321 : vector<512x1xi32>
    %ne3A_323 = arith.constant 0 : i32
    %ne3A_324 = vector.broadcast %ne3A_323 : i32 to vector<512x1xi32>
    %ne3A_325 = arith.cmpi ne, %and3A_322, %ne3A_324 : vector<512x1xi32>
    %ne3A_326 = arith.xori %ne3A_310, %ne3A_325 : vector<512x1xi1>
    %not3A_327 = arith.constant dense<true> : vector<512x1xi1>
    %not3A_328 = arith.xori %ne3A_326, %not3A_327 : vector<512x1xi1>
    %broadcast_in_dim3A_329 = vector.shape_cast %not3A_328 : vector<512x1xi1> to vector<512x1xi1>
    %broadcast_in_dim3A_330 = vector.broadcast %broadcast_in_dim3A_329 : vector<512x1xi1> to vector<512x128xi1>
    %select_n3A_331 = arith.select %broadcast_in_dim3A_330, %max3A_318, %min3A_319 : vector<512x128xi1>, vector<512x128xf32>
    %iota3A_332 = tpu.iota {dimensions = array<i32: 0>} : vector<512x1xi32>
    %and3A_333 = arith.constant 4 : i32
    %and3A_334 = vector.broadcast %and3A_333 : i32 to vector<512x1xi32>
    %and3A_335 = arith.andi %iota3A_332, %and3A_334 : vector<512x1xi32>
    %ne3A_336 = arith.constant 0 : i32
    %ne3A_337 = vector.broadcast %ne3A_336 : i32 to vector<512x1xi32>
    %ne3A_338 = arith.cmpi ne, %and3A_335, %ne3A_337 : vector<512x1xi32>
    %roll3A_339 = arith.constant 508 : i32
    %roll3A_340 = tpu.dynamic_rotate %select_n3A_331 by %roll3A_339 dim 0 : vector<512x128xf32>, i32 -> vector<512x128xf32>
    %roll3A_341 = arith.constant 4 : i32
    %roll3A_342 = tpu.dynamic_rotate %select_n3A_331 by %roll3A_341 dim 0 : vector<512x128xf32>, i32 -> vector<512x128xf32>
    %broadcast_in_dim3A_343 = vector.shape_cast %ne3A_338 : vector<512x1xi1> to vector<512x1xi1>
    %broadcast_in_dim3A_344 = vector.broadcast %broadcast_in_dim3A_343 : vector<512x1xi1> to vector<512x128xi1>
    %select_n3A_345 = arith.select %broadcast_in_dim3A_344, %roll3A_342, %roll3A_340 : vector<512x128xi1>, vector<512x128xf32>
    %max3A_346 = arith.maximumf %select_n3A_331, %select_n3A_345 : vector<512x128xf32>
    %min3A_347 = arith.minimumf %select_n3A_331, %select_n3A_345 : vector<512x128xf32>
    %and3A_348 = arith.constant 32 : i32
    %and3A_349 = vector.broadcast %and3A_348 : i32 to vector<512x1xi32>
    %and3A_350 = arith.andi %iota3A_332, %and3A_349 : vector<512x1xi32>
    %ne3A_351 = arith.constant 0 : i32
    %ne3A_352 = vector.broadcast %ne3A_351 : i32 to vector<512x1xi32>
    %ne3A_353 = arith.cmpi ne, %and3A_350, %ne3A_352 : vector<512x1xi32>
    %ne3A_354 = arith.xori %ne3A_338, %ne3A_353 : vector<512x1xi1>
    %not3A_355 = arith.constant dense<true> : vector<512x1xi1>
    %not3A_356 = arith.xori %ne3A_354, %not3A_355 : vector<512x1xi1>
    %broadcast_in_dim3A_357 = vector.shape_cast %not3A_356 : vector<512x1xi1> to vector<512x1xi1>
    %broadcast_in_dim3A_358 = vector.broadcast %broadcast_in_dim3A_357 : vector<512x1xi1> to vector<512x128xi1>
    %select_n3A_359 = arith.select %broadcast_in_dim3A_358, %max3A_346, %min3A_347 : vector<512x128xi1>, vector<512x128xf32>
    %iota3A_360 = tpu.iota {dimensions = array<i32: 0>} : vector<512x1xi32>
    %and3A_361 = arith.constant 2 : i32
    %and3A_362 = vector.broadcast %and3A_361 : i32 to vector<512x1xi32>
    %and3A_363 = arith.andi %iota3A_360, %and3A_362 : vector<512x1xi32>
    %ne3A_364 = arith.constant 0 : i32
    %ne3A_365 = vector.broadcast %ne3A_364 : i32 to vector<512x1xi32>
    %ne3A_366 = arith.cmpi ne, %and3A_363, %ne3A_365 : vector<512x1xi32>
    %roll3A_367 = arith.constant 510 : i32
    %roll3A_368 = tpu.dynamic_rotate %select_n3A_359 by %roll3A_367 dim 0 : vector<512x128xf32>, i32 -> vector<512x128xf32>
    %roll3A_369 = arith.constant 2 : i32
    %roll3A_370 = tpu.dynamic_rotate %select_n3A_359 by %roll3A_369 dim 0 : vector<512x128xf32>, i32 -> vector<512x128xf32>
    %broadcast_in_dim3A_371 = vector.shape_cast %ne3A_366 : vector<512x1xi1> to vector<512x1xi1>
    %broadcast_in_dim3A_372 = vector.broadcast %broadcast_in_dim3A_371 : vector<512x1xi1> to vector<512x128xi1>
    %select_n3A_373 = arith.select %broadcast_in_dim3A_372, %roll3A_370, %roll3A_368 : vector<512x128xi1>, vector<512x128xf32>
    %max3A_374 = arith.maximumf %select_n3A_359, %select_n3A_373 : vector<512x128xf32>
    %min3A_375 = arith.minimumf %select_n3A_359, %select_n3A_373 : vector<512x128xf32>
    %and3A_376 = arith.constant 32 : i32
    %and3A_377 = vector.broadcast %and3A_376 : i32 to vector<512x1xi32>
    %and3A_378 = arith.andi %iota3A_360, %and3A_377 : vector<512x1xi32>
    %ne3A_379 = arith.constant 0 : i32
    %ne3A_380 = vector.broadcast %ne3A_379 : i32 to vector<512x1xi32>
    %ne3A_381 = arith.cmpi ne, %and3A_378, %ne3A_380 : vector<512x1xi32>
    %ne3A_382 = arith.xori %ne3A_366, %ne3A_381 : vector<512x1xi1>
    %not3A_383 = arith.constant dense<true> : vector<512x1xi1>
    %not3A_384 = arith.xori %ne3A_382, %not3A_383 : vector<512x1xi1>
    %broadcast_in_dim3A_385 = vector.shape_cast %not3A_384 : vector<512x1xi1> to vector<512x1xi1>
    %broadcast_in_dim3A_386 = vector.broadcast %broadcast_in_dim3A_385 : vector<512x1xi1> to vector<512x128xi1>
    %select_n3A_387 = arith.select %broadcast_in_dim3A_386, %max3A_374, %min3A_375 : vector<512x128xi1>, vector<512x128xf32>
    %iota3A_388 = tpu.iota {dimensions = array<i32: 0>} : vector<512x1xi32>
    %and3A_389 = arith.constant 1 : i32
    %and3A_390 = vector.broadcast %and3A_389 : i32 to vector<512x1xi32>
    %and3A_391 = arith.andi %iota3A_388, %and3A_390 : vector<512x1xi32>
    %ne3A_392 = arith.constant 0 : i32
    %ne3A_393 = vector.broadcast %ne3A_392 : i32 to vector<512x1xi32>
    %ne3A_394 = arith.cmpi ne, %and3A_391, %ne3A_393 : vector<512x1xi32>
    %roll3A_395 = arith.constant 511 : i32
    %roll3A_396 = tpu.dynamic_rotate %select_n3A_387 by %roll3A_395 dim 0 : vector<512x128xf32>, i32 -> vector<512x128xf32>
    %roll3A_397 = arith.constant 1 : i32
    %roll3A_398 = tpu.dynamic_rotate %select_n3A_387 by %roll3A_397 dim 0 : vector<512x128xf32>, i32 -> vector<512x128xf32>
    %broadcast_in_dim3A_399 = vector.shape_cast %ne3A_394 : vector<512x1xi1> to vector<512x1xi1>
    %broadcast_in_dim3A_400 = vector.broadcast %broadcast_in_dim3A_399 : vector<512x1xi1> to vector<512x128xi1>
    %select_n3A_401 = arith.select %broadcast_in_dim3A_400, %roll3A_398, %roll3A_396 : vector<512x128xi1>, vector<512x128xf32>
    %max3A_402 = arith.maximumf %select_n3A_387, %select_n3A_401 : vector<512x128xf32>
    %min3A_403 = arith.minimumf %select_n3A_387, %select_n3A_401 : vector<512x128xf32>
    %and3A_404 = arith.constant 32 : i32
    %and3A_405 = vector.broadcast %and3A_404 : i32 to vector<512x1xi32>
    %and3A_406 = arith.andi %iota3A_388, %and3A_405 : vector<512x1xi32>
    %ne3A_407 = arith.constant 0 : i32
    %ne3A_408 = vector.broadcast %ne3A_407 : i32 to vector<512x1xi32>
    %ne3A_409 = arith.cmpi ne, %and3A_406, %ne3A_408 : vector<512x1xi32>
    %ne3A_410 = arith.xori %ne3A_394, %ne3A_409 : vector<512x1xi1>
    %not3A_411 = arith.constant dense<true> : vector<512x1xi1>
    %not3A_412 = arith.xori %ne3A_410, %not3A_411 : vector<512x1xi1>
    %broadcast_in_dim3A_413 = vector.shape_cast %not3A_412 : vector<512x1xi1> to vector<512x1xi1>
    %broadcast_in_dim3A_414 = vector.broadcast %broadcast_in_dim3A_413 : vector<512x1xi1> to vector<512x128xi1>
    %select_n3A_415 = arith.select %broadcast_in_dim3A_414, %max3A_402, %min3A_403 : vector<512x128xi1>, vector<512x128xf32>
    %iota3A_416 = tpu.iota {dimensions = array<i32: 0>} : vector<512x1xi32>
    %and3A_417 = arith.constant 32 : i32
    %and3A_418 = vector.broadcast %and3A_417 : i32 to vector<512x1xi32>
    %and3A_419 = arith.andi %iota3A_416, %and3A_418 : vector<512x1xi32>
    %ne3A_420 = arith.constant 0 : i32
    %ne3A_421 = vector.broadcast %ne3A_420 : i32 to vector<512x1xi32>
    %ne3A_422 = arith.cmpi ne, %and3A_419, %ne3A_421 : vector<512x1xi32>
    %roll3A_423 = arith.constant 480 : i32
    %roll3A_424 = tpu.dynamic_rotate %select_n3A_415 by %roll3A_423 dim 0 : vector<512x128xf32>, i32 -> vector<512x128xf32>
    %roll3A_425 = arith.constant 32 : i32
    %roll3A_426 = tpu.dynamic_rotate %select_n3A_415 by %roll3A_425 dim 0 : vector<512x128xf32>, i32 -> vector<512x128xf32>
    %broadcast_in_dim3A_427 = vector.shape_cast %ne3A_422 : vector<512x1xi1> to vector<512x1xi1>
    %broadcast_in_dim3A_428 = vector.broadcast %broadcast_in_dim3A_427 : vector<512x1xi1> to vector<512x128xi1>
    %select_n3A_429 = arith.select %broadcast_in_dim3A_428, %roll3A_426, %roll3A_424 : vector<512x128xi1>, vector<512x128xf32>
    %max3A_430 = arith.maximumf %select_n3A_415, %select_n3A_429 : vector<512x128xf32>
    %min3A_431 = arith.minimumf %select_n3A_415, %select_n3A_429 : vector<512x128xf32>
    %and3A_432 = arith.constant 64 : i32
    %and3A_433 = vector.broadcast %and3A_432 : i32 to vector<512x1xi32>
    %and3A_434 = arith.andi %iota3A_416, %and3A_433 : vector<512x1xi32>
    %ne3A_435 = arith.constant 0 : i32
    %ne3A_436 = vector.broadcast %ne3A_435 : i32 to vector<512x1xi32>
    %ne3A_437 = arith.cmpi ne, %and3A_434, %ne3A_436 : vector<512x1xi32>
    %ne3A_438 = arith.xori %ne3A_422, %ne3A_437 : vector<512x1xi1>
    %not3A_439 = arith.constant dense<true> : vector<512x1xi1>
    %not3A_440 = arith.xori %ne3A_438, %not3A_439 : vector<512x1xi1>
    %broadcast_in_dim3A_441 = vector.shape_cast %not3A_440 : vector<512x1xi1> to vector<512x1xi1>
    %broadcast_in_dim3A_442 = vector.broadcast %broadcast_in_dim3A_441 : vector<512x1xi1> to vector<512x128xi1>
    %select_n3A_443 = arith.select %broadcast_in_dim3A_442, %max3A_430, %min3A_431 : vector<512x128xi1>, vector<512x128xf32>
    %iota3A_444 = tpu.iota {dimensions = array<i32: 0>} : vector<512x1xi32>
    %and3A_445 = arith.constant 16 : i32
    %and3A_446 = vector.broadcast %and3A_445 : i32 to vector<512x1xi32>
    %and3A_447 = arith.andi %iota3A_444, %and3A_446 : vector<512x1xi32>
    %ne3A_448 = arith.constant 0 : i32
    %ne3A_449 = vector.broadcast %ne3A_448 : i32 to vector<512x1xi32>
    %ne3A_450 = arith.cmpi ne, %and3A_447, %ne3A_449 : vector<512x1xi32>
    %roll3A_451 = arith.constant 496 : i32
    %roll3A_452 = tpu.dynamic_rotate %select_n3A_443 by %roll3A_451 dim 0 : vector<512x128xf32>, i32 -> vector<512x128xf32>
    %roll3A_453 = arith.constant 16 : i32
    %roll3A_454 = tpu.dynamic_rotate %select_n3A_443 by %roll3A_453 dim 0 : vector<512x128xf32>, i32 -> vector<512x128xf32>
    %broadcast_in_dim3A_455 = vector.shape_cast %ne3A_450 : vector<512x1xi1> to vector<512x1xi1>
    %broadcast_in_dim3A_456 = vector.broadcast %broadcast_in_dim3A_455 : vector<512x1xi1> to vector<512x128xi1>
    %select_n3A_457 = arith.select %broadcast_in_dim3A_456, %roll3A_454, %roll3A_452 : vector<512x128xi1>, vector<512x128xf32>
    %max3A_458 = arith.maximumf %select_n3A_443, %select_n3A_457 : vector<512x128xf32>
    %min3A_459 = arith.minimumf %select_n3A_443, %select_n3A_457 : vector<512x128xf32>
    %and3A_460 = arith.constant 64 : i32
    %and3A_461 = vector.broadcast %and3A_460 : i32 to vector<512x1xi32>
    %and3A_462 = arith.andi %iota3A_444, %and3A_461 : vector<512x1xi32>
    %ne3A_463 = arith.constant 0 : i32
    %ne3A_464 = vector.broadcast %ne3A_463 : i32 to vector<512x1xi32>
    %ne3A_465 = arith.cmpi ne, %and3A_462, %ne3A_464 : vector<512x1xi32>
    %ne3A_466 = arith.xori %ne3A_450, %ne3A_465 : vector<512x1xi1>
    %not3A_467 = arith.constant dense<true> : vector<512x1xi1>
    %not3A_468 = arith.xori %ne3A_466, %not3A_467 : vector<512x1xi1>
    %broadcast_in_dim3A_469 = vector.shape_cast %not3A_468 : vector<512x1xi1> to vector<512x1xi1>
    %broadcast_in_dim3A_470 = vector.broadcast %broadcast_in_dim3A_469 : vector<512x1xi1> to vector<512x128xi1>
    %select_n3A_471 = arith.select %broadcast_in_dim3A_470, %max3A_458, %min3A_459 : vector<512x128xi1>, vector<512x128xf32>
    %iota3A_472 = tpu.iota {dimensions = array<i32: 0>} : vector<512x1xi32>
    %and3A_473 = arith.constant 8 : i32
    %and3A_474 = vector.broadcast %and3A_473 : i32 to vector<512x1xi32>
    %and3A_475 = arith.andi %iota3A_472, %and3A_474 : vector<512x1xi32>
    %ne3A_476 = arith.constant 0 : i32
    %ne3A_477 = vector.broadcast %ne3A_476 : i32 to vector<512x1xi32>
    %ne3A_478 = arith.cmpi ne, %and3A_475, %ne3A_477 : vector<512x1xi32>
    %roll3A_479 = arith.constant 504 : i32
    %roll3A_480 = tpu.dynamic_rotate %select_n3A_471 by %roll3A_479 dim 0 : vector<512x128xf32>, i32 -> vector<512x128xf32>
    %roll3A_481 = arith.constant 8 : i32
    %roll3A_482 = tpu.dynamic_rotate %select_n3A_471 by %roll3A_481 dim 0 : vector<512x128xf32>, i32 -> vector<512x128xf32>
    %broadcast_in_dim3A_483 = vector.shape_cast %ne3A_478 : vector<512x1xi1> to vector<512x1xi1>
    %broadcast_in_dim3A_484 = vector.broadcast %broadcast_in_dim3A_483 : vector<512x1xi1> to vector<512x128xi1>
    %select_n3A_485 = arith.select %broadcast_in_dim3A_484, %roll3A_482, %roll3A_480 : vector<512x128xi1>, vector<512x128xf32>
    %max3A_486 = arith.maximumf %select_n3A_471, %select_n3A_485 : vector<512x128xf32>
    %min3A_487 = arith.minimumf %select_n3A_471, %select_n3A_485 : vector<512x128xf32>
    %and3A_488 = arith.constant 64 : i32
    %and3A_489 = vector.broadcast %and3A_488 : i32 to vector<512x1xi32>
    %and3A_490 = arith.andi %iota3A_472, %and3A_489 : vector<512x1xi32>
    %ne3A_491 = arith.constant 0 : i32
    %ne3A_492 = vector.broadcast %ne3A_491 : i32 to vector<512x1xi32>
    %ne3A_493 = arith.cmpi ne, %and3A_490, %ne3A_492 : vector<512x1xi32>
    %ne3A_494 = arith.xori %ne3A_478, %ne3A_493 : vector<512x1xi1>
    %not3A_495 = arith.constant dense<true> : vector<512x1xi1>
    %not3A_496 = arith.xori %ne3A_494, %not3A_495 : vector<512x1xi1>
    %broadcast_in_dim3A_497 = vector.shape_cast %not3A_496 : vector<512x1xi1> to vector<512x1xi1>
    %broadcast_in_dim3A_498 = vector.broadcast %broadcast_in_dim3A_497 : vector<512x1xi1> to vector<512x128xi1>
    %select_n3A_499 = arith.select %broadcast_in_dim3A_498, %max3A_486, %min3A_487 : vector<512x128xi1>, vector<512x128xf32>
    %iota3A_500 = tpu.iota {dimensions = array<i32: 0>} : vector<512x1xi32>
    %and3A_501 = arith.constant 4 : i32
    %and3A_502 = vector.broadcast %and3A_501 : i32 to vector<512x1xi32>
    %and3A_503 = arith.andi %iota3A_500, %and3A_502 : vector<512x1xi32>
    %ne3A_504 = arith.constant 0 : i32
    %ne3A_505 = vector.broadcast %ne3A_504 : i32 to vector<512x1xi32>
    %ne3A_506 = arith.cmpi ne, %and3A_503, %ne3A_505 : vector<512x1xi32>
    %roll3A_507 = arith.constant 508 : i32
    %roll3A_508 = tpu.dynamic_rotate %select_n3A_499 by %roll3A_507 dim 0 : vector<512x128xf32>, i32 -> vector<512x128xf32>
    %roll3A_509 = arith.constant 4 : i32
    %roll3A_510 = tpu.dynamic_rotate %select_n3A_499 by %roll3A_509 dim 0 : vector<512x128xf32>, i32 -> vector<512x128xf32>
    %broadcast_in_dim3A_511 = vector.shape_cast %ne3A_506 : vector<512x1xi1> to vector<512x1xi1>
    %broadcast_in_dim3A_512 = vector.broadcast %broadcast_in_dim3A_511 : vector<512x1xi1> to vector<512x128xi1>
    %select_n3A_513 = arith.select %broadcast_in_dim3A_512, %roll3A_510, %roll3A_508 : vector<512x128xi1>, vector<512x128xf32>
    %max3A_514 = arith.maximumf %select_n3A_499, %select_n3A_513 : vector<512x128xf32>
    %min3A_515 = arith.minimumf %select_n3A_499, %select_n3A_513 : vector<512x128xf32>
    %and3A_516 = arith.constant 64 : i32
    %and3A_517 = vector.broadcast %and3A_516 : i32 to vector<512x1xi32>
    %and3A_518 = arith.andi %iota3A_500, %and3A_517 : vector<512x1xi32>
    %ne3A_519 = arith.constant 0 : i32
    %ne3A_520 = vector.broadcast %ne3A_519 : i32 to vector<512x1xi32>
    %ne3A_521 = arith.cmpi ne, %and3A_518, %ne3A_520 : vector<512x1xi32>
    %ne3A_522 = arith.xori %ne3A_506, %ne3A_521 : vector<512x1xi1>
    %not3A_523 = arith.constant dense<true> : vector<512x1xi1>
    %not3A_524 = arith.xori %ne3A_522, %not3A_523 : vector<512x1xi1>
    %broadcast_in_dim3A_525 = vector.shape_cast %not3A_524 : vector<512x1xi1> to vector<512x1xi1>
    %broadcast_in_dim3A_526 = vector.broadcast %broadcast_in_dim3A_525 : vector<512x1xi1> to vector<512x128xi1>
    %select_n3A_527 = arith.select %broadcast_in_dim3A_526, %max3A_514, %min3A_515 : vector<512x128xi1>, vector<512x128xf32>
    %iota3A_528 = tpu.iota {dimensions = array<i32: 0>} : vector<512x1xi32>
    %and3A_529 = arith.constant 2 : i32
    %and3A_530 = vector.broadcast %and3A_529 : i32 to vector<512x1xi32>
    %and3A_531 = arith.andi %iota3A_528, %and3A_530 : vector<512x1xi32>
    %ne3A_532 = arith.constant 0 : i32
    %ne3A_533 = vector.broadcast %ne3A_532 : i32 to vector<512x1xi32>
    %ne3A_534 = arith.cmpi ne, %and3A_531, %ne3A_533 : vector<512x1xi32>
    %roll3A_535 = arith.constant 510 : i32
    %roll3A_536 = tpu.dynamic_rotate %select_n3A_527 by %roll3A_535 dim 0 : vector<512x128xf32>, i32 -> vector<512x128xf32>
    %roll3A_537 = arith.constant 2 : i32
    %roll3A_538 = tpu.dynamic_rotate %select_n3A_527 by %roll3A_537 dim 0 : vector<512x128xf32>, i32 -> vector<512x128xf32>
    %broadcast_in_dim3A_539 = vector.shape_cast %ne3A_534 : vector<512x1xi1> to vector<512x1xi1>
    %broadcast_in_dim3A_540 = vector.broadcast %broadcast_in_dim3A_539 : vector<512x1xi1> to vector<512x128xi1>
    %select_n3A_541 = arith.select %broadcast_in_dim3A_540, %roll3A_538, %roll3A_536 : vector<512x128xi1>, vector<512x128xf32>
    %max3A_542 = arith.maximumf %select_n3A_527, %select_n3A_541 : vector<512x128xf32>
    %min3A_543 = arith.minimumf %select_n3A_527, %select_n3A_541 : vector<512x128xf32>
    %and3A_544 = arith.constant 64 : i32
    %and3A_545 = vector.broadcast %and3A_544 : i32 to vector<512x1xi32>
    %and3A_546 = arith.andi %iota3A_528, %and3A_545 : vector<512x1xi32>
    %ne3A_547 = arith.constant 0 : i32
    %ne3A_548 = vector.broadcast %ne3A_547 : i32 to vector<512x1xi32>
    %ne3A_549 = arith.cmpi ne, %and3A_546, %ne3A_548 : vector<512x1xi32>
    %ne3A_550 = arith.xori %ne3A_534, %ne3A_549 : vector<512x1xi1>
    %not3A_551 = arith.constant dense<true> : vector<512x1xi1>
    %not3A_552 = arith.xori %ne3A_550, %not3A_551 : vector<512x1xi1>
    %broadcast_in_dim3A_553 = vector.shape_cast %not3A_552 : vector<512x1xi1> to vector<512x1xi1>
    %broadcast_in_dim3A_554 = vector.broadcast %broadcast_in_dim3A_553 : vector<512x1xi1> to vector<512x128xi1>
    %select_n3A_555 = arith.select %broadcast_in_dim3A_554, %max3A_542, %min3A_543 : vector<512x128xi1>, vector<512x128xf32>
    %iota3A_556 = tpu.iota {dimensions = array<i32: 0>} : vector<512x1xi32>
    %and3A_557 = arith.constant 1 : i32
    %and3A_558 = vector.broadcast %and3A_557 : i32 to vector<512x1xi32>
    %and3A_559 = arith.andi %iota3A_556, %and3A_558 : vector<512x1xi32>
    %ne3A_560 = arith.constant 0 : i32
    %ne3A_561 = vector.broadcast %ne3A_560 : i32 to vector<512x1xi32>
    %ne3A_562 = arith.cmpi ne, %and3A_559, %ne3A_561 : vector<512x1xi32>
    %roll3A_563 = arith.constant 511 : i32
    %roll3A_564 = tpu.dynamic_rotate %select_n3A_555 by %roll3A_563 dim 0 : vector<512x128xf32>, i32 -> vector<512x128xf32>
    %roll3A_565 = arith.constant 1 : i32
    %roll3A_566 = tpu.dynamic_rotate %select_n3A_555 by %roll3A_565 dim 0 : vector<512x128xf32>, i32 -> vector<512x128xf32>
    %broadcast_in_dim3A_567 = vector.shape_cast %ne3A_562 : vector<512x1xi1> to vector<512x1xi1>
    %broadcast_in_dim3A_568 = vector.broadcast %broadcast_in_dim3A_567 : vector<512x1xi1> to vector<512x128xi1>
    %select_n3A_569 = arith.select %broadcast_in_dim3A_568, %roll3A_566, %roll3A_564 : vector<512x128xi1>, vector<512x128xf32>
    %max3A_570 = arith.maximumf %select_n3A_555, %select_n3A_569 : vector<512x128xf32>
    %min3A_571 = arith.minimumf %select_n3A_555, %select_n3A_569 : vector<512x128xf32>
    %and3A_572 = arith.constant 64 : i32
    %and3A_573 = vector.broadcast %and3A_572 : i32 to vector<512x1xi32>
    %and3A_574 = arith.andi %iota3A_556, %and3A_573 : vector<512x1xi32>
    %ne3A_575 = arith.constant 0 : i32
    %ne3A_576 = vector.broadcast %ne3A_575 : i32 to vector<512x1xi32>
    %ne3A_577 = arith.cmpi ne, %and3A_574, %ne3A_576 : vector<512x1xi32>
    %ne3A_578 = arith.xori %ne3A_562, %ne3A_577 : vector<512x1xi1>
    %not3A_579 = arith.constant dense<true> : vector<512x1xi1>
    %not3A_580 = arith.xori %ne3A_578, %not3A_579 : vector<512x1xi1>
    %broadcast_in_dim3A_581 = vector.shape_cast %not3A_580 : vector<512x1xi1> to vector<512x1xi1>
    %broadcast_in_dim3A_582 = vector.broadcast %broadcast_in_dim3A_581 : vector<512x1xi1> to vector<512x128xi1>
    %select_n3A_583 = arith.select %broadcast_in_dim3A_582, %max3A_570, %min3A_571 : vector<512x128xi1>, vector<512x128xf32>
    %iota3A_584 = tpu.iota {dimensions = array<i32: 0>} : vector<512x1xi32>
    %and3A_585 = arith.constant 64 : i32
    %and3A_586 = vector.broadcast %and3A_585 : i32 to vector<512x1xi32>
    %and3A_587 = arith.andi %iota3A_584, %and3A_586 : vector<512x1xi32>
    %ne3A_588 = arith.constant 0 : i32
    %ne3A_589 = vector.broadcast %ne3A_588 : i32 to vector<512x1xi32>
    %ne3A_590 = arith.cmpi ne, %and3A_587, %ne3A_589 : vector<512x1xi32>
    %roll3A_591 = arith.constant 448 : i32
    %roll3A_592 = tpu.dynamic_rotate %select_n3A_583 by %roll3A_591 dim 0 : vector<512x128xf32>, i32 -> vector<512x128xf32>
    %roll3A_593 = arith.constant 64 : i32
    %roll3A_594 = tpu.dynamic_rotate %select_n3A_583 by %roll3A_593 dim 0 : vector<512x128xf32>, i32 -> vector<512x128xf32>
    %broadcast_in_dim3A_595 = vector.shape_cast %ne3A_590 : vector<512x1xi1> to vector<512x1xi1>
    %broadcast_in_dim3A_596 = vector.broadcast %broadcast_in_dim3A_595 : vector<512x1xi1> to vector<512x128xi1>
    %select_n3A_597 = arith.select %broadcast_in_dim3A_596, %roll3A_594, %roll3A_592 : vector<512x128xi1>, vector<512x128xf32>
    %max3A_598 = arith.maximumf %select_n3A_583, %select_n3A_597 : vector<512x128xf32>
    %min3A_599 = arith.minimumf %select_n3A_583, %select_n3A_597 : vector<512x128xf32>
    %and3A_600 = arith.constant 128 : i32
    %and3A_601 = vector.broadcast %and3A_600 : i32 to vector<512x1xi32>
    %and3A_602 = arith.andi %iota3A_584, %and3A_601 : vector<512x1xi32>
    %ne3A_603 = arith.constant 0 : i32
    %ne3A_604 = vector.broadcast %ne3A_603 : i32 to vector<512x1xi32>
    %ne3A_605 = arith.cmpi ne, %and3A_602, %ne3A_604 : vector<512x1xi32>
    %ne3A_606 = arith.xori %ne3A_590, %ne3A_605 : vector<512x1xi1>
    %not3A_607 = arith.constant dense<true> : vector<512x1xi1>
    %not3A_608 = arith.xori %ne3A_606, %not3A_607 : vector<512x1xi1>
    %broadcast_in_dim3A_609 = vector.shape_cast %not3A_608 : vector<512x1xi1> to vector<512x1xi1>
    %broadcast_in_dim3A_610 = vector.broadcast %broadcast_in_dim3A_609 : vector<512x1xi1> to vector<512x128xi1>
    %select_n3A_611 = arith.select %broadcast_in_dim3A_610, %max3A_598, %min3A_599 : vector<512x128xi1>, vector<512x128xf32>
    %iota3A_612 = tpu.iota {dimensions = array<i32: 0>} : vector<512x1xi32>
    %and3A_613 = arith.constant 32 : i32
    %and3A_614 = vector.broadcast %and3A_613 : i32 to vector<512x1xi32>
    %and3A_615 = arith.andi %iota3A_612, %and3A_614 : vector<512x1xi32>
    %ne3A_616 = arith.constant 0 : i32
    %ne3A_617 = vector.broadcast %ne3A_616 : i32 to vector<512x1xi32>
    %ne3A_618 = arith.cmpi ne, %and3A_615, %ne3A_617 : vector<512x1xi32>
    %roll3A_619 = arith.constant 480 : i32
    %roll3A_620 = tpu.dynamic_rotate %select_n3A_611 by %roll3A_619 dim 0 : vector<512x128xf32>, i32 -> vector<512x128xf32>
    %roll3A_621 = arith.constant 32 : i32
    %roll3A_622 = tpu.dynamic_rotate %select_n3A_611 by %roll3A_621 dim 0 : vector<512x128xf32>, i32 -> vector<512x128xf32>
    %broadcast_in_dim3A_623 = vector.shape_cast %ne3A_618 : vector<512x1xi1> to vector<512x1xi1>
    %broadcast_in_dim3A_624 = vector.broadcast %broadcast_in_dim3A_623 : vector<512x1xi1> to vector<512x128xi1>
    %select_n3A_625 = arith.select %broadcast_in_dim3A_624, %roll3A_622, %roll3A_620 : vector<512x128xi1>, vector<512x128xf32>
    %max3A_626 = arith.maximumf %select_n3A_611, %select_n3A_625 : vector<512x128xf32>
    %min3A_627 = arith.minimumf %select_n3A_611, %select_n3A_625 : vector<512x128xf32>
    %and3A_628 = arith.constant 128 : i32
    %and3A_629 = vector.broadcast %and3A_628 : i32 to vector<512x1xi32>
    %and3A_630 = arith.andi %iota3A_612, %and3A_629 : vector<512x1xi32>
    %ne3A_631 = arith.constant 0 : i32
    %ne3A_632 = vector.broadcast %ne3A_631 : i32 to vector<512x1xi32>
    %ne3A_633 = arith.cmpi ne, %and3A_630, %ne3A_632 : vector<512x1xi32>
    %ne3A_634 = arith.xori %ne3A_618, %ne3A_633 : vector<512x1xi1>
    %not3A_635 = arith.constant dense<true> : vector<512x1xi1>
    %not3A_636 = arith.xori %ne3A_634, %not3A_635 : vector<512x1xi1>
    %broadcast_in_dim3A_637 = vector.shape_cast %not3A_636 : vector<512x1xi1> to vector<512x1xi1>
    %broadcast_in_dim3A_638 = vector.broadcast %broadcast_in_dim3A_637 : vector<512x1xi1> to vector<512x128xi1>
    %select_n3A_639 = arith.select %broadcast_in_dim3A_638, %max3A_626, %min3A_627 : vector<512x128xi1>, vector<512x128xf32>
    %iota3A_640 = tpu.iota {dimensions = array<i32: 0>} : vector<512x1xi32>
    %and3A_641 = arith.constant 16 : i32
    %and3A_642 = vector.broadcast %and3A_641 : i32 to vector<512x1xi32>
    %and3A_643 = arith.andi %iota3A_640, %and3A_642 : vector<512x1xi32>
    %ne3A_644 = arith.constant 0 : i32
    %ne3A_645 = vector.broadcast %ne3A_644 : i32 to vector<512x1xi32>
    %ne3A_646 = arith.cmpi ne, %and3A_643, %ne3A_645 : vector<512x1xi32>
    %roll3A_647 = arith.constant 496 : i32
    %roll3A_648 = tpu.dynamic_rotate %select_n3A_639 by %roll3A_647 dim 0 : vector<512x128xf32>, i32 -> vector<512x128xf32>
    %roll3A_649 = arith.constant 16 : i32
    %roll3A_650 = tpu.dynamic_rotate %select_n3A_639 by %roll3A_649 dim 0 : vector<512x128xf32>, i32 -> vector<512x128xf32>
    %broadcast_in_dim3A_651 = vector.shape_cast %ne3A_646 : vector<512x1xi1> to vector<512x1xi1>
    %broadcast_in_dim3A_652 = vector.broadcast %broadcast_in_dim3A_651 : vector<512x1xi1> to vector<512x128xi1>
    %select_n3A_653 = arith.select %broadcast_in_dim3A_652, %roll3A_650, %roll3A_648 : vector<512x128xi1>, vector<512x128xf32>
    %max3A_654 = arith.maximumf %select_n3A_639, %select_n3A_653 : vector<512x128xf32>
    %min3A_655 = arith.minimumf %select_n3A_639, %select_n3A_653 : vector<512x128xf32>
    %and3A_656 = arith.constant 128 : i32
    %and3A_657 = vector.broadcast %and3A_656 : i32 to vector<512x1xi32>
    %and3A_658 = arith.andi %iota3A_640, %and3A_657 : vector<512x1xi32>
    %ne3A_659 = arith.constant 0 : i32
    %ne3A_660 = vector.broadcast %ne3A_659 : i32 to vector<512x1xi32>
    %ne3A_661 = arith.cmpi ne, %and3A_658, %ne3A_660 : vector<512x1xi32>
    %ne3A_662 = arith.xori %ne3A_646, %ne3A_661 : vector<512x1xi1>
    %not3A_663 = arith.constant dense<true> : vector<512x1xi1>
    %not3A_664 = arith.xori %ne3A_662, %not3A_663 : vector<512x1xi1>
    %broadcast_in_dim3A_665 = vector.shape_cast %not3A_664 : vector<512x1xi1> to vector<512x1xi1>
    %broadcast_in_dim3A_666 = vector.broadcast %broadcast_in_dim3A_665 : vector<512x1xi1> to vector<512x128xi1>
    %select_n3A_667 = arith.select %broadcast_in_dim3A_666, %max3A_654, %min3A_655 : vector<512x128xi1>, vector<512x128xf32>
    %iota3A_668 = tpu.iota {dimensions = array<i32: 0>} : vector<512x1xi32>
    %and3A_669 = arith.constant 8 : i32
    %and3A_670 = vector.broadcast %and3A_669 : i32 to vector<512x1xi32>
    %and3A_671 = arith.andi %iota3A_668, %and3A_670 : vector<512x1xi32>
    %ne3A_672 = arith.constant 0 : i32
    %ne3A_673 = vector.broadcast %ne3A_672 : i32 to vector<512x1xi32>
    %ne3A_674 = arith.cmpi ne, %and3A_671, %ne3A_673 : vector<512x1xi32>
    %roll3A_675 = arith.constant 504 : i32
    %roll3A_676 = tpu.dynamic_rotate %select_n3A_667 by %roll3A_675 dim 0 : vector<512x128xf32>, i32 -> vector<512x128xf32>
    %roll3A_677 = arith.constant 8 : i32
    %roll3A_678 = tpu.dynamic_rotate %select_n3A_667 by %roll3A_677 dim 0 : vector<512x128xf32>, i32 -> vector<512x128xf32>
    %broadcast_in_dim3A_679 = vector.shape_cast %ne3A_674 : vector<512x1xi1> to vector<512x1xi1>
    %broadcast_in_dim3A_680 = vector.broadcast %broadcast_in_dim3A_679 : vector<512x1xi1> to vector<512x128xi1>
    %select_n3A_681 = arith.select %broadcast_in_dim3A_680, %roll3A_678, %roll3A_676 : vector<512x128xi1>, vector<512x128xf32>
    %max3A_682 = arith.maximumf %select_n3A_667, %select_n3A_681 : vector<512x128xf32>
    %min3A_683 = arith.minimumf %select_n3A_667, %select_n3A_681 : vector<512x128xf32>
    %and3A_684 = arith.constant 128 : i32
    %and3A_685 = vector.broadcast %and3A_684 : i32 to vector<512x1xi32>
    %and3A_686 = arith.andi %iota3A_668, %and3A_685 : vector<512x1xi32>
    %ne3A_687 = arith.constant 0 : i32
    %ne3A_688 = vector.broadcast %ne3A_687 : i32 to vector<512x1xi32>
    %ne3A_689 = arith.cmpi ne, %and3A_686, %ne3A_688 : vector<512x1xi32>
    %ne3A_690 = arith.xori %ne3A_674, %ne3A_689 : vector<512x1xi1>
    %not3A_691 = arith.constant dense<true> : vector<512x1xi1>
    %not3A_692 = arith.xori %ne3A_690, %not3A_691 : vector<512x1xi1>
    %broadcast_in_dim3A_693 = vector.shape_cast %not3A_692 : vector<512x1xi1> to vector<512x1xi1>
    %broadcast_in_dim3A_694 = vector.broadcast %broadcast_in_dim3A_693 : vector<512x1xi1> to vector<512x128xi1>
    %select_n3A_695 = arith.select %broadcast_in_dim3A_694, %max3A_682, %min3A_683 : vector<512x128xi1>, vector<512x128xf32>
    %iota3A_696 = tpu.iota {dimensions = array<i32: 0>} : vector<512x1xi32>
    %and3A_697 = arith.constant 4 : i32
    %and3A_698 = vector.broadcast %and3A_697 : i32 to vector<512x1xi32>
    %and3A_699 = arith.andi %iota3A_696, %and3A_698 : vector<512x1xi32>
    %ne3A_700 = arith.constant 0 : i32
    %ne3A_701 = vector.broadcast %ne3A_700 : i32 to vector<512x1xi32>
    %ne3A_702 = arith.cmpi ne, %and3A_699, %ne3A_701 : vector<512x1xi32>
    %roll3A_703 = arith.constant 508 : i32
    %roll3A_704 = tpu.dynamic_rotate %select_n3A_695 by %roll3A_703 dim 0 : vector<512x128xf32>, i32 -> vector<512x128xf32>
    %roll3A_705 = arith.constant 4 : i32
    %roll3A_706 = tpu.dynamic_rotate %select_n3A_695 by %roll3A_705 dim 0 : vector<512x128xf32>, i32 -> vector<512x128xf32>
    %broadcast_in_dim3A_707 = vector.shape_cast %ne3A_702 : vector<512x1xi1> to vector<512x1xi1>
    %broadcast_in_dim3A_708 = vector.broadcast %broadcast_in_dim3A_707 : vector<512x1xi1> to vector<512x128xi1>
    %select_n3A_709 = arith.select %broadcast_in_dim3A_708, %roll3A_706, %roll3A_704 : vector<512x128xi1>, vector<512x128xf32>
    %max3A_710 = arith.maximumf %select_n3A_695, %select_n3A_709 : vector<512x128xf32>
    %min3A_711 = arith.minimumf %select_n3A_695, %select_n3A_709 : vector<512x128xf32>
    %and3A_712 = arith.constant 128 : i32
    %and3A_713 = vector.broadcast %and3A_712 : i32 to vector<512x1xi32>
    %and3A_714 = arith.andi %iota3A_696, %and3A_713 : vector<512x1xi32>
    %ne3A_715 = arith.constant 0 : i32
    %ne3A_716 = vector.broadcast %ne3A_715 : i32 to vector<512x1xi32>
    %ne3A_717 = arith.cmpi ne, %and3A_714, %ne3A_716 : vector<512x1xi32>
    %ne3A_718 = arith.xori %ne3A_702, %ne3A_717 : vector<512x1xi1>
    %not3A_719 = arith.constant dense<true> : vector<512x1xi1>
    %not3A_720 = arith.xori %ne3A_718, %not3A_719 : vector<512x1xi1>
    %broadcast_in_dim3A_721 = vector.shape_cast %not3A_720 : vector<512x1xi1> to vector<512x1xi1>
    %broadcast_in_dim3A_722 = vector.broadcast %broadcast_in_dim3A_721 : vector<512x1xi1> to vector<512x128xi1>
    %select_n3A_723 = arith.select %broadcast_in_dim3A_722, %max3A_710, %min3A_711 : vector<512x128xi1>, vector<512x128xf32>
    %iota3A_724 = tpu.iota {dimensions = array<i32: 0>} : vector<512x1xi32>
    %and3A_725 = arith.constant 2 : i32
    %and3A_726 = vector.broadcast %and3A_725 : i32 to vector<512x1xi32>
    %and3A_727 = arith.andi %iota3A_724, %and3A_726 : vector<512x1xi32>
    %ne3A_728 = arith.constant 0 : i32
    %ne3A_729 = vector.broadcast %ne3A_728 : i32 to vector<512x1xi32>
    %ne3A_730 = arith.cmpi ne, %and3A_727, %ne3A_729 : vector<512x1xi32>
    %roll3A_731 = arith.constant 510 : i32
    %roll3A_732 = tpu.dynamic_rotate %select_n3A_723 by %roll3A_731 dim 0 : vector<512x128xf32>, i32 -> vector<512x128xf32>
    %roll3A_733 = arith.constant 2 : i32
    %roll3A_734 = tpu.dynamic_rotate %select_n3A_723 by %roll3A_733 dim 0 : vector<512x128xf32>, i32 -> vector<512x128xf32>
    %broadcast_in_dim3A_735 = vector.shape_cast %ne3A_730 : vector<512x1xi1> to vector<512x1xi1>
    %broadcast_in_dim3A_736 = vector.broadcast %broadcast_in_dim3A_735 : vector<512x1xi1> to vector<512x128xi1>
    %select_n3A_737 = arith.select %broadcast_in_dim3A_736, %roll3A_734, %roll3A_732 : vector<512x128xi1>, vector<512x128xf32>
    %max3A_738 = arith.maximumf %select_n3A_723, %select_n3A_737 : vector<512x128xf32>
    %min3A_739 = arith.minimumf %select_n3A_723, %select_n3A_737 : vector<512x128xf32>
    %and3A_740 = arith.constant 128 : i32
    %and3A_741 = vector.broadcast %and3A_740 : i32 to vector<512x1xi32>
    %and3A_742 = arith.andi %iota3A_724, %and3A_741 : vector<512x1xi32>
    %ne3A_743 = arith.constant 0 : i32
    %ne3A_744 = vector.broadcast %ne3A_743 : i32 to vector<512x1xi32>
    %ne3A_745 = arith.cmpi ne, %and3A_742, %ne3A_744 : vector<512x1xi32>
    %ne3A_746 = arith.xori %ne3A_730, %ne3A_745 : vector<512x1xi1>
    %not3A_747 = arith.constant dense<true> : vector<512x1xi1>
    %not3A_748 = arith.xori %ne3A_746, %not3A_747 : vector<512x1xi1>
    %broadcast_in_dim3A_749 = vector.shape_cast %not3A_748 : vector<512x1xi1> to vector<512x1xi1>
    %broadcast_in_dim3A_750 = vector.broadcast %broadcast_in_dim3A_749 : vector<512x1xi1> to vector<512x128xi1>
    %select_n3A_751 = arith.select %broadcast_in_dim3A_750, %max3A_738, %min3A_739 : vector<512x128xi1>, vector<512x128xf32>
    %iota3A_752 = tpu.iota {dimensions = array<i32: 0>} : vector<512x1xi32>
    %and3A_753 = arith.constant 1 : i32
    %and3A_754 = vector.broadcast %and3A_753 : i32 to vector<512x1xi32>
    %and3A_755 = arith.andi %iota3A_752, %and3A_754 : vector<512x1xi32>
    %ne3A_756 = arith.constant 0 : i32
    %ne3A_757 = vector.broadcast %ne3A_756 : i32 to vector<512x1xi32>
    %ne3A_758 = arith.cmpi ne, %and3A_755, %ne3A_757 : vector<512x1xi32>
    %roll3A_759 = arith.constant 511 : i32
    %roll3A_760 = tpu.dynamic_rotate %select_n3A_751 by %roll3A_759 dim 0 : vector<512x128xf32>, i32 -> vector<512x128xf32>
    %roll3A_761 = arith.constant 1 : i32
    %roll3A_762 = tpu.dynamic_rotate %select_n3A_751 by %roll3A_761 dim 0 : vector<512x128xf32>, i32 -> vector<512x128xf32>
    %broadcast_in_dim3A_763 = vector.shape_cast %ne3A_758 : vector<512x1xi1> to vector<512x1xi1>
    %broadcast_in_dim3A_764 = vector.broadcast %broadcast_in_dim3A_763 : vector<512x1xi1> to vector<512x128xi1>
    %select_n3A_765 = arith.select %broadcast_in_dim3A_764, %roll3A_762, %roll3A_760 : vector<512x128xi1>, vector<512x128xf32>
    %max3A_766 = arith.maximumf %select_n3A_751, %select_n3A_765 : vector<512x128xf32>
    %min3A_767 = arith.minimumf %select_n3A_751, %select_n3A_765 : vector<512x128xf32>
    %and3A_768 = arith.constant 128 : i32
    %and3A_769 = vector.broadcast %and3A_768 : i32 to vector<512x1xi32>
    %and3A_770 = arith.andi %iota3A_752, %and3A_769 : vector<512x1xi32>
    %ne3A_771 = arith.constant 0 : i32
    %ne3A_772 = vector.broadcast %ne3A_771 : i32 to vector<512x1xi32>
    %ne3A_773 = arith.cmpi ne, %and3A_770, %ne3A_772 : vector<512x1xi32>
    %ne3A_774 = arith.xori %ne3A_758, %ne3A_773 : vector<512x1xi1>
    %not3A_775 = arith.constant dense<true> : vector<512x1xi1>
    %not3A_776 = arith.xori %ne3A_774, %not3A_775 : vector<512x1xi1>
    %broadcast_in_dim3A_777 = vector.shape_cast %not3A_776 : vector<512x1xi1> to vector<512x1xi1>
    %broadcast_in_dim3A_778 = vector.broadcast %broadcast_in_dim3A_777 : vector<512x1xi1> to vector<512x128xi1>
    %select_n3A_779 = arith.select %broadcast_in_dim3A_778, %max3A_766, %min3A_767 : vector<512x128xi1>, vector<512x128xf32>
    %iota3A_780 = tpu.iota {dimensions = array<i32: 0>} : vector<512x1xi32>
    %and3A_781 = arith.constant 128 : i32
    %and3A_782 = vector.broadcast %and3A_781 : i32 to vector<512x1xi32>
    %and3A_783 = arith.andi %iota3A_780, %and3A_782 : vector<512x1xi32>
    %ne3A_784 = arith.constant 0 : i32
    %ne3A_785 = vector.broadcast %ne3A_784 : i32 to vector<512x1xi32>
    %ne3A_786 = arith.cmpi ne, %and3A_783, %ne3A_785 : vector<512x1xi32>
    %roll3A_787 = arith.constant 384 : i32
    %roll3A_788 = tpu.dynamic_rotate %select_n3A_779 by %roll3A_787 dim 0 : vector<512x128xf32>, i32 -> vector<512x128xf32>
    %roll3A_789 = arith.constant 128 : i32
    %roll3A_790 = tpu.dynamic_rotate %select_n3A_779 by %roll3A_789 dim 0 : vector<512x128xf32>, i32 -> vector<512x128xf32>
    %broadcast_in_dim3A_791 = vector.shape_cast %ne3A_786 : vector<512x1xi1> to vector<512x1xi1>
    %broadcast_in_dim3A_792 = vector.broadcast %broadcast_in_dim3A_791 : vector<512x1xi1> to vector<512x128xi1>
    %select_n3A_793 = arith.select %broadcast_in_dim3A_792, %roll3A_790, %roll3A_788 : vector<512x128xi1>, vector<512x128xf32>
    %max3A_794 = arith.maximumf %select_n3A_779, %select_n3A_793 : vector<512x128xf32>
    %min3A_795 = arith.minimumf %select_n3A_779, %select_n3A_793 : vector<512x128xf32>
    %and3A_796 = arith.constant 256 : i32
    %and3A_797 = vector.broadcast %and3A_796 : i32 to vector<512x1xi32>
    %and3A_798 = arith.andi %iota3A_780, %and3A_797 : vector<512x1xi32>
    %ne3A_799 = arith.constant 0 : i32
    %ne3A_800 = vector.broadcast %ne3A_799 : i32 to vector<512x1xi32>
    %ne3A_801 = arith.cmpi ne, %and3A_798, %ne3A_800 : vector<512x1xi32>
    %ne3A_802 = arith.xori %ne3A_786, %ne3A_801 : vector<512x1xi1>
    %not3A_803 = arith.constant dense<true> : vector<512x1xi1>
    %not3A_804 = arith.xori %ne3A_802, %not3A_803 : vector<512x1xi1>
    %broadcast_in_dim3A_805 = vector.shape_cast %not3A_804 : vector<512x1xi1> to vector<512x1xi1>
    %broadcast_in_dim3A_806 = vector.broadcast %broadcast_in_dim3A_805 : vector<512x1xi1> to vector<512x128xi1>
    %select_n3A_807 = arith.select %broadcast_in_dim3A_806, %max3A_794, %min3A_795 : vector<512x128xi1>, vector<512x128xf32>
    %iota3A_808 = tpu.iota {dimensions = array<i32: 0>} : vector<512x1xi32>
    %and3A_809 = arith.constant 64 : i32
    %and3A_810 = vector.broadcast %and3A_809 : i32 to vector<512x1xi32>
    %and3A_811 = arith.andi %iota3A_808, %and3A_810 : vector<512x1xi32>
    %ne3A_812 = arith.constant 0 : i32
    %ne3A_813 = vector.broadcast %ne3A_812 : i32 to vector<512x1xi32>
    %ne3A_814 = arith.cmpi ne, %and3A_811, %ne3A_813 : vector<512x1xi32>
    %roll3A_815 = arith.constant 448 : i32
    %roll3A_816 = tpu.dynamic_rotate %select_n3A_807 by %roll3A_815 dim 0 : vector<512x128xf32>, i32 -> vector<512x128xf32>
    %roll3A_817 = arith.constant 64 : i32
    %roll3A_818 = tpu.dynamic_rotate %select_n3A_807 by %roll3A_817 dim 0 : vector<512x128xf32>, i32 -> vector<512x128xf32>
    %broadcast_in_dim3A_819 = vector.shape_cast %ne3A_814 : vector<512x1xi1> to vector<512x1xi1>
    %broadcast_in_dim3A_820 = vector.broadcast %broadcast_in_dim3A_819 : vector<512x1xi1> to vector<512x128xi1>
    %select_n3A_821 = arith.select %broadcast_in_dim3A_820, %roll3A_818, %roll3A_816 : vector<512x128xi1>, vector<512x128xf32>
    %max3A_822 = arith.maximumf %select_n3A_807, %select_n3A_821 : vector<512x128xf32>
    %min3A_823 = arith.minimumf %select_n3A_807, %select_n3A_821 : vector<512x128xf32>
    %and3A_824 = arith.constant 256 : i32
    %and3A_825 = vector.broadcast %and3A_824 : i32 to vector<512x1xi32>
    %and3A_826 = arith.andi %iota3A_808, %and3A_825 : vector<512x1xi32>
    %ne3A_827 = arith.constant 0 : i32
    %ne3A_828 = vector.broadcast %ne3A_827 : i32 to vector<512x1xi32>
    %ne3A_829 = arith.cmpi ne, %and3A_826, %ne3A_828 : vector<512x1xi32>
    %ne3A_830 = arith.xori %ne3A_814, %ne3A_829 : vector<512x1xi1>
    %not3A_831 = arith.constant dense<true> : vector<512x1xi1>
    %not3A_832 = arith.xori %ne3A_830, %not3A_831 : vector<512x1xi1>
    %broadcast_in_dim3A_833 = vector.shape_cast %not3A_832 : vector<512x1xi1> to vector<512x1xi1>
    %broadcast_in_dim3A_834 = vector.broadcast %broadcast_in_dim3A_833 : vector<512x1xi1> to vector<512x128xi1>
    %select_n3A_835 = arith.select %broadcast_in_dim3A_834, %max3A_822, %min3A_823 : vector<512x128xi1>, vector<512x128xf32>
    %iota3A_836 = tpu.iota {dimensions = array<i32: 0>} : vector<512x1xi32>
    %and3A_837 = arith.constant 32 : i32
    %and3A_838 = vector.broadcast %and3A_837 : i32 to vector<512x1xi32>
    %and3A_839 = arith.andi %iota3A_836, %and3A_838 : vector<512x1xi32>
    %ne3A_840 = arith.constant 0 : i32
    %ne3A_841 = vector.broadcast %ne3A_840 : i32 to vector<512x1xi32>
    %ne3A_842 = arith.cmpi ne, %and3A_839, %ne3A_841 : vector<512x1xi32>
    %roll3A_843 = arith.constant 480 : i32
    %roll3A_844 = tpu.dynamic_rotate %select_n3A_835 by %roll3A_843 dim 0 : vector<512x128xf32>, i32 -> vector<512x128xf32>
    %roll3A_845 = arith.constant 32 : i32
    %roll3A_846 = tpu.dynamic_rotate %select_n3A_835 by %roll3A_845 dim 0 : vector<512x128xf32>, i32 -> vector<512x128xf32>
    %broadcast_in_dim3A_847 = vector.shape_cast %ne3A_842 : vector<512x1xi1> to vector<512x1xi1>
    %broadcast_in_dim3A_848 = vector.broadcast %broadcast_in_dim3A_847 : vector<512x1xi1> to vector<512x128xi1>
    %select_n3A_849 = arith.select %broadcast_in_dim3A_848, %roll3A_846, %roll3A_844 : vector<512x128xi1>, vector<512x128xf32>
    %max3A_850 = arith.maximumf %select_n3A_835, %select_n3A_849 : vector<512x128xf32>
    %min3A_851 = arith.minimumf %select_n3A_835, %select_n3A_849 : vector<512x128xf32>
    %and3A_852 = arith.constant 256 : i32
    %and3A_853 = vector.broadcast %and3A_852 : i32 to vector<512x1xi32>
    %and3A_854 = arith.andi %iota3A_836, %and3A_853 : vector<512x1xi32>
    %ne3A_855 = arith.constant 0 : i32
    %ne3A_856 = vector.broadcast %ne3A_855 : i32 to vector<512x1xi32>
    %ne3A_857 = arith.cmpi ne, %and3A_854, %ne3A_856 : vector<512x1xi32>
    %ne3A_858 = arith.xori %ne3A_842, %ne3A_857 : vector<512x1xi1>
    %not3A_859 = arith.constant dense<true> : vector<512x1xi1>
    %not3A_860 = arith.xori %ne3A_858, %not3A_859 : vector<512x1xi1>
    %broadcast_in_dim3A_861 = vector.shape_cast %not3A_860 : vector<512x1xi1> to vector<512x1xi1>
    %broadcast_in_dim3A_862 = vector.broadcast %broadcast_in_dim3A_861 : vector<512x1xi1> to vector<512x128xi1>
    %select_n3A_863 = arith.select %broadcast_in_dim3A_862, %max3A_850, %min3A_851 : vector<512x128xi1>, vector<512x128xf32>
    %iota3A_864 = tpu.iota {dimensions = array<i32: 0>} : vector<512x1xi32>
    %and3A_865 = arith.constant 16 : i32
    %and3A_866 = vector.broadcast %and3A_865 : i32 to vector<512x1xi32>
    %and3A_867 = arith.andi %iota3A_864, %and3A_866 : vector<512x1xi32>
    %ne3A_868 = arith.constant 0 : i32
    %ne3A_869 = vector.broadcast %ne3A_868 : i32 to vector<512x1xi32>
    %ne3A_870 = arith.cmpi ne, %and3A_867, %ne3A_869 : vector<512x1xi32>
    %roll3A_871 = arith.constant 496 : i32
    %roll3A_872 = tpu.dynamic_rotate %select_n3A_863 by %roll3A_871 dim 0 : vector<512x128xf32>, i32 -> vector<512x128xf32>
    %roll3A_873 = arith.constant 16 : i32
    %roll3A_874 = tpu.dynamic_rotate %select_n3A_863 by %roll3A_873 dim 0 : vector<512x128xf32>, i32 -> vector<512x128xf32>
    %broadcast_in_dim3A_875 = vector.shape_cast %ne3A_870 : vector<512x1xi1> to vector<512x1xi1>
    %broadcast_in_dim3A_876 = vector.broadcast %broadcast_in_dim3A_875 : vector<512x1xi1> to vector<512x128xi1>
    %select_n3A_877 = arith.select %broadcast_in_dim3A_876, %roll3A_874, %roll3A_872 : vector<512x128xi1>, vector<512x128xf32>
    %max3A_878 = arith.maximumf %select_n3A_863, %select_n3A_877 : vector<512x128xf32>
    %min3A_879 = arith.minimumf %select_n3A_863, %select_n3A_877 : vector<512x128xf32>
    %and3A_880 = arith.constant 256 : i32
    %and3A_881 = vector.broadcast %and3A_880 : i32 to vector<512x1xi32>
    %and3A_882 = arith.andi %iota3A_864, %and3A_881 : vector<512x1xi32>
    %ne3A_883 = arith.constant 0 : i32
    %ne3A_884 = vector.broadcast %ne3A_883 : i32 to vector<512x1xi32>
    %ne3A_885 = arith.cmpi ne, %and3A_882, %ne3A_884 : vector<512x1xi32>
    %ne3A_886 = arith.xori %ne3A_870, %ne3A_885 : vector<512x1xi1>
    %not3A_887 = arith.constant dense<true> : vector<512x1xi1>
    %not3A_888 = arith.xori %ne3A_886, %not3A_887 : vector<512x1xi1>
    %broadcast_in_dim3A_889 = vector.shape_cast %not3A_888 : vector<512x1xi1> to vector<512x1xi1>
    %broadcast_in_dim3A_890 = vector.broadcast %broadcast_in_dim3A_889 : vector<512x1xi1> to vector<512x128xi1>
    %select_n3A_891 = arith.select %broadcast_in_dim3A_890, %max3A_878, %min3A_879 : vector<512x128xi1>, vector<512x128xf32>
    %iota3A_892 = tpu.iota {dimensions = array<i32: 0>} : vector<512x1xi32>
    %and3A_893 = arith.constant 8 : i32
    %and3A_894 = vector.broadcast %and3A_893 : i32 to vector<512x1xi32>
    %and3A_895 = arith.andi %iota3A_892, %and3A_894 : vector<512x1xi32>
    %ne3A_896 = arith.constant 0 : i32
    %ne3A_897 = vector.broadcast %ne3A_896 : i32 to vector<512x1xi32>
    %ne3A_898 = arith.cmpi ne, %and3A_895, %ne3A_897 : vector<512x1xi32>
    %roll3A_899 = arith.constant 504 : i32
    %roll3A_900 = tpu.dynamic_rotate %select_n3A_891 by %roll3A_899 dim 0 : vector<512x128xf32>, i32 -> vector<512x128xf32>
    %roll3A_901 = arith.constant 8 : i32
    %roll3A_902 = tpu.dynamic_rotate %select_n3A_891 by %roll3A_901 dim 0 : vector<512x128xf32>, i32 -> vector<512x128xf32>
    %broadcast_in_dim3A_903 = vector.shape_cast %ne3A_898 : vector<512x1xi1> to vector<512x1xi1>
    %broadcast_in_dim3A_904 = vector.broadcast %broadcast_in_dim3A_903 : vector<512x1xi1> to vector<512x128xi1>
    %select_n3A_905 = arith.select %broadcast_in_dim3A_904, %roll3A_902, %roll3A_900 : vector<512x128xi1>, vector<512x128xf32>
    %max3A_906 = arith.maximumf %select_n3A_891, %select_n3A_905 : vector<512x128xf32>
    %min3A_907 = arith.minimumf %select_n3A_891, %select_n3A_905 : vector<512x128xf32>
    %and3A_908 = arith.constant 256 : i32
    %and3A_909 = vector.broadcast %and3A_908 : i32 to vector<512x1xi32>
    %and3A_910 = arith.andi %iota3A_892, %and3A_909 : vector<512x1xi32>
    %ne3A_911 = arith.constant 0 : i32
    %ne3A_912 = vector.broadcast %ne3A_911 : i32 to vector<512x1xi32>
    %ne3A_913 = arith.cmpi ne, %and3A_910, %ne3A_912 : vector<512x1xi32>
    %ne3A_914 = arith.xori %ne3A_898, %ne3A_913 : vector<512x1xi1>
    %not3A_915 = arith.constant dense<true> : vector<512x1xi1>
    %not3A_916 = arith.xori %ne3A_914, %not3A_915 : vector<512x1xi1>
    %broadcast_in_dim3A_917 = vector.shape_cast %not3A_916 : vector<512x1xi1> to vector<512x1xi1>
    %broadcast_in_dim3A_918 = vector.broadcast %broadcast_in_dim3A_917 : vector<512x1xi1> to vector<512x128xi1>
    %select_n3A_919 = arith.select %broadcast_in_dim3A_918, %max3A_906, %min3A_907 : vector<512x128xi1>, vector<512x128xf32>
    %iota3A_920 = tpu.iota {dimensions = array<i32: 0>} : vector<512x1xi32>
    %and3A_921 = arith.constant 4 : i32
    %and3A_922 = vector.broadcast %and3A_921 : i32 to vector<512x1xi32>
    %and3A_923 = arith.andi %iota3A_920, %and3A_922 : vector<512x1xi32>
    %ne3A_924 = arith.constant 0 : i32
    %ne3A_925 = vector.broadcast %ne3A_924 : i32 to vector<512x1xi32>
    %ne3A_926 = arith.cmpi ne, %and3A_923, %ne3A_925 : vector<512x1xi32>
    %roll3A_927 = arith.constant 508 : i32
    %roll3A_928 = tpu.dynamic_rotate %select_n3A_919 by %roll3A_927 dim 0 : vector<512x128xf32>, i32 -> vector<512x128xf32>
    %roll3A_929 = arith.constant 4 : i32
    %roll3A_930 = tpu.dynamic_rotate %select_n3A_919 by %roll3A_929 dim 0 : vector<512x128xf32>, i32 -> vector<512x128xf32>
    %broadcast_in_dim3A_931 = vector.shape_cast %ne3A_926 : vector<512x1xi1> to vector<512x1xi1>
    %broadcast_in_dim3A_932 = vector.broadcast %broadcast_in_dim3A_931 : vector<512x1xi1> to vector<512x128xi1>
    %select_n3A_933 = arith.select %broadcast_in_dim3A_932, %roll3A_930, %roll3A_928 : vector<512x128xi1>, vector<512x128xf32>
    %max3A_934 = arith.maximumf %select_n3A_919, %select_n3A_933 : vector<512x128xf32>
    %min3A_935 = arith.minimumf %select_n3A_919, %select_n3A_933 : vector<512x128xf32>
    %and3A_936 = arith.constant 256 : i32
    %and3A_937 = vector.broadcast %and3A_936 : i32 to vector<512x1xi32>
    %and3A_938 = arith.andi %iota3A_920, %and3A_937 : vector<512x1xi32>
    %ne3A_939 = arith.constant 0 : i32
    %ne3A_940 = vector.broadcast %ne3A_939 : i32 to vector<512x1xi32>
    %ne3A_941 = arith.cmpi ne, %and3A_938, %ne3A_940 : vector<512x1xi32>
    %ne3A_942 = arith.xori %ne3A_926, %ne3A_941 : vector<512x1xi1>
    %not3A_943 = arith.constant dense<true> : vector<512x1xi1>
    %not3A_944 = arith.xori %ne3A_942, %not3A_943 : vector<512x1xi1>
    %broadcast_in_dim3A_945 = vector.shape_cast %not3A_944 : vector<512x1xi1> to vector<512x1xi1>
    %broadcast_in_dim3A_946 = vector.broadcast %broadcast_in_dim3A_945 : vector<512x1xi1> to vector<512x128xi1>
    %select_n3A_947 = arith.select %broadcast_in_dim3A_946, %max3A_934, %min3A_935 : vector<512x128xi1>, vector<512x128xf32>
    %iota3A_948 = tpu.iota {dimensions = array<i32: 0>} : vector<512x1xi32>
    %and3A_949 = arith.constant 2 : i32
    %and3A_950 = vector.broadcast %and3A_949 : i32 to vector<512x1xi32>
    %and3A_951 = arith.andi %iota3A_948, %and3A_950 : vector<512x1xi32>
    %ne3A_952 = arith.constant 0 : i32
    %ne3A_953 = vector.broadcast %ne3A_952 : i32 to vector<512x1xi32>
    %ne3A_954 = arith.cmpi ne, %and3A_951, %ne3A_953 : vector<512x1xi32>
    %roll3A_955 = arith.constant 510 : i32
    %roll3A_956 = tpu.dynamic_rotate %select_n3A_947 by %roll3A_955 dim 0 : vector<512x128xf32>, i32 -> vector<512x128xf32>
    %roll3A_957 = arith.constant 2 : i32
    %roll3A_958 = tpu.dynamic_rotate %select_n3A_947 by %roll3A_957 dim 0 : vector<512x128xf32>, i32 -> vector<512x128xf32>
    %broadcast_in_dim3A_959 = vector.shape_cast %ne3A_954 : vector<512x1xi1> to vector<512x1xi1>
    %broadcast_in_dim3A_960 = vector.broadcast %broadcast_in_dim3A_959 : vector<512x1xi1> to vector<512x128xi1>
    %select_n3A_961 = arith.select %broadcast_in_dim3A_960, %roll3A_958, %roll3A_956 : vector<512x128xi1>, vector<512x128xf32>
    %max3A_962 = arith.maximumf %select_n3A_947, %select_n3A_961 : vector<512x128xf32>
    %min3A_963 = arith.minimumf %select_n3A_947, %select_n3A_961 : vector<512x128xf32>
    %and3A_964 = arith.constant 256 : i32
    %and3A_965 = vector.broadcast %and3A_964 : i32 to vector<512x1xi32>
    %and3A_966 = arith.andi %iota3A_948, %and3A_965 : vector<512x1xi32>
    %ne3A_967 = arith.constant 0 : i32
    %ne3A_968 = vector.broadcast %ne3A_967 : i32 to vector<512x1xi32>
    %ne3A_969 = arith.cmpi ne, %and3A_966, %ne3A_968 : vector<512x1xi32>
    %ne3A_970 = arith.xori %ne3A_954, %ne3A_969 : vector<512x1xi1>
    %not3A_971 = arith.constant dense<true> : vector<512x1xi1>
    %not3A_972 = arith.xori %ne3A_970, %not3A_971 : vector<512x1xi1>
    %broadcast_in_dim3A_973 = vector.shape_cast %not3A_972 : vector<512x1xi1> to vector<512x1xi1>
    %broadcast_in_dim3A_974 = vector.broadcast %broadcast_in_dim3A_973 : vector<512x1xi1> to vector<512x128xi1>
    %select_n3A_975 = arith.select %broadcast_in_dim3A_974, %max3A_962, %min3A_963 : vector<512x128xi1>, vector<512x128xf32>
    %iota3A_976 = tpu.iota {dimensions = array<i32: 0>} : vector<512x1xi32>
    %and3A_977 = arith.constant 1 : i32
    %and3A_978 = vector.broadcast %and3A_977 : i32 to vector<512x1xi32>
    %and3A_979 = arith.andi %iota3A_976, %and3A_978 : vector<512x1xi32>
    %ne3A_980 = arith.constant 0 : i32
    %ne3A_981 = vector.broadcast %ne3A_980 : i32 to vector<512x1xi32>
    %ne3A_982 = arith.cmpi ne, %and3A_979, %ne3A_981 : vector<512x1xi32>
    %roll3A_983 = arith.constant 511 : i32
    %roll3A_984 = tpu.dynamic_rotate %select_n3A_975 by %roll3A_983 dim 0 : vector<512x128xf32>, i32 -> vector<512x128xf32>
    %roll3A_985 = arith.constant 1 : i32
    %roll3A_986 = tpu.dynamic_rotate %select_n3A_975 by %roll3A_985 dim 0 : vector<512x128xf32>, i32 -> vector<512x128xf32>
    %broadcast_in_dim3A_987 = vector.shape_cast %ne3A_982 : vector<512x1xi1> to vector<512x1xi1>
    %broadcast_in_dim3A_988 = vector.broadcast %broadcast_in_dim3A_987 : vector<512x1xi1> to vector<512x128xi1>
    %select_n3A_989 = arith.select %broadcast_in_dim3A_988, %roll3A_986, %roll3A_984 : vector<512x128xi1>, vector<512x128xf32>
    %max3A_990 = arith.maximumf %select_n3A_975, %select_n3A_989 : vector<512x128xf32>
    %min3A_991 = arith.minimumf %select_n3A_975, %select_n3A_989 : vector<512x128xf32>
    %and3A_992 = arith.constant 256 : i32
    %and3A_993 = vector.broadcast %and3A_992 : i32 to vector<512x1xi32>
    %and3A_994 = arith.andi %iota3A_976, %and3A_993 : vector<512x1xi32>
    %ne3A_995 = arith.constant 0 : i32
    %ne3A_996 = vector.broadcast %ne3A_995 : i32 to vector<512x1xi32>
    %ne3A_997 = arith.cmpi ne, %and3A_994, %ne3A_996 : vector<512x1xi32>
    %ne3A_998 = arith.xori %ne3A_982, %ne3A_997 : vector<512x1xi1>
    %not3A_999 = arith.constant dense<true> : vector<512x1xi1>
    %not3A_1000 = arith.xori %ne3A_998, %not3A_999 : vector<512x1xi1>
    %broadcast_in_dim3A_1001 = vector.shape_cast %not3A_1000 : vector<512x1xi1> to vector<512x1xi1>
    %broadcast_in_dim3A_1002 = vector.broadcast %broadcast_in_dim3A_1001 : vector<512x1xi1> to vector<512x128xi1>
    %select_n3A_1003 = arith.select %broadcast_in_dim3A_1002, %max3A_990, %min3A_991 : vector<512x128xi1>, vector<512x128xf32>
    %iota3A_1004 = tpu.iota {dimensions = array<i32: 0>} : vector<512x1xi32>
    %and3A_1005 = arith.constant 256 : i32
    %and3A_1006 = vector.broadcast %and3A_1005 : i32 to vector<512x1xi32>
    %and3A_1007 = arith.andi %iota3A_1004, %and3A_1006 : vector<512x1xi32>
    %ne3A_1008 = arith.constant 0 : i32
    %ne3A_1009 = vector.broadcast %ne3A_1008 : i32 to vector<512x1xi32>
    %ne3A_1010 = arith.cmpi ne, %and3A_1007, %ne3A_1009 : vector<512x1xi32>
    %roll3A_1011 = arith.constant 256 : i32
    %roll3A_1012 = tpu.dynamic_rotate %select_n3A_1003 by %roll3A_1011 dim 0 : vector<512x128xf32>, i32 -> vector<512x128xf32>
    %roll3A_1013 = arith.constant 256 : i32
    %roll3A_1014 = tpu.dynamic_rotate %select_n3A_1003 by %roll3A_1013 dim 0 : vector<512x128xf32>, i32 -> vector<512x128xf32>
    %broadcast_in_dim3A_1015 = vector.shape_cast %ne3A_1010 : vector<512x1xi1> to vector<512x1xi1>
    %broadcast_in_dim3A_1016 = vector.broadcast %broadcast_in_dim3A_1015 : vector<512x1xi1> to vector<512x128xi1>
    %select_n3A_1017 = arith.select %broadcast_in_dim3A_1016, %roll3A_1014, %roll3A_1012 : vector<512x128xi1>, vector<512x128xf32>
    %max3A_1018 = arith.maximumf %select_n3A_1003, %select_n3A_1017 : vector<512x128xf32>
    %min3A_1019 = arith.minimumf %select_n3A_1003, %select_n3A_1017 : vector<512x128xf32>
    %and3A_1020 = arith.constant 512 : i32
    %and3A_1021 = vector.broadcast %and3A_1020 : i32 to vector<512x1xi32>
    %and3A_1022 = arith.andi %iota3A_1004, %and3A_1021 : vector<512x1xi32>
    %ne3A_1023 = arith.constant 0 : i32
    %ne3A_1024 = vector.broadcast %ne3A_1023 : i32 to vector<512x1xi32>
    %ne3A_1025 = arith.cmpi ne, %and3A_1022, %ne3A_1024 : vector<512x1xi32>
    %ne3A_1026 = arith.xori %ne3A_1010, %ne3A_1025 : vector<512x1xi1>
    %not3A_1027 = arith.constant dense<true> : vector<512x1xi1>
    %not3A_1028 = arith.xori %ne3A_1026, %not3A_1027 : vector<512x1xi1>
    %broadcast_in_dim3A_1029 = vector.shape_cast %not3A_1028 : vector<512x1xi1> to vector<512x1xi1>
    %broadcast_in_dim3A_1030 = vector.broadcast %broadcast_in_dim3A_1029 : vector<512x1xi1> to vector<512x128xi1>
    %select_n3A_1031 = arith.select %broadcast_in_dim3A_1030, %max3A_1018, %min3A_1019 : vector<512x128xi1>, vector<512x128xf32>
    %iota3A_1032 = tpu.iota {dimensions = array<i32: 0>} : vector<512x1xi32>
    %and3A_1033 = arith.constant 128 : i32
    %and3A_1034 = vector.broadcast %and3A_1033 : i32 to vector<512x1xi32>
    %and3A_1035 = arith.andi %iota3A_1032, %and3A_1034 : vector<512x1xi32>
    %ne3A_1036 = arith.constant 0 : i32
    %ne3A_1037 = vector.broadcast %ne3A_1036 : i32 to vector<512x1xi32>
    %ne3A_1038 = arith.cmpi ne, %and3A_1035, %ne3A_1037 : vector<512x1xi32>
    %roll3A_1039 = arith.constant 384 : i32
    %roll3A_1040 = tpu.dynamic_rotate %select_n3A_1031 by %roll3A_1039 dim 0 : vector<512x128xf32>, i32 -> vector<512x128xf32>
    %roll3A_1041 = arith.constant 128 : i32
    %roll3A_1042 = tpu.dynamic_rotate %select_n3A_1031 by %roll3A_1041 dim 0 : vector<512x128xf32>, i32 -> vector<512x128xf32>
    %broadcast_in_dim3A_1043 = vector.shape_cast %ne3A_1038 : vector<512x1xi1> to vector<512x1xi1>
    %broadcast_in_dim3A_1044 = vector.broadcast %broadcast_in_dim3A_1043 : vector<512x1xi1> to vector<512x128xi1>
    %select_n3A_1045 = arith.select %broadcast_in_dim3A_1044, %roll3A_1042, %roll3A_1040 : vector<512x128xi1>, vector<512x128xf32>
    %max3A_1046 = arith.maximumf %select_n3A_1031, %select_n3A_1045 : vector<512x128xf32>
    %min3A_1047 = arith.minimumf %select_n3A_1031, %select_n3A_1045 : vector<512x128xf32>
    %and3A_1048 = arith.constant 512 : i32
    %and3A_1049 = vector.broadcast %and3A_1048 : i32 to vector<512x1xi32>
    %and3A_1050 = arith.andi %iota3A_1032, %and3A_1049 : vector<512x1xi32>
    %ne3A_1051 = arith.constant 0 : i32
    %ne3A_1052 = vector.broadcast %ne3A_1051 : i32 to vector<512x1xi32>
    %ne3A_1053 = arith.cmpi ne, %and3A_1050, %ne3A_1052 : vector<512x1xi32>
    %ne3A_1054 = arith.xori %ne3A_1038, %ne3A_1053 : vector<512x1xi1>
    %not3A_1055 = arith.constant dense<true> : vector<512x1xi1>
    %not3A_1056 = arith.xori %ne3A_1054, %not3A_1055 : vector<512x1xi1>
    %broadcast_in_dim3A_1057 = vector.shape_cast %not3A_1056 : vector<512x1xi1> to vector<512x1xi1>
    %broadcast_in_dim3A_1058 = vector.broadcast %broadcast_in_dim3A_1057 : vector<512x1xi1> to vector<512x128xi1>
    %select_n3A_1059 = arith.select %broadcast_in_dim3A_1058, %max3A_1046, %min3A_1047 : vector<512x128xi1>, vector<512x128xf32>
    %iota3A_1060 = tpu.iota {dimensions = array<i32: 0>} : vector<512x1xi32>
    %and3A_1061 = arith.constant 64 : i32
    %and3A_1062 = vector.broadcast %and3A_1061 : i32 to vector<512x1xi32>
    %and3A_1063 = arith.andi %iota3A_1060, %and3A_1062 : vector<512x1xi32>
    %ne3A_1064 = arith.constant 0 : i32
    %ne3A_1065 = vector.broadcast %ne3A_1064 : i32 to vector<512x1xi32>
    %ne3A_1066 = arith.cmpi ne, %and3A_1063, %ne3A_1065 : vector<512x1xi32>
    %roll3A_1067 = arith.constant 448 : i32
    %roll3A_1068 = tpu.dynamic_rotate %select_n3A_1059 by %roll3A_1067 dim 0 : vector<512x128xf32>, i32 -> vector<512x128xf32>
    %roll3A_1069 = arith.constant 64 : i32
    %roll3A_1070 = tpu.dynamic_rotate %select_n3A_1059 by %roll3A_1069 dim 0 : vector<512x128xf32>, i32 -> vector<512x128xf32>
    %broadcast_in_dim3A_1071 = vector.shape_cast %ne3A_1066 : vector<512x1xi1> to vector<512x1xi1>
    %broadcast_in_dim3A_1072 = vector.broadcast %broadcast_in_dim3A_1071 : vector<512x1xi1> to vector<512x128xi1>
    %select_n3A_1073 = arith.select %broadcast_in_dim3A_1072, %roll3A_1070, %roll3A_1068 : vector<512x128xi1>, vector<512x128xf32>
    %max3A_1074 = arith.maximumf %select_n3A_1059, %select_n3A_1073 : vector<512x128xf32>
    %min3A_1075 = arith.minimumf %select_n3A_1059, %select_n3A_1073 : vector<512x128xf32>
    %and3A_1076 = arith.constant 512 : i32
    %and3A_1077 = vector.broadcast %and3A_1076 : i32 to vector<512x1xi32>
    %and3A_1078 = arith.andi %iota3A_1060, %and3A_1077 : vector<512x1xi32>
    %ne3A_1079 = arith.constant 0 : i32
    %ne3A_1080 = vector.broadcast %ne3A_1079 : i32 to vector<512x1xi32>
    %ne3A_1081 = arith.cmpi ne, %and3A_1078, %ne3A_1080 : vector<512x1xi32>
    %ne3A_1082 = arith.xori %ne3A_1066, %ne3A_1081 : vector<512x1xi1>
    %not3A_1083 = arith.constant dense<true> : vector<512x1xi1>
    %not3A_1084 = arith.xori %ne3A_1082, %not3A_1083 : vector<512x1xi1>
    %broadcast_in_dim3A_1085 = vector.shape_cast %not3A_1084 : vector<512x1xi1> to vector<512x1xi1>
    %broadcast_in_dim3A_1086 = vector.broadcast %broadcast_in_dim3A_1085 : vector<512x1xi1> to vector<512x128xi1>
    %select_n3A_1087 = arith.select %broadcast_in_dim3A_1086, %max3A_1074, %min3A_1075 : vector<512x128xi1>, vector<512x128xf32>
    %iota3A_1088 = tpu.iota {dimensions = array<i32: 0>} : vector<512x1xi32>
    %and3A_1089 = arith.constant 32 : i32
    %and3A_1090 = vector.broadcast %and3A_1089 : i32 to vector<512x1xi32>
    %and3A_1091 = arith.andi %iota3A_1088, %and3A_1090 : vector<512x1xi32>
    %ne3A_1092 = arith.constant 0 : i32
    %ne3A_1093 = vector.broadcast %ne3A_1092 : i32 to vector<512x1xi32>
    %ne3A_1094 = arith.cmpi ne, %and3A_1091, %ne3A_1093 : vector<512x1xi32>
    %roll3A_1095 = arith.constant 480 : i32
    %roll3A_1096 = tpu.dynamic_rotate %select_n3A_1087 by %roll3A_1095 dim 0 : vector<512x128xf32>, i32 -> vector<512x128xf32>
    %roll3A_1097 = arith.constant 32 : i32
    %roll3A_1098 = tpu.dynamic_rotate %select_n3A_1087 by %roll3A_1097 dim 0 : vector<512x128xf32>, i32 -> vector<512x128xf32>
    %broadcast_in_dim3A_1099 = vector.shape_cast %ne3A_1094 : vector<512x1xi1> to vector<512x1xi1>
    %broadcast_in_dim3A_1100 = vector.broadcast %broadcast_in_dim3A_1099 : vector<512x1xi1> to vector<512x128xi1>
    %select_n3A_1101 = arith.select %broadcast_in_dim3A_1100, %roll3A_1098, %roll3A_1096 : vector<512x128xi1>, vector<512x128xf32>
    %max3A_1102 = arith.maximumf %select_n3A_1087, %select_n3A_1101 : vector<512x128xf32>
    %min3A_1103 = arith.minimumf %select_n3A_1087, %select_n3A_1101 : vector<512x128xf32>
    %and3A_1104 = arith.constant 512 : i32
    %and3A_1105 = vector.broadcast %and3A_1104 : i32 to vector<512x1xi32>
    %and3A_1106 = arith.andi %iota3A_1088, %and3A_1105 : vector<512x1xi32>
    %ne3A_1107 = arith.constant 0 : i32
    %ne3A_1108 = vector.broadcast %ne3A_1107 : i32 to vector<512x1xi32>
    %ne3A_1109 = arith.cmpi ne, %and3A_1106, %ne3A_1108 : vector<512x1xi32>
    %ne3A_1110 = arith.xori %ne3A_1094, %ne3A_1109 : vector<512x1xi1>
    %not3A_1111 = arith.constant dense<true> : vector<512x1xi1>
    %not3A_1112 = arith.xori %ne3A_1110, %not3A_1111 : vector<512x1xi1>
    %broadcast_in_dim3A_1113 = vector.shape_cast %not3A_1112 : vector<512x1xi1> to vector<512x1xi1>
    %broadcast_in_dim3A_1114 = vector.broadcast %broadcast_in_dim3A_1113 : vector<512x1xi1> to vector<512x128xi1>
    %select_n3A_1115 = arith.select %broadcast_in_dim3A_1114, %max3A_1102, %min3A_1103 : vector<512x128xi1>, vector<512x128xf32>
    %iota3A_1116 = tpu.iota {dimensions = array<i32: 0>} : vector<512x1xi32>
    %and3A_1117 = arith.constant 16 : i32
    %and3A_1118 = vector.broadcast %and3A_1117 : i32 to vector<512x1xi32>
    %and3A_1119 = arith.andi %iota3A_1116, %and3A_1118 : vector<512x1xi32>
    %ne3A_1120 = arith.constant 0 : i32
    %ne3A_1121 = vector.broadcast %ne3A_1120 : i32 to vector<512x1xi32>
    %ne3A_1122 = arith.cmpi ne, %and3A_1119, %ne3A_1121 : vector<512x1xi32>
    %roll3A_1123 = arith.constant 496 : i32
    %roll3A_1124 = tpu.dynamic_rotate %select_n3A_1115 by %roll3A_1123 dim 0 : vector<512x128xf32>, i32 -> vector<512x128xf32>
    %roll3A_1125 = arith.constant 16 : i32
    %roll3A_1126 = tpu.dynamic_rotate %select_n3A_1115 by %roll3A_1125 dim 0 : vector<512x128xf32>, i32 -> vector<512x128xf32>
    %broadcast_in_dim3A_1127 = vector.shape_cast %ne3A_1122 : vector<512x1xi1> to vector<512x1xi1>
    %broadcast_in_dim3A_1128 = vector.broadcast %broadcast_in_dim3A_1127 : vector<512x1xi1> to vector<512x128xi1>
    %select_n3A_1129 = arith.select %broadcast_in_dim3A_1128, %roll3A_1126, %roll3A_1124 : vector<512x128xi1>, vector<512x128xf32>
    %max3A_1130 = arith.maximumf %select_n3A_1115, %select_n3A_1129 : vector<512x128xf32>
    %min3A_1131 = arith.minimumf %select_n3A_1115, %select_n3A_1129 : vector<512x128xf32>
    %and3A_1132 = arith.constant 512 : i32
    %and3A_1133 = vector.broadcast %and3A_1132 : i32 to vector<512x1xi32>
    %and3A_1134 = arith.andi %iota3A_1116, %and3A_1133 : vector<512x1xi32>
    %ne3A_1135 = arith.constant 0 : i32
    %ne3A_1136 = vector.broadcast %ne3A_1135 : i32 to vector<512x1xi32>
    %ne3A_1137 = arith.cmpi ne, %and3A_1134, %ne3A_1136 : vector<512x1xi32>
    %ne3A_1138 = arith.xori %ne3A_1122, %ne3A_1137 : vector<512x1xi1>
    %not3A_1139 = arith.constant dense<true> : vector<512x1xi1>
    %not3A_1140 = arith.xori %ne3A_1138, %not3A_1139 : vector<512x1xi1>
    %broadcast_in_dim3A_1141 = vector.shape_cast %not3A_1140 : vector<512x1xi1> to vector<512x1xi1>
    %broadcast_in_dim3A_1142 = vector.broadcast %broadcast_in_dim3A_1141 : vector<512x1xi1> to vector<512x128xi1>
    %select_n3A_1143 = arith.select %broadcast_in_dim3A_1142, %max3A_1130, %min3A_1131 : vector<512x128xi1>, vector<512x128xf32>
    %iota3A_1144 = tpu.iota {dimensions = array<i32: 0>} : vector<512x1xi32>
    %and3A_1145 = arith.constant 8 : i32
    %and3A_1146 = vector.broadcast %and3A_1145 : i32 to vector<512x1xi32>
    %and3A_1147 = arith.andi %iota3A_1144, %and3A_1146 : vector<512x1xi32>
    %ne3A_1148 = arith.constant 0 : i32
    %ne3A_1149 = vector.broadcast %ne3A_1148 : i32 to vector<512x1xi32>
    %ne3A_1150 = arith.cmpi ne, %and3A_1147, %ne3A_1149 : vector<512x1xi32>
    %roll3A_1151 = arith.constant 504 : i32
    %roll3A_1152 = tpu.dynamic_rotate %select_n3A_1143 by %roll3A_1151 dim 0 : vector<512x128xf32>, i32 -> vector<512x128xf32>
    %roll3A_1153 = arith.constant 8 : i32
    %roll3A_1154 = tpu.dynamic_rotate %select_n3A_1143 by %roll3A_1153 dim 0 : vector<512x128xf32>, i32 -> vector<512x128xf32>
    %broadcast_in_dim3A_1155 = vector.shape_cast %ne3A_1150 : vector<512x1xi1> to vector<512x1xi1>
    %broadcast_in_dim3A_1156 = vector.broadcast %broadcast_in_dim3A_1155 : vector<512x1xi1> to vector<512x128xi1>
    %select_n3A_1157 = arith.select %broadcast_in_dim3A_1156, %roll3A_1154, %roll3A_1152 : vector<512x128xi1>, vector<512x128xf32>
    %max3A_1158 = arith.maximumf %select_n3A_1143, %select_n3A_1157 : vector<512x128xf32>
    %min3A_1159 = arith.minimumf %select_n3A_1143, %select_n3A_1157 : vector<512x128xf32>
    %and3A_1160 = arith.constant 512 : i32
    %and3A_1161 = vector.broadcast %and3A_1160 : i32 to vector<512x1xi32>
    %and3A_1162 = arith.andi %iota3A_1144, %and3A_1161 : vector<512x1xi32>
    %ne3A_1163 = arith.constant 0 : i32
    %ne3A_1164 = vector.broadcast %ne3A_1163 : i32 to vector<512x1xi32>
    %ne3A_1165 = arith.cmpi ne, %and3A_1162, %ne3A_1164 : vector<512x1xi32>
    %ne3A_1166 = arith.xori %ne3A_1150, %ne3A_1165 : vector<512x1xi1>
    %not3A_1167 = arith.constant dense<true> : vector<512x1xi1>
    %not3A_1168 = arith.xori %ne3A_1166, %not3A_1167 : vector<512x1xi1>
    %broadcast_in_dim3A_1169 = vector.shape_cast %not3A_1168 : vector<512x1xi1> to vector<512x1xi1>
    %broadcast_in_dim3A_1170 = vector.broadcast %broadcast_in_dim3A_1169 : vector<512x1xi1> to vector<512x128xi1>
    %select_n3A_1171 = arith.select %broadcast_in_dim3A_1170, %max3A_1158, %min3A_1159 : vector<512x128xi1>, vector<512x128xf32>
    %iota3A_1172 = tpu.iota {dimensions = array<i32: 0>} : vector<512x1xi32>
    %and3A_1173 = arith.constant 4 : i32
    %and3A_1174 = vector.broadcast %and3A_1173 : i32 to vector<512x1xi32>
    %and3A_1175 = arith.andi %iota3A_1172, %and3A_1174 : vector<512x1xi32>
    %ne3A_1176 = arith.constant 0 : i32
    %ne3A_1177 = vector.broadcast %ne3A_1176 : i32 to vector<512x1xi32>
    %ne3A_1178 = arith.cmpi ne, %and3A_1175, %ne3A_1177 : vector<512x1xi32>
    %roll3A_1179 = arith.constant 508 : i32
    %roll3A_1180 = tpu.dynamic_rotate %select_n3A_1171 by %roll3A_1179 dim 0 : vector<512x128xf32>, i32 -> vector<512x128xf32>
    %roll3A_1181 = arith.constant 4 : i32
    %roll3A_1182 = tpu.dynamic_rotate %select_n3A_1171 by %roll3A_1181 dim 0 : vector<512x128xf32>, i32 -> vector<512x128xf32>
    %broadcast_in_dim3A_1183 = vector.shape_cast %ne3A_1178 : vector<512x1xi1> to vector<512x1xi1>
    %broadcast_in_dim3A_1184 = vector.broadcast %broadcast_in_dim3A_1183 : vector<512x1xi1> to vector<512x128xi1>
    %select_n3A_1185 = arith.select %broadcast_in_dim3A_1184, %roll3A_1182, %roll3A_1180 : vector<512x128xi1>, vector<512x128xf32>
    %max3A_1186 = arith.maximumf %select_n3A_1171, %select_n3A_1185 : vector<512x128xf32>
    %min3A_1187 = arith.minimumf %select_n3A_1171, %select_n3A_1185 : vector<512x128xf32>
    %and3A_1188 = arith.constant 512 : i32
    %and3A_1189 = vector.broadcast %and3A_1188 : i32 to vector<512x1xi32>
    %and3A_1190 = arith.andi %iota3A_1172, %and3A_1189 : vector<512x1xi32>
    %ne3A_1191 = arith.constant 0 : i32
    %ne3A_1192 = vector.broadcast %ne3A_1191 : i32 to vector<512x1xi32>
    %ne3A_1193 = arith.cmpi ne, %and3A_1190, %ne3A_1192 : vector<512x1xi32>
    %ne3A_1194 = arith.xori %ne3A_1178, %ne3A_1193 : vector<512x1xi1>
    %not3A_1195 = arith.constant dense<true> : vector<512x1xi1>
    %not3A_1196 = arith.xori %ne3A_1194, %not3A_1195 : vector<512x1xi1>
    %broadcast_in_dim3A_1197 = vector.shape_cast %not3A_1196 : vector<512x1xi1> to vector<512x1xi1>
    %broadcast_in_dim3A_1198 = vector.broadcast %broadcast_in_dim3A_1197 : vector<512x1xi1> to vector<512x128xi1>
    %select_n3A_1199 = arith.select %broadcast_in_dim3A_1198, %max3A_1186, %min3A_1187 : vector<512x128xi1>, vector<512x128xf32>
    %iota3A_1200 = tpu.iota {dimensions = array<i32: 0>} : vector<512x1xi32>
    %and3A_1201 = arith.constant 2 : i32
    %and3A_1202 = vector.broadcast %and3A_1201 : i32 to vector<512x1xi32>
    %and3A_1203 = arith.andi %iota3A_1200, %and3A_1202 : vector<512x1xi32>
    %ne3A_1204 = arith.constant 0 : i32
    %ne3A_1205 = vector.broadcast %ne3A_1204 : i32 to vector<512x1xi32>
    %ne3A_1206 = arith.cmpi ne, %and3A_1203, %ne3A_1205 : vector<512x1xi32>
    %roll3A_1207 = arith.constant 510 : i32
    %roll3A_1208 = tpu.dynamic_rotate %select_n3A_1199 by %roll3A_1207 dim 0 : vector<512x128xf32>, i32 -> vector<512x128xf32>
    %roll3A_1209 = arith.constant 2 : i32
    %roll3A_1210 = tpu.dynamic_rotate %select_n3A_1199 by %roll3A_1209 dim 0 : vector<512x128xf32>, i32 -> vector<512x128xf32>
    %broadcast_in_dim3A_1211 = vector.shape_cast %ne3A_1206 : vector<512x1xi1> to vector<512x1xi1>
    %broadcast_in_dim3A_1212 = vector.broadcast %broadcast_in_dim3A_1211 : vector<512x1xi1> to vector<512x128xi1>
    %select_n3A_1213 = arith.select %broadcast_in_dim3A_1212, %roll3A_1210, %roll3A_1208 : vector<512x128xi1>, vector<512x128xf32>
    %max3A_1214 = arith.maximumf %select_n3A_1199, %select_n3A_1213 : vector<512x128xf32>
    %min3A_1215 = arith.minimumf %select_n3A_1199, %select_n3A_1213 : vector<512x128xf32>
    %and3A_1216 = arith.constant 512 : i32
    %and3A_1217 = vector.broadcast %and3A_1216 : i32 to vector<512x1xi32>
    %and3A_1218 = arith.andi %iota3A_1200, %and3A_1217 : vector<512x1xi32>
    %ne3A_1219 = arith.constant 0 : i32
    %ne3A_1220 = vector.broadcast %ne3A_1219 : i32 to vector<512x1xi32>
    %ne3A_1221 = arith.cmpi ne, %and3A_1218, %ne3A_1220 : vector<512x1xi32>
    %ne3A_1222 = arith.xori %ne3A_1206, %ne3A_1221 : vector<512x1xi1>
    %not3A_1223 = arith.constant dense<true> : vector<512x1xi1>
    %not3A_1224 = arith.xori %ne3A_1222, %not3A_1223 : vector<512x1xi1>
    %broadcast_in_dim3A_1225 = vector.shape_cast %not3A_1224 : vector<512x1xi1> to vector<512x1xi1>
    %broadcast_in_dim3A_1226 = vector.broadcast %broadcast_in_dim3A_1225 : vector<512x1xi1> to vector<512x128xi1>
    %select_n3A_1227 = arith.select %broadcast_in_dim3A_1226, %max3A_1214, %min3A_1215 : vector<512x128xi1>, vector<512x128xf32>
    %iota3A_1228 = tpu.iota {dimensions = array<i32: 0>} : vector<512x1xi32>
    %and3A_1229 = arith.constant 1 : i32
    %and3A_1230 = vector.broadcast %and3A_1229 : i32 to vector<512x1xi32>
    %and3A_1231 = arith.andi %iota3A_1228, %and3A_1230 : vector<512x1xi32>
    %ne3A_1232 = arith.constant 0 : i32
    %ne3A_1233 = vector.broadcast %ne3A_1232 : i32 to vector<512x1xi32>
    %ne3A_1234 = arith.cmpi ne, %and3A_1231, %ne3A_1233 : vector<512x1xi32>
    %roll3A_1235 = arith.constant 511 : i32
    %roll3A_1236 = tpu.dynamic_rotate %select_n3A_1227 by %roll3A_1235 dim 0 : vector<512x128xf32>, i32 -> vector<512x128xf32>
    %roll3A_1237 = arith.constant 1 : i32
    %roll3A_1238 = tpu.dynamic_rotate %select_n3A_1227 by %roll3A_1237 dim 0 : vector<512x128xf32>, i32 -> vector<512x128xf32>
    %broadcast_in_dim3A_1239 = vector.shape_cast %ne3A_1234 : vector<512x1xi1> to vector<512x1xi1>
    %broadcast_in_dim3A_1240 = vector.broadcast %broadcast_in_dim3A_1239 : vector<512x1xi1> to vector<512x128xi1>
    %select_n3A_1241 = arith.select %broadcast_in_dim3A_1240, %roll3A_1238, %roll3A_1236 : vector<512x128xi1>, vector<512x128xf32>
    %max3A_1242 = arith.maximumf %select_n3A_1227, %select_n3A_1241 : vector<512x128xf32>
    %min3A_1243 = arith.minimumf %select_n3A_1227, %select_n3A_1241 : vector<512x128xf32>
    %and3A_1244 = arith.constant 512 : i32
    %and3A_1245 = vector.broadcast %and3A_1244 : i32 to vector<512x1xi32>
    %and3A_1246 = arith.andi %iota3A_1228, %and3A_1245 : vector<512x1xi32>
    %ne3A_1247 = arith.constant 0 : i32
    %ne3A_1248 = vector.broadcast %ne3A_1247 : i32 to vector<512x1xi32>
    %ne3A_1249 = arith.cmpi ne, %and3A_1246, %ne3A_1248 : vector<512x1xi32>
    %ne3A_1250 = arith.xori %ne3A_1234, %ne3A_1249 : vector<512x1xi1>
    %not3A_1251 = arith.constant dense<true> : vector<512x1xi1>
    %not3A_1252 = arith.xori %ne3A_1250, %not3A_1251 : vector<512x1xi1>
    %broadcast_in_dim3A_1253 = vector.shape_cast %not3A_1252 : vector<512x1xi1> to vector<512x1xi1>
    %broadcast_in_dim3A_1254 = vector.broadcast %broadcast_in_dim3A_1253 : vector<512x1xi1> to vector<512x128xi1>
    %select_n3A_1255 = arith.select %broadcast_in_dim3A_1254, %max3A_1242, %min3A_1243 : vector<512x128xi1>, vector<512x128xf32>
    %slice3A_1256 = vector.extract_strided_slice %select_n3A_1255 {offsets = [0, 0], sizes = [512, 64], strides = [1, 1]} : vector<512x128xf32> to vector<512x64xf32>
    %swap3A = arith.constant 0 : index
    %swap3A_1257 = arith.constant 0 : index
    %swap3A_1258 = arith.constant 0 : index
    %swap3A_1259 = vector.load %arg2[%swap3A, %swap3A_1257, %swap3A_1258] : memref<2x512x64xf32, #tpu.memory_space<vmem>>, vector<1x512x64xf32>
    %swap3A_1260 = vector.shape_cast %swap3A_1259 : vector<1x512x64xf32> to vector<512x64xf32>
    %swap3A_1261 = vector.shape_cast %slice3A_1256 : vector<512x64xf32> to vector<1x512x64xf32>
    tpu.vector_store %arg2[%swap3A, %swap3A_1257, %swap3A_1258], %swap3A_1261 {strides = array<i32>} : memref<2x512x64xf32, #tpu.memory_space<vmem>>, vector<1x512x64xf32>,
    %slice3A_1262 = vector.extract_strided_slice %select_n3A_1255 {offsets = [0, 64], sizes = [512, 64], strides = [1, 1]} : vector<512x128xf32> to vector<512x64xf32>
    %swap3A_1263 = arith.constant 1 : index
    %swap3A_1264 = arith.constant 0 : index
    %swap3A_1265 = arith.constant 0 : index
    %swap3A_1266 = vector.load %arg2[%swap3A_1263, %swap3A_1264, %swap3A_1265] : memref<2x512x64xf32, #tpu.memory_space<vmem>>, vector<1x512x64xf32>
    %swap3A_1267 = vector.shape_cast %swap3A_1266 : vector<1x512x64xf32> to vector<512x64xf32>
    %swap3A_1268 = vector.shape_cast %slice3A_1262 : vector<512x64xf32> to vector<1x512x64xf32>
    tpu.vector_store %arg2[%swap3A_1263, %swap3A_1264, %swap3A_1265], %swap3A_1268 {strides = array<i32>} : memref<2x512x64xf32, #tpu.memory_space<vmem>>, vector<1x512x64xf32>,
    return
  }
  func.func @transform_0(%arg0: i32) -> (i32, i32, i32) {
    %c0_i32 = arith.constant 0 : i32
    %c0_i32_0 = arith.constant 0 : i32
    %c0_i32_1 = arith.constant 0 : i32
    return %arg0, %c0_i32, %c0_i32_0 : i32, i32, i32
  }
  func.func @transform_1(%arg0: i32) -> (i32, i32, i32) {
    %c0_i32 = arith.constant 0 : i32
    %c0_i32_0 = arith.constant 0 : i32
    %c0_i32_1 = arith.constant 0 : i32
    return %arg0, %c0_i32, %c0_i32_0 : i32, i32, i32
  }
}

</mosaic_0001>

<sc_bundles>
// kernel: kernel.5.cloned.1.call-start
scs
__scs_entry_jumppad:
0x0: {  	(pc) =	sbr.rel $0x88, $3  }
0x1: {  	(tag) =	ssettag $0x0;
	lr =	simm.s32 $0x1  }
0x2: {  	[smem:$0x3FA0] =	sst lr;
	_ =	strace $0xD0000000  }
0x3: {  	_ = 	snop  }
0x4: {  	_ = 	snop  }
0x5: {  	_ = 	snop  }
0x6: {  	_ = 	snop  }
0x7: {  	_ = 	snop  }
__scs_overlays_trampoline_lowered:
0x8: {  	[smem:$0x3FAF] =	sst s0  }
0x9: {  	[smem:$0x3FB0] =	sst s1  }
0xa: {  	[smem:$0x3FB1] =	sst s2  }
0xb: {  	[smem:$0x3FB2] =	sst s3  }
0xc: {  	[smem:$0x3FB3] =	sst s4  }
0xd: {  	[smem:$0x3FB4] =	sst s5  }
0xe: {  	[smem:$0x3FB5] =	sst s6  }
0xf: {  	[smem:$0x3FB6] =	sst s7  }
0x10: {  	[smem:$0x3FB7] =	sst s8  }
0x11: {  	[smem:$0x3FB8] =	sst s9;
	s0 =	simm.s32 @!p0 $0x0  }
0x12: {  	s1 =	sld [smem:$0x3F9E];
	s0 =	simm.s32 @p0 $0x1  }
0x13: {  	[smem:$0x3FB9] =	sst s0;
	s0 =	simm.s32 @!p1 $0x0  }
0x14: {  	s2 =	sld [smem:$0x3F9D];
	s0 =	simm.s32 @p1 $0x1  }
0x15: {  	[smem:$0x3FBA] =	sst s0;
	s0 =	simm.s32 @!p2 $0x0  }
0x16: {  	s3 =	sld [smem:$0x3FDB];
	s0 =	simm.s32 @p2 $0x1  }
0x17: {  	s4 =	simm.s32 $0x1BF5;
	[smem:$0x3FBC] =	sst s0  }
0x18: {  	s0 =	sld [smem:$0x3F9F];
	_ =	swait.ge [sflag:s4], $0x0  }
0x19: {  	s7 =	sld [smem:$0x3FA0]  }
0x1a: {  	s8 =	sadd.s32 $0xFFFFE003, lr  }
0x1b: {  	s9 =	sadd.s32 $0xFFFFFEF7, lr;
	s5 =	simm.s32 $0xFFFFFFFF;
	p2 =	slt.u32 s8, $0xFFFFF086  }
0x1c: {  	p1 =	slt.u32 s9, $0xF7A;
	s5 =	simm.s32 @!p2 $0x0  }
0x1d: {  	s5 =	simm.s32 @p1 $0x1;
	p0 =	seq.s32 s7, s2  }
0x1e: {  	s7 =	smul.u32 @!p0 $0xF7A, s2;
	p2 =	seq.s32 @!p0 s5, $0x0  }
0x1f: {  	s9 =	smul.u32 $0xF7A, s1;
	s8 =	simm.s32 @!p0 $0x1BF5;
	p2 =	por !p2, p0  }
0x20: {  	[sflag:s8] =	ssyncset.s32 @!p0 $0xFFFFF086;
	s6 =	sadd.s32 @!p0 s3, s7;
	s7 =	simm.s32 @!p0 $0x108  }
0x21: {  	s3 =	sadd.s32 s3, s9;
	s6 =	sadd.s32 @!p0 $0x88, s6;
	s7 =	simm.s32 @p2 $0x1082  }
0x22: {  	[simem:s7], [sflag:s8] =	dma.local @!p0 [hbm:s6], $0xF7A  }
0x23: {  	s9 =	sor.u32 $0xD0000000, s2;
	s6 =	simm.s32 $0x108;
	_ =	swait.ge @!p0 [sflag:s8], $0x0  }
0x24: {  	s3 =	sadd.s32 $0x88, s3;
	s6 =	simm.s32 @!p1 $0x1082;
	[sflag:s4] =	ssyncset.s32 $0xFFFFF086  }
0x25: {  	[simem:s6], [sflag:s4] =	dma.local [hbm:s3], $0xF7A  }
0x26: {  	[smem:$0x3FA0] =	sst s1;
	(tag) =	ssettag s2;
	_ =	strace s9  }
0x27: {  	s1 =	sld [smem:$0x3FB0]  }
0x28: {  	s2 =	sld [smem:$0x3FB1]  }
0x29: {  	s4 =	sld [smem:$0x3FB3]  }
0x2a: {  	p0 =	seq.s32 s5, $0x0;
	s5 =	sld [smem:$0x3FB4]  }
0x2b: {  	s6 =	sld [smem:$0x3FB5]  }
0x2c: {  	s7 =	sld [smem:$0x3FB6]  }
0x2d: {  	s3 =	simm.s32 $0x108;
	s8 =	sld [smem:$0x3FB7]  }
0x2e: {  	s3 =	simm.s32 @!p0 $0x1082;
	s9 =	sld [smem:$0x3FB8]  }
0x2f: {  	lr =	sadd.s32 s0, s3;
	s0 =	sld [smem:$0x3FAF]  }
0x30: {  	s3 =	sld [smem:$0x3FB2]  }
0x31: {  	[smem:$0x3FBB] =	sst s10  }
0x32: {  	s10 =	sld [smem:$0x3FB9];
	_ =	sdelay $0x3  }
0x33: {  	p0 =	seq.s32 s10, $0x1;
	s10 =	sld [smem:$0x3FBB];
	_ =	sdelay $0x3  }
0x34: {  	[smem:$0x3FBB] =	sst s10  }
0x35: {  	s10 =	sld [smem:$0x3FBA];
	_ =	sdelay $0x3  }
0x36: {  	p1 =	seq.s32 s10, $0x1;
	s10 =	sld [smem:$0x3FBB];
	_ =	sdelay $0x3  }
0x37: {  	[smem:$0x3FBB] =	sst s10  }
0x38: {  	s10 =	sld [smem:$0x3FBC]  }
0x39: {  	_ = 	snop;
	(pc) =	sbr.ind lr, $3  }
0x3a: {  	_ = 	snop  }
0x3b: {  	_ = 	snop  }
0x3c: {  	p2 =	seq.s32 s10, $0x1;
	s10 =	sld [smem:$0x3FBB]  }
0x3d: {  	_ =	shalt  }
0x3e: {  	_ =	shalt  }
0x3f: {  	_ =	shalt  }
0x40: {  	_ =	shalt  }
0x41: {  	_ =	shalt  }
0x42: {  	_ =	shalt  }
0x43: {  	_ =	shalt  }
0x44: {  	_ =	shalt  }
0x45: {  	_ =	shalt  }
0x46: {  	_ =	shalt  }
0x47: {  	_ =	shalt  }
0x48: {  	_ =	shalt  }
0x49: {  	_ =	shalt  }
0x4a: {  	_ =	shalt  }
0x4b: {  	_ =	shalt  }
0x4c: {  	_ =	shalt  }
0x4d: {  	_ =	shalt  }
0x4e: {  	_ =	shalt  }
0x4f: {  	_ =	shalt  }
0x50: {  	_ =	shalt  }
0x51: {  	_ =	shalt  }
0x52: {  	_ =	shalt  }
0x53: {  	_ =	shalt  }
0x54: {  	_ =	shalt  }
0x55: {  	_ =	shalt  }
0x56: {  	_ =	shalt  }
0x57: {  	_ =	shalt  }
0x58: {  	_ =	shalt  }
0x59: {  	_ =	shalt  }
0x5a: {  	_ =	shalt  }
0x5b: {  	_ =	shalt  }
0x5c: {  	_ =	shalt  }
0x5d: {  	_ =	shalt  }
0x5e: {  	_ =	shalt  }
0x5f: {  	_ =	shalt  }
0x60: {  	_ =	shalt  }
0x61: {  	_ =	shalt  }
0x62: {  	_ =	shalt  }
0x63: {  	_ =	shalt  }
0x64: {  	_ =	shalt  }
0x65: {  	_ =	shalt  }
0x66: {  	_ =	shalt  }
0x67: {  	_ =	shalt  }
0x68: {  	_ =	shalt  }
0x69: {  	_ =	shalt  }
0x6a: {  	_ =	shalt  }
0x6b: {  	_ =	shalt  }
0x6c: {  	_ =	shalt  }
0x6d: {  	_ =	shalt  }
0x6e: {  	_ =	shalt  }
0x6f: {  	_ =	shalt  }
0x70: {  	_ =	shalt  }
0x71: {  	_ =	shalt  }
0x72: {  	_ =	shalt  }
0x73: {  	_ =	shalt  }
0x74: {  	_ =	shalt  }
0x75: {  	_ =	shalt  }
0x76: {  	_ =	shalt  }
0x77: {  	_ =	shalt  }
0x78: {  	_ =	shalt  }
0x79: {  	_ =	shalt  }
0x7a: {  	_ =	shalt  }
0x7b: {  	_ =	shalt  }
0x7c: {  	_ =	shalt  }
0x7d: {  	_ =	shalt  }
0x7e: {  	_ =	shalt  }
0x7f: {  	_ =	shalt  }
0x80: {  	_ =	shalt  }
0x81: {  	_ =	shalt  }
0x82: {  	_ =	shalt  }
0x83: {  	_ =	shalt  }
0x84: {  	_ =	shalt  }
0x85: {  	_ =	shalt  }
0x86: {  	_ =	shalt  }
0x87: {  	_ =	shalt  }
.Lfunc_end0:
.L_simem_size_0:
called_computation_lowered:
.L_overlay_start_0:
0x88: {  	s2 =	sld [smem:$0x3FD9]  }
0x89: {  	s3 =	sld [smem:$0x3FFE];
	_ =	sdelay $0x1  }
0x8a: {  	s1 =	srdreg.scid  }
0x8b: {  	s0 =	sand.u32 $0x1, s1  }
0x8c: {  	s17 =	sshll.u32 s0, $0xA;
	s2 =	sadd.s32 s3, s2  }
0x8d: {  	s2 =	sadd.s32 s2, s17  }
0x8e: {  	[smem:$0x3FC7] =	sst s2  }
0x8f: {  	_ = 	snop  }
0x90: {  	s2 =	sld [smem:$0x3FD0];
	(tm) =	ssettm $0x1  }
0x91: {  	s18 =	sld [smem:$0x3FFB];
	_ =	sdelay $0x3  }
0x92: {  	_ =	strace s18  }
0x93: {  	s3 =	sld [smem:$0x3FFC];
	_ =	sdelay $0x3  }
0x94: {  	_ =	strace s3  }
0x95: {  	s3 =	sld [smem:$0x3FFD];
	_ =	sdelay $0x3  }
0x96: {  	_ =	strace s3  }
0x97: {  	_ =	strace $0x8FFFFFFF  }
0x98: {  	s19 =	sld [smem:$0x3FDB];
	_ =	sdelay $0x1  }
0x99: {  	s4 =	simm.s32 $_scs_section_size  }
0x9a: {  	s5 =	simm.s32 $_size__tile_overlayer_lowered;
	s6 =	simm.s32 $_tile_overlayer_lowered  }
0x9b: {  	s22 =	simm.s32 $0x1BFF;
	s21 =	sshll.u32 s6, $0x1;
	s3 =	sadd.s32 s4, s19  }
0x9c: {  	s7 =	simm.s32 $0x0;
	s20 =	sshll.u32 s5, $0x1;
	s5 =	sadd.s32 s21, s3  }
0x9d: {  	[timem:s7], [sflag:s22] =	dma.local [hbm:s5], s20  }
0x9e: {  	_ =	swait.ge [sflag:s22], s20  }
0x9f: {  	s4 =	ssub.s32 $0x0, s20;
	[sflag:s22] =	ssyncset.done $0x0  }
0xa0: {  	[sflag:s22] =	ssyncadd.s32 s4;
	_ =	sdelay $0x1  }
0xa1: {  	s23 =	simm.s32 $0x1B8B  }
0xa2: {  	_ =	swait.ge [sflag:s23], $0x1  }
0xa3: {  	[sflag:s23] =	ssyncset.done $0x0  }
0xa4: {  	s25 =	simm.s32 $0x1B8E;
	s24 =	sld [smem:$0x3FFE];
	[sflag:s23] =	ssyncadd.s32 $0xFFFFFFFF  }
0xa5: {  	s26 =	simm.s32 $execute0_lowered;
	[smem:$0x3FD2] =	sst s25  }
0xa6: {  	s5 =	sshll.u32 s26, $0x1;
	_ =	strace $0x80000046;
	[dreg:$0x1] =	wrdreg $0xFFFFFFFF  }
0xa7: {  	s28 =	simm.s32 $_size_execute0_lowered;
	s3 =	sadd.s32 s3, s5;
	[dreg:$0x0] =	wrdreg $0x0  }
0xa8: {  	s5 =	sshll.u32 s28, $0x1;
	[dreg:$0x2] =	wrdreg s3  }
0xa9: {  	[dreg:$0x3] =	wrdreg s5  }
0xaa: {  	[dreg:$0x4] =	wrdreg $0xC0  }
0xab: {  	_ =	task [dreg:s7], $0x5FFFF  }
0xac: {  	[dreg:$0x1] =	wrdreg $0xFFFFFFFF  }
0xad: {  	[dreg:$0x0] =	wrdreg $0x60  }
0xae: {  	[dreg:$0x2] =	wrdreg s24  }
0xaf: {  	[dreg:$0x3] =	wrdreg s2  }
0xb0: {  	[dreg:$0x4] =	wrdreg $0x9  }
0xb1: {  	_ =	task.clear_ibuf [dreg:s7], $0x5FFFF;
	_ =	strace $0x90000046  }
0xb2: {  	s29 =	simm.s32 $0x9;
	_ =	strace $0x80000048  }
0xb3: {  	_ =	swait.ge [sflag:s29], $0x1  }
0xb4: {  	[sflag:s29] =	ssyncadd.s32 $0xFFFFFFFF  }
0xb5: {  	_ =	strace $0x90000048  }
0xb6: {  	_ =	sfence  }
0xb7: {  	s30 =	sld [smem:$0x0];
	_ =	sdelay $0x2  }
0xb8: {  	s31 =	sshll.u32 s1, $0xD;
	s1 =	sshrl.u32 s1, $0x2  }
0xb9: {  	s3 =	sand.u32 $0x4000, s31;
	s1 =	sadd.s32 s1, s30  }
0xba: {  	s0 =	sor.u32 s3, s0;
	s1 =	sshll.u32 s1, $0x11  }
0xbb: {  	s0 =	sor.u32 s1, s0  }
0xbc: {  	s0 =	sadd.s32 $0x8F2B, s0  }
0xbd: {  	[sflag:s0] =	ssyncadd.remote.s32 $0x1  }
0xbe: {  	_ =	sfence.sel $0xFFFF  }
0xbf: {  	[dreg:$0x0] =	wrdreg $0xFFFFFFFF;
	(pc) =	sbr.abs _section_cstart, $3  }
0xc0: {  	[dreg:$0x1] =	wrdreg $0xFFFFFFFF  }
0xc1: {  	_ =	task.clear_ibuf [dreg:s7], $0x2FFFF;
	_ =	strace $0x9FFFFFFF  }
0xc2: {  	(tm) =	ssettm $0x7FFFFFFF  }
0xc3: {  	_ =	shalt  }
tec
execute0_lowered:
.L_overlay_start_1:
0x0: {  	(tag) =	ssettag $0x1  }
0x1: {  	s3 =	rddreg [dreg:$0x0]  }
0x2: {  	s5 =	rddreg [dreg:$0x1]  }
0x3: {  	s0 =	rddreg [dreg:$0x2]  }
0x4: {  	s2 =	simm.s32 $0x0;
	s4 =	srdreg.scid;
	s1 =	stileid.u32  }
0x5: {  	[smem:$0x7FF] =	sst s2;
	s4 =	sand.u32 $0x1, s4;
	s6 =	sshll.u32 s1, $0x1  }
0x6: {  	s10 =	simm.s32 $0x0;
	_ =	strace $0x80000047;
	s6 =	sor.u32 s4, s6  }
0x7: {  	s4 =	ssub.s32 $0x2, s4;
	s7 =	sshll.u32 s6, $0x13;
	s8 =	sshll.u32 s6, $0x7  }
0x8: {  	s9 =	sshrl.u32 s4, $0x1;
	s6 =	sshll.u32 s6, $0xC;
	s7 =	sadd.s32 s7, s3  }
0x9: {  	s3 =	sadd.s32 s8, s3;
	s31 =	ssub.s32 s4, s9;
	s5 =	sadd.s32 s5, s6  }
0xa: {  	v0 =	vlaneseq.u32;
	v1 =	vimm.s32 $0x0;
	s8 =	simm.s32 $0x1;
	s9 =	simm.s32 $0x10000;
	s3 =	sadd.s32 $0x1000600, s3  }
0xb: {  	v2 =	vor.u32 $0x2000, v0;
	v3 =	vor.u32 $0x4000, v0;
	v4 =	vor.u32 $0x6000, v0;
	s4 =	sadd.s32 $0x600, s7;
	s6 =	smax.u32 s31, $0x1;
	s7 =	simm.s32 $0x18000  }
.LBB2_1:
0xc: {  	[tilespmem:s7], [sflag:$0x1] =	stream.linear.gather [hbm4b:s3+s2], $0x400, $0x38;
	[tilespmem:$0x18400] =	vst v63  }
0xd: {  	_ =	swait.ge [sflag:s8], $0x400  }
0xe: {  	[sflag:s8] =	ssyncset.done $0x0  }
0xf: {  	[sflag:s8] =	ssyncadd.s32 $0xFFFFFC00  }
0x10: {  	v5 =	vld [tilespmem:$0x18000]  }
0x11: {  	v6 =	vld [tilespmem:$0x18010]  }
0x12: {  	v7 =	vld [tilespmem:$0x18020]  }
0x13: {  	s11 =	simm.s32 $0x10000;
	s12 =	simm.s32 $0x0;
	v8 =	vld [tilespmem:$0x18030]  }
.LBB2_2:
0x14: {  	p0 =	sne.s32 s12, $0x1FF0  }
.Ltmp0:
0x15: {  	_ = 	snop;
	(pc) =	sbr.rel @p0 .LBB2_2-.Ltmp0, $4  }
0x16: {  	[tilespmem:s11+$0x0] =	vst v5;
	s13 =	sand.u32 $0x1FF0, s12  }
0x17: {  	[tilespmem:s13+$0x12000] =	vst v6  }
0x18: {  	[tilespmem:s13+$0x14000] =	vst v7  }
0x19: {  	s11 =	sadd.s32 $0x10, s11;
	s12 =	sadd.s32 $0x10, s12;
	[tilespmem:s13+$0x16000] =	vst v8  }
0x1a: {  	v9 =	vimm.s32 $0x0  }
0x1b: {  	s11 =	simm.s32 $0x0;
	v10 =	vimm.s32 $0x0;
	v11 =	vimm.s32 $0x0;
	v12 =	vimm.s32 $0x0;
	s12 =	simm.s32 $0x0  }
.LBB2_4:
0x1c: {  	s13 =	sshll.u32 s12, $0xD  }
0x1d: {  	s13 =	sadd.s32 s13, s4  }
0x1e: {  	[tilespmem:s11], [sflag:$0x1] =	stream.linear.gather [hbm4b:s13+s11], $0x10000, $0x38;
	[tilespmem:$0x18400] =	vst v63  }
0x1f: {  	_ =	swait.ge [sflag:s8], $0x10000  }
0x20: {  	[sflag:s8] =	ssyncset.done $0x0  }
0x21: {  	s13 =	simm.s32 $0x0;
	[sflag:s8] =	ssyncadd.s32 $0xFFFF0000  }
.LBB2_5:
0x22: {  	s14 =	sshra.s32 s13, $0x2  }
0x23: {  	v13 =	vld [tilespmem:s14+$0x0];
	_ =	sdelay $0x4  }
0x24: {  	v14 =	vshll.u32 v12, $0x4;
	vm0 =	vgt.f32 v13, v5  }
0x25: {  	v14 =	vor.u32 v0, v14;
	_ =	sdelay $0x4  }
0x26: {  	[tilespmem:v14+s9+$0x0] =	vst.idx.msk vm0, v13  }
0x27: {  	v13 =	vld [tilespmem:s14+$0x10];
	_ =	sdelay $0x4  }
0x28: {  	v14 =	vshll.u32 v11, $0x4;
	vm1 =	vgt.f32 v13, v6  }
0x29: {  	v14 =	vadd.s32 v2, v14;
	_ =	sdelay $0x4  }
0x2a: {  	[tilespmem:v14+s9+$0x0] =	vst.idx.msk vm1, v13  }
0x2b: {  	v13 =	vld [tilespmem:s14+$0x20];
	_ =	sdelay $0x4  }
0x2c: {  	v14 =	vshll.u32 v10, $0x4;
	vm2 =	vgt.f32 v13, v7  }
0x2d: {  	v14 =	vadd.s32 v3, v14;
	_ =	sdelay $0x4  }
0x2e: {  	[tilespmem:v14+s9+$0x0] =	vst.idx.msk vm2, v13  }
0x2f: {  	v13 =	vld [tilespmem:s14+$0x30];
	_ =	sdelay $0x4  }
0x30: {  	v14 =	vshll.u32 v9, $0x4;
	vm3 =	vgt.f32 v13, v8  }
0x31: {  	v14 =	vadd.s32 v4, v14  }
0x32: {  	p0 =	sne.s32 s13, $0x3FE00  }
.Ltmp1:
0x33: {  	_ = 	snop;
	(pc) =	sbr.rel @p0 .LBB2_5-.Ltmp1, $4  }
0x34: {  	v15 =	vsel vm0, $0x1, v1  }
0x35: {  	v12 =	vadd.s32 v15, v12  }
0x36: {  	v16 =	vsel vm1, $0x1, v1;
	v17 =	vsel vm2, $0x1, v1;
	[tilespmem:v14+s9+$0x0] =	vst.idx.msk vm3, v13;
	v13 =	vsel vm3, $0x1, v1  }
0x37: {  	s13 =	sadd.s32 $0x200, s13;
	v11 =	vadd.s32 v16, v11;
	v10 =	vadd.s32 v17, v10;
	v9 =	vadd.s32 v13, v9  }
0x38: {  	s12 =	sadd.s32 $0x1, s12  }
0x39: {  	p0 =	sne.s32 s12, $0x40  }
.Ltmp2:
0x3a: {  	_ = 	snop;
	(pc) =	sbr.rel @p0 .LBB2_4-.Ltmp2, $1  }
0x3b: {  	_ =	sdelay $0x3  }
0x3c: {  	s10 =	sadd.s32 $0x1, s10  }
0x3d: {  	p0 =	sne.s32 s10, s6  }
.Ltmp3:
0x3e: {  	_ = 	snop;
	(pc) =	sbr.rel @p0 .LBB2_1-.Ltmp3, $4  }
0x3f: {  	[hbm4b:s5+s2] =	stream.linear.scatter [tilespmem:s9], [sflag:$0x1], $0x8000, $0x38;
	[tilespmem:$0x18400] =	vst v63  }
0x40: {  	_ =	swait.ge [sflag:s8], $0x8000  }
0x41: {  	[sflag:s8] =	ssyncset.done $0x0  }
0x42: {  	[sflag:s8] =	ssyncadd.s32 $0xFFFF8000  }
0x43: {  	_ =	sfence.sel $0x180000  }
0x44: {  	[bflag:$0x0] =	sbarrier.arrive $0xFFFF  }
0x45: {  	p0 =	sne.s32 s1, $0x0;
	_ =	strace $0x90000047  }
0x46: {  	s0 =	sadd.s32 @!p0 $0x100000, s0;
	[bflag:$0x2] =	sbarrier.arrive $0xFFFF  }
0x47: {  	[sflag:s0] =	ssyncadd.tile.s32 @!p0 $0x1;
	_ =	shalt  }
.Lfunc_end2:
_tile_overlayer_lowered:
.L_overlay_start_2:
0x48: {  	(tag) =	ssettag $0x2  }
0x49: {  	s0 =	rddreg [dreg:$0x0];
	s2 =	stileid.u32  }
0x4a: {  	s1 =	rddreg [dreg:$0x1];
	p0 =	sne.s32 s2, $0x0  }
0x4b: {  	s3 =	rddreg [dreg:$0x2];
	[bflag:$0x3] =	sbarrier.arrive $0xFFFF;
	s2 =	simm.s32 @!p0 $0x1C01  }
0x4c: {  	[timem:s3], [sflag:s2] =	dma.local @!p0 [hbm:s0], s1  }
0x4d: {  	s0 =	simm.s32 @!p0 $0x1  }
0x4e: {  	_ =	swait.ge @!p0 [sflag:s0], s1  }
0x4f: {  	s1 =	ssub.s32 @!p0 $0x0, s1;
	[sflag:s0] =	ssyncset.done @!p0 $0x0  }
0x50: {  	[sflag:s0] =	ssyncadd.s32 @!p0 s1  }
0x51: {  	[bflag:$0x3] =	sbarrier.arrive $0xFFFF  }
0x52: {  	_ =	shalt  }

</sc_bundles>
